<compile_context>
chip_gen: v7x
topology: tpu7x:2x2x1
jax: 0.10.2.dev20260603
libtpu: 0.0.44.dev20260713+nightly
codegen_flags: <defaults>
</compile_context>

<pallas_src>
import functools

import jax
import jax.numpy as jnp
from jax import lax
from jax.experimental import pallas as pl
from jax.experimental.pallas import tpu as pltpu
from jax.experimental.pallas import tpu_sc as plsc

N_NODES = 10000
N_HEDGES = 10000
E = 320000
IN_CH = 128
HID = 256
NUM_CLASSES = 64

NC = 2
NS = 16
NW = NC * NS

CHUNK = 128
NCH = -(-E // (NW * CHUNK))
EPT = NCH * CHUNK
EP = EPT * NW
R = 10240
PAD_ROW = N_NODES
RPT = R // NS


def _make_stage(count_deg: bool):
  mesh = plsc.VectorSubcoreMesh(core_axis_name="c", subcore_axis_name="s")
  out_type = jax.ShapeDtypeStruct((NC, R, 128), jnp.float32)
  if count_deg:
    out_type = (out_type,) + (jax.ShapeDtypeStruct((NC, R), jnp.float32),) * 2
  scratch = [
      pltpu.VMEM((NCH, CHUNK), jnp.int32),
      pltpu.VMEM((NCH, CHUNK), jnp.int32),
      pltpu.VMEM((CHUNK, 128), jnp.float32),
      pltpu.VMEM_SHARED((R, 128), jnp.float32),
      pltpu.SemaphoreType.DMA,
  ]
  if count_deg:
    scratch += [pltpu.VMEM((CHUNK,), jnp.float32),
                pltpu.VMEM_SHARED((R,), jnp.float32),
                pltpu.VMEM_SHARED((R,), jnp.float32)]

  def body(gidx_hbm, sidx_hbm, table_hbm, zeros_hbm, *rest):
    if count_deg:
      (ones_hbm, zeros1_hbm, out_hbm, dp_hbm, bp_hbm,
       gidx_v, sidx_v, rows_v, acc, sem, ones_v, dacc, bacc) = rest
    else:
      out_hbm, gidx_v, sidx_v, rows_v, acc, sem = rest
    c = lax.axis_index("c")
    s = lax.axis_index("s")
    wid = s * NC + c
    row0 = s * RPT

    pltpu.sync_copy(gidx_hbm.at[wid], gidx_v)
    pltpu.sync_copy(sidx_hbm.at[wid], sidx_v)
    pltpu.sync_copy(zeros_hbm.at[pl.ds(row0, RPT)], acc.at[pl.ds(row0, RPT)])
    if count_deg:
      pltpu.sync_copy(ones_hbm, ones_v)
      pltpu.sync_copy(zeros1_hbm.at[pl.ds(row0, RPT)], dacc.at[pl.ds(row0, RPT)])
      pltpu.sync_copy(zeros1_hbm.at[pl.ds(row0, RPT)], bacc.at[pl.ds(row0, RPT)])

    plsc.subcore_barrier()

    def eb(j, _):
      pltpu.async_copy(table_hbm.at[gidx_v.at[j]], rows_v, sem).wait()
      pltpu.sync_copy(rows_v, acc.at[sidx_v.at[j]], add=True)
      if count_deg:
        pltpu.sync_copy(ones_v, dacc.at[gidx_v.at[j]], add=True)
        pltpu.sync_copy(ones_v, bacc.at[sidx_v.at[j]], add=True)
      return 0
    lax.fori_loop(0, NCH, eb, 0)

    plsc.subcore_barrier()
    pltpu.sync_copy(acc.at[pl.ds(row0, RPT)], out_hbm.at[c, pl.ds(row0, RPT)])
    if count_deg:
      pltpu.sync_copy(dacc.at[pl.ds(row0, RPT)], dp_hbm.at[c, pl.ds(row0, RPT)])
      pltpu.sync_copy(bacc.at[pl.ds(row0, RPT)], bp_hbm.at[c, pl.ds(row0, RPT)])

  return pl.kernel(body, out_type=out_type, mesh=mesh, scratch_types=scratch)


_stage_deg = _make_stage(True)
_stage = _make_stage(False)

BLK = 1024


def _recip_body(bp_ref, dp_ref, binv_ref, dinv_ref):
  b = jnp.sum(bp_ref[...], axis=0)
  d = jnp.sum(dp_ref[...], axis=0)
  binv_ref[...] = jnp.where(b > 0, 1.0 / b, 0.0)[:, None]
  dinv_ref[...] = jnp.where(d > 0, 1.0 / d, 0.0)[:, None]


def _recip(bp, dp):
  return pl.pallas_call(
      _recip_body,
      grid=(pl.cdiv(R, BLK),),
      in_specs=[pl.BlockSpec((NC, BLK), lambda i: (0, i)),
                pl.BlockSpec((NC, BLK), lambda i: (0, i))],
      out_specs=[pl.BlockSpec((BLK, 1), lambda i: (i, 0)),
                 pl.BlockSpec((BLK, 1), lambda i: (i, 0))],
      out_shape=[jax.ShapeDtypeStruct((R, 1), jnp.float32)] * 2,
  )(bp, dp)


def _combine_body(p_ref, sc_ref, t_ref):
  t_ref[...] = (p_ref[0] + p_ref[1]) * sc_ref[...]


def _combine(p, scale):
  return pl.pallas_call(
      _combine_body,
      grid=(pl.cdiv(R, BLK),),
      in_specs=[pl.BlockSpec((NC, BLK, 128), lambda i: (0, i, 0)),
                pl.BlockSpec((BLK, 1), lambda i: (i, 0))],
      out_specs=pl.BlockSpec((BLK, 128), lambda i: (i, 0)),
      out_shape=jax.ShapeDtypeStruct((R, 128), jnp.float32),
  )(p, scale)


def _mm_relu_body(q_ref, dinv_ref, w_ref, b_ref, h_ref):
  u = (q_ref[0] + q_ref[1]) * dinv_ref[...]
  h = jnp.maximum(jnp.dot(u, w_ref[...],
                          preferred_element_type=jnp.float32) + b_ref[...], 0.0)
  h_ref[0] = h[:, :128]
  h_ref[1] = h[:, 128:]


def _mm_relu(q, dinv, w, b):
  return pl.pallas_call(
      _mm_relu_body,
      grid=(pl.cdiv(R, BLK),),
      in_specs=[pl.BlockSpec((NC, BLK, 128), lambda i: (0, i, 0)),
                pl.BlockSpec((BLK, 1), lambda i: (i, 0)),
                pl.BlockSpec((IN_CH, HID), lambda i: (0, 0)),
                pl.BlockSpec((1, HID), lambda i: (0, 0))],
      out_specs=pl.BlockSpec((NC, BLK, 128), lambda i: (0, i, 0)),
      out_shape=jax.ShapeDtypeStruct((NC, R, 128), jnp.float32),
  )(q, dinv, w, b)


def _final_body(qa_ref, qb_ref, dinv_ref, w2_ref, b2_ref, w3_ref, b3_ref, o_ref):
  dinv = dinv_ref[...]
  u = jnp.concatenate([(qa_ref[0] + qa_ref[1]) * dinv,
                       (qb_ref[0] + qb_ref[1]) * dinv], axis=1)
  g = jnp.maximum(jnp.dot(u, w2_ref[...],
                          preferred_element_type=jnp.float32) + b2_ref[...], 0.0)
  o_ref[...] = jnp.dot(g, w3_ref[...],
                       preferred_element_type=jnp.float32) + b3_ref[...]


def _final(qa, qb, dinv, w2, b2, w3, b3):
  return pl.pallas_call(
      _final_body,
      grid=(pl.cdiv(R, BLK),),
      in_specs=[pl.BlockSpec((NC, BLK, 128), lambda i: (0, i, 0)),
                pl.BlockSpec((NC, BLK, 128), lambda i: (0, i, 0)),
                pl.BlockSpec((BLK, 1), lambda i: (i, 0)),
                pl.BlockSpec((HID, HID), lambda i: (0, 0)),
                pl.BlockSpec((1, HID), lambda i: (0, 0)),
                pl.BlockSpec((HID, NUM_CLASSES), lambda i: (0, 0)),
                pl.BlockSpec((1, NUM_CLASSES), lambda i: (0, 0))],
      out_specs=pl.BlockSpec((BLK, NUM_CLASSES), lambda i: (i, 0)),
      out_shape=jax.ShapeDtypeStruct((R, NUM_CLASSES), jnp.float32),
  )(qa, qb, dinv, w2, b2, w3, b3)


def kernel(x, edge_index, W1, b1, W2, b2, W3, b3):
  ei = edge_index.astype(jnp.int32)
  padv = jnp.full((EP - E,), PAD_ROW, jnp.int32)
  src3 = jnp.concatenate([ei[0], padv]).reshape(NW, NCH, CHUNK)
  he3 = jnp.concatenate([ei[1], padv]).reshape(NW, NCH, CHUNK)
  x_pad = jnp.zeros((R, IN_CH), jnp.float32).at[:N_NODES].set(x)
  zeros = jnp.zeros((R, 128), jnp.float32)
  zeros1 = jnp.zeros((R,), jnp.float32)
  ones_c = jnp.ones((CHUNK,), jnp.float32)
  b1r = b1.reshape(1, HID)
  b2r = b2.reshape(1, HID)
  b3r = b3.reshape(1, NUM_CLASSES)

  pe1, dp, bp = _stage_deg(src3, he3, x_pad, zeros, ones_c, zeros1)
  binv, dinv = _recip(bp, dp)
  t1 = _combine(pe1, binv)
  pn1 = _stage(he3, src3, t1, zeros)
  h = _mm_relu(pn1, dinv, W1, b1r)

  pe2a = _stage(src3, he3, h[0], zeros)
  pe2b = _stage(src3, he3, h[1], zeros)
  t2a = _combine(pe2a, binv)
  t2b = _combine(pe2b, binv)
  pn2a = _stage(he3, src3, t2a, zeros)
  pn2b = _stage(he3, src3, t2b, zeros)
  out = _final(pn2a, pn2b, dinv, W2, b2r, W3, b3r)
  return out[:N_NODES]

# --- scband reference (transcript-rebuilt; emitter-appended) ---
"""Pipeline reference for scband-hyper-graph-net-28819230556668 (READ-ONLY COPY).

The authoritative reference and input builder live on the scoring server;
editing this copy changes nothing except your own understanding.
"""

import jax, jax.numpy as jnp
import numpy as np

N_NODES = 10000
N_HEDGES = 10000
IN_CH = 128
HID = 256
NUM_CLASSES = 64


def setup_inputs(seed: int = 0) -> dict:
    key = jax.random.key(seed)
    ks = jax.random.split(key, 9)
    x = jax.random.normal(ks[0], (N_NODES, IN_CH), dtype=jnp.float32)
    src = jax.random.randint(ks[1], (1, 320000), 0, N_NODES)
    he = jax.random.randint(ks[2], (1, 320000), 0, N_HEDGES)
    edge_index = jnp.concatenate([src, he], axis=0).astype(jnp.int64)
    W1 = jax.random.normal(ks[3], (IN_CH, HID), dtype=jnp.float32) / np.sqrt(IN_CH)
    b1 = jnp.zeros((HID,), dtype=jnp.float32)
    W2 = jax.random.normal(ks[4], (HID, HID), dtype=jnp.float32) / np.sqrt(HID)
    b2 = jnp.zeros((HID,), dtype=jnp.float32)
    W3 = jax.random.normal(ks[5], (HID, NUM_CLASSES), dtype=jnp.float32) / np.sqrt(HID)
    b3 = jnp.zeros((NUM_CLASSES,), dtype=jnp.float32)
    return {"x": x, "edge_index": edge_index, "W1": W1, "b1": b1, "W2": W2, "b2": b2, "W3": W3, "b3": b3}


def _hconv(x, edge_index, W, b):
    # PyG HypergraphConv (use_attention=False, hyperedge_weight=ones):
    # out = D^{-1} H B^{-1} H^T (X @ W) + b
    x = x @ W
    src = edge_index[0]
    he = edge_index[1]
    ones = jnp.ones((src.shape[0],), dtype=x.dtype)
    D = jax.ops.segment_sum(ones, src, num_segments=N_NODES)
    Dinv = jnp.where(D > 0, 1.0 / D, 0.0)
    B = jax.ops.segment_sum(ones, he, num_segments=N_HEDGES)
    Binv = jnp.where(B > 0, 1.0 / B, 0.0)
    # stage 1: nodes -> hyperedges, norm = B^{-1}[target hyperedge]
    m1 = Binv[he][:, None] * x[src]
    out_e = jax.ops.segment_sum(m1, he, num_segments=N_HEDGES)
    # stage 2: hyperedges -> nodes, norm = D^{-1}[target node]
    m2 = Dinv[src][:, None] * out_e[he]
    out = jax.ops.segment_sum(m2, src, num_segments=N_NODES)
    return out + b


def reference(x, edge_index, W1, b1, W2, b2, W3, b3):
    h = jax.nn.relu(_hconv(x, edge_index, W1, b1))
    # dropout is identity in eval mode
    h = jax.nn.relu(_hconv(h, edge_index, W2, b2))
    out = h @ W3 + b3
    return out

if __name__ == "__main__":
    import jax
    _d = setup_inputs()
    print(jax.jit(kernel)(*tuple(_d.values())))

</pallas_src>

<mosaic_0001>
#map = affine_map<(d0, d1) -> (0, 0, 0)>
#map1 = affine_map<(d0, d1) -> (0, 0)>
#map2 = affine_map<(d0, d1) -> (0)>
module attributes {stable_mosaic.version = 14 : i64} {
  func.func @body(%arg0: i32, %arg1: i32, %arg2: memref<32x79x128xi32, #tpu.memory_space<hbm>>, %arg3: memref<32x79x128xi32, #tpu.memory_space<hbm>>, %arg4: memref<10240x128xf32, #tpu.memory_space<hbm>>, %arg5: memref<10240x128xf32, #tpu.memory_space<hbm>>, %arg6: memref<128xf32, #tpu.memory_space<hbm>>, %arg7: memref<10240xf32, #tpu.memory_space<hbm>>, %arg8: memref<2x10240x128xf32, #tpu.memory_space<hbm>>, %arg9: memref<2x10240xf32, #tpu.memory_space<hbm>>, %arg10: memref<2x10240xf32, #tpu.memory_space<hbm>>, %arg11: memref<79x128xi32, #tpu.memory_space<vmem>>, %arg12: memref<79x128xi32, #tpu.memory_space<vmem>>, %arg13: memref<128x128xf32, #tpu.memory_space<vmem>>, %arg14: memref<10240x128xf32, #tpu.memory_space<vmem_shared>>, %arg15: memref<!tpu.dma_semaphore, #tpu.memory_space<semaphore_mem>>, %arg16: memref<128xf32, #tpu.memory_space<vmem>>, %arg17: memref<10240xf32, #tpu.memory_space<vmem_shared>>, %arg18: memref<10240xf32, #tpu.memory_space<vmem_shared>>) attributes {dimension_semantics = [#tpu.dimension_semantics<core_parallel>, #tpu.dimension_semantics<subcore_parallel>], iteration_bounds = array<i64: 2, 16>, scalar_prefetch = 0 : i64, scratch_operands = 8 : i64, tpu.core_type = #tpu.core_type<sc_vector_subcore>, window_params = [{transform_indices = #map}, {transform_indices = #map}, {transform_indices = #map1}, {transform_indices = #map1}, {transform_indices = #map2}, {transform_indices = #map2}, {transform_indices = #map}, {transform_indices = #map1}, {transform_indices = #map1}]} {
    %mul3A = arith.constant 2 : i32
    %mul3A_0 = arith.muli %arg1, %mul3A : i32
    %add3A = arith.addi %mul3A_0, %arg0 : i32
    %mul3A_1 = arith.constant 640 : i32
    %mul3A_2 = arith.muli %arg1, %mul3A_1 : i32
    "tpu.region"() ({
      %run_scoped3A = tpu.sem_alloc : memref<!tpu.dma_semaphore, #tpu.memory_space<semaphore_mem>>
      %dma_start3A = arith.constant 0 : i32
      %dma_start3A_10 = arith.constant 0 : i32
      %dma_start3A_11 = tpu.memref_slice %arg2[%add3A, %dma_start3A, %dma_start3A_10] : memref<32x79x128xi32, #tpu.memory_space<hbm>> -> memref<1x79x128xi32, #tpu.memory_space<hbm>>
      %dma_start3A_12 = tpu.memref_squeeze %dma_start3A_11 : memref<1x79x128xi32, #tpu.memory_space<hbm>> -> memref<79x128xi32, #tpu.memory_space<hbm>>
      %dma_start3A_13 = arith.constant 0 : i32
      %dma_start3A_14 = arith.constant 0 : i32
      %dma_start3A_15 = tpu.memref_slice %arg2[%add3A, %dma_start3A_13, %dma_start3A_14] : memref<32x79x128xi32, #tpu.memory_space<hbm>> -> memref<1x79x128xi32, #tpu.memory_space<hbm>>
      %dma_start3A_16 = tpu.memref_squeeze %dma_start3A_15 : memref<1x79x128xi32, #tpu.memory_space<hbm>> -> memref<79x128xi32, #tpu.memory_space<hbm>>
      tpu.enqueue_dma source(%dma_start3A_16 : memref<79x128xi32, #tpu.memory_space<hbm>>) target(%arg11 : memref<79x128xi32, #tpu.memory_space<vmem>>) target_semaphore(%run_scoped3A : memref<!tpu.dma_semaphore, #tpu.memory_space<semaphore_mem>>)
      %dma_wait3A = arith.constant 0 : i32
      %dma_wait3A_17 = arith.constant 0 : i32
      %dma_wait3A_18 = tpu.memref_slice %arg2[%add3A, %dma_wait3A, %dma_wait3A_17] : memref<32x79x128xi32, #tpu.memory_space<hbm>> -> memref<1x79x128xi32, #tpu.memory_space<hbm>>
      %dma_wait3A_19 = tpu.memref_squeeze %dma_wait3A_18 : memref<1x79x128xi32, #tpu.memory_space<hbm>> -> memref<79x128xi32, #tpu.memory_space<hbm>>
      %dma_wait3A_20 = arith.constant 0 : i32
      %dma_wait3A_21 = arith.constant 0 : i32
      %dma_wait3A_22 = tpu.memref_slice %arg2[%add3A, %dma_wait3A_20, %dma_wait3A_21] : memref<32x79x128xi32, #tpu.memory_space<hbm>> -> memref<1x79x128xi32, #tpu.memory_space<hbm>>
      %dma_wait3A_23 = tpu.memref_squeeze %dma_wait3A_22 : memref<1x79x128xi32, #tpu.memory_space<hbm>> -> memref<79x128xi32, #tpu.memory_space<hbm>>
      tpu.wait_dma2 semaphore(%run_scoped3A : memref<!tpu.dma_semaphore, #tpu.memory_space<semaphore_mem>>) src(%dma_wait3A_23 : memref<79x128xi32, #tpu.memory_space<hbm>>) dst(%arg11 : memref<79x128xi32, #tpu.memory_space<vmem>>)
      tpu.yield
    }) : () -> ()
    "tpu.region"() ({
      %run_scoped3A = tpu.sem_alloc : memref<!tpu.dma_semaphore, #tpu.memory_space<semaphore_mem>>
      %dma_start3A = arith.constant 0 : i32
      %dma_start3A_10 = arith.constant 0 : i32
      %dma_start3A_11 = tpu.memref_slice %arg3[%add3A, %dma_start3A, %dma_start3A_10] : memref<32x79x128xi32, #tpu.memory_space<hbm>> -> memref<1x79x128xi32, #tpu.memory_space<hbm>>
      %dma_start3A_12 = tpu.memref_squeeze %dma_start3A_11 : memref<1x79x128xi32, #tpu.memory_space<hbm>> -> memref<79x128xi32, #tpu.memory_space<hbm>>
      %dma_start3A_13 = arith.constant 0 : i32
      %dma_start3A_14 = arith.constant 0 : i32
      %dma_start3A_15 = tpu.memref_slice %arg3[%add3A, %dma_start3A_13, %dma_start3A_14] : memref<32x79x128xi32, #tpu.memory_space<hbm>> -> memref<1x79x128xi32, #tpu.memory_space<hbm>>
      %dma_start3A_16 = tpu.memref_squeeze %dma_start3A_15 : memref<1x79x128xi32, #tpu.memory_space<hbm>> -> memref<79x128xi32, #tpu.memory_space<hbm>>
      tpu.enqueue_dma source(%dma_start3A_16 : memref<79x128xi32, #tpu.memory_space<hbm>>) target(%arg12 : memref<79x128xi32, #tpu.memory_space<vmem>>) target_semaphore(%run_scoped3A : memref<!tpu.dma_semaphore, #tpu.memory_space<semaphore_mem>>)
      %dma_wait3A = arith.constant 0 : i32
      %dma_wait3A_17 = arith.constant 0 : i32
      %dma_wait3A_18 = tpu.memref_slice %arg3[%add3A, %dma_wait3A, %dma_wait3A_17] : memref<32x79x128xi32, #tpu.memory_space<hbm>> -> memref<1x79x128xi32, #tpu.memory_space<hbm>>
      %dma_wait3A_19 = tpu.memref_squeeze %dma_wait3A_18 : memref<1x79x128xi32, #tpu.memory_space<hbm>> -> memref<79x128xi32, #tpu.memory_space<hbm>>
      %dma_wait3A_20 = arith.constant 0 : i32
      %dma_wait3A_21 = arith.constant 0 : i32
      %dma_wait3A_22 = tpu.memref_slice %arg3[%add3A, %dma_wait3A_20, %dma_wait3A_21] : memref<32x79x128xi32, #tpu.memory_space<hbm>> -> memref<1x79x128xi32, #tpu.memory_space<hbm>>
      %dma_wait3A_23 = tpu.memref_squeeze %dma_wait3A_22 : memref<1x79x128xi32, #tpu.memory_space<hbm>> -> memref<79x128xi32, #tpu.memory_space<hbm>>
      tpu.wait_dma2 semaphore(%run_scoped3A : memref<!tpu.dma_semaphore, #tpu.memory_space<semaphore_mem>>) src(%dma_wait3A_23 : memref<79x128xi32, #tpu.memory_space<hbm>>) dst(%arg12 : memref<79x128xi32, #tpu.memory_space<vmem>>)
      tpu.yield
    }) : () -> ()
    "tpu.region"() ({
      %run_scoped3A = tpu.sem_alloc : memref<!tpu.dma_semaphore, #tpu.memory_space<semaphore_mem>>
      %dma_start3A = arith.constant 0 : i32
      %dma_start3A_10 = tpu.memref_slice %arg14[%mul3A_2, %dma_start3A] : memref<10240x128xf32, #tpu.memory_space<vmem_shared>> -> memref<640x128xf32, #tpu.memory_space<vmem_shared>>
      %dma_start3A_11 = arith.constant 0 : i32
      %dma_start3A_12 = tpu.memref_slice %arg5[%mul3A_2, %dma_start3A_11] : memref<10240x128xf32, #tpu.memory_space<hbm>> -> memref<640x128xf32, #tpu.memory_space<hbm>>
      tpu.enqueue_dma source(%dma_start3A_12 : memref<640x128xf32, #tpu.memory_space<hbm>>) target(%dma_start3A_10 : memref<640x128xf32, #tpu.memory_space<vmem_shared>>) target_semaphore(%run_scoped3A : memref<!tpu.dma_semaphore, #tpu.memory_space<semaphore_mem>>)
      %dma_wait3A = arith.constant 0 : i32
      %dma_wait3A_13 = tpu.memref_slice %arg14[%mul3A_2, %dma_wait3A] : memref<10240x128xf32, #tpu.memory_space<vmem_shared>> -> memref<640x128xf32, #tpu.memory_space<vmem_shared>>
      %dma_wait3A_14 = arith.constant 0 : i32
      %dma_wait3A_15 = tpu.memref_slice %arg5[%mul3A_2, %dma_wait3A_14] : memref<10240x128xf32, #tpu.memory_space<hbm>> -> memref<640x128xf32, #tpu.memory_space<hbm>>
      tpu.wait_dma2 semaphore(%run_scoped3A : memref<!tpu.dma_semaphore, #tpu.memory_space<semaphore_mem>>) src(%dma_wait3A_15 : memref<640x128xf32, #tpu.memory_space<hbm>>) dst(%dma_wait3A_13 : memref<640x128xf32, #tpu.memory_space<vmem_shared>>)
      tpu.yield
    }) : () -> ()
    "tpu.region"() ({
      %run_scoped3A = tpu.sem_alloc : memref<!tpu.dma_semaphore, #tpu.memory_space<semaphore_mem>>
      tpu.enqueue_dma source(%arg6 : memref<128xf32, #tpu.memory_space<hbm>>) target(%arg16 : memref<128xf32, #tpu.memory_space<vmem>>) target_semaphore(%run_scoped3A : memref<!tpu.dma_semaphore, #tpu.memory_space<semaphore_mem>>)
      tpu.wait_dma2 semaphore(%run_scoped3A : memref<!tpu.dma_semaphore, #tpu.memory_space<semaphore_mem>>) src(%arg6 : memref<128xf32, #tpu.memory_space<hbm>>) dst(%arg16 : memref<128xf32, #tpu.memory_space<vmem>>)
      tpu.yield
    }) : () -> ()
    "tpu.region"() ({
      %run_scoped3A = tpu.sem_alloc : memref<!tpu.dma_semaphore, #tpu.memory_space<semaphore_mem>>
      %dma_start3A = tpu.memref_slice %arg17[%mul3A_2] : memref<10240xf32, #tpu.memory_space<vmem_shared>> -> memref<640xf32, #tpu.memory_space<vmem_shared>>
      %dma_start3A_10 = tpu.memref_slice %arg7[%mul3A_2] : memref<10240xf32, #tpu.memory_space<hbm>> -> memref<640xf32, #tpu.memory_space<hbm>>
      tpu.enqueue_dma source(%dma_start3A_10 : memref<640xf32, #tpu.memory_space<hbm>>) target(%dma_start3A : memref<640xf32, #tpu.memory_space<vmem_shared>>) target_semaphore(%run_scoped3A : memref<!tpu.dma_semaphore, #tpu.memory_space<semaphore_mem>>)
      %dma_wait3A = tpu.memref_slice %arg17[%mul3A_2] : memref<10240xf32, #tpu.memory_space<vmem_shared>> -> memref<640xf32, #tpu.memory_space<vmem_shared>>
      %dma_wait3A_11 = tpu.memref_slice %arg7[%mul3A_2] : memref<10240xf32, #tpu.memory_space<hbm>> -> memref<640xf32, #tpu.memory_space<hbm>>
      tpu.wait_dma2 semaphore(%run_scoped3A : memref<!tpu.dma_semaphore, #tpu.memory_space<semaphore_mem>>) src(%dma_wait3A_11 : memref<640xf32, #tpu.memory_space<hbm>>) dst(%dma_wait3A : memref<640xf32, #tpu.memory_space<vmem_shared>>)
      tpu.yield
    }) : () -> ()
    "tpu.region"() ({
      %run_scoped3A = tpu.sem_alloc : memref<!tpu.dma_semaphore, #tpu.memory_space<semaphore_mem>>
      %dma_start3A = tpu.memref_slice %arg18[%mul3A_2] : memref<10240xf32, #tpu.memory_space<vmem_shared>> -> memref<640xf32, #tpu.memory_space<vmem_shared>>
      %dma_start3A_10 = tpu.memref_slice %arg7[%mul3A_2] : memref<10240xf32, #tpu.memory_space<hbm>> -> memref<640xf32, #tpu.memory_space<hbm>>
      tpu.enqueue_dma source(%dma_start3A_10 : memref<640xf32, #tpu.memory_space<hbm>>) target(%dma_start3A : memref<640xf32, #tpu.memory_space<vmem_shared>>) target_semaphore(%run_scoped3A : memref<!tpu.dma_semaphore, #tpu.memory_space<semaphore_mem>>)
      %dma_wait3A = tpu.memref_slice %arg18[%mul3A_2] : memref<10240xf32, #tpu.memory_space<vmem_shared>> -> memref<640xf32, #tpu.memory_space<vmem_shared>>
      %dma_wait3A_11 = tpu.memref_slice %arg7[%mul3A_2] : memref<10240xf32, #tpu.memory_space<hbm>> -> memref<640xf32, #tpu.memory_space<hbm>>
      tpu.wait_dma2 semaphore(%run_scoped3A : memref<!tpu.dma_semaphore, #tpu.memory_space<semaphore_mem>>) src(%dma_wait3A_11 : memref<640xf32, #tpu.memory_space<hbm>>) dst(%dma_wait3A : memref<640xf32, #tpu.memory_space<vmem_shared>>)
      tpu.yield
    }) : () -> ()
    %barrier3A = arith.constant 0 : index
    tpu.barrier barrier_id(%barrier3A)
    %scan3A = arith.constant 0 : i32
    %scan3A_3 = arith.constant 0 : i32
    %scan3A_4 = arith.constant 79 : i32
    %scan3A_5 = arith.addi %scan3A_3, %scan3A_4 : i32
    %scan3A_6 = arith.constant 1 : i32
    %scan3A_7 = scf.for %scan3A_10 = %scan3A_3 to %scan3A_5 step %scan3A_6 iter_args(%scan3A_11 = %scan3A) -> (i32)  : i32 {
      %dma_start3A = arith.constant 0 : i32
      %dma_start3A_12 = tpu.memref_slice %arg11[%scan3A_10, %dma_start3A] : memref<79x128xi32, #tpu.memory_space<vmem>> -> memref<1x128xi32, #tpu.memory_space<vmem>>
      %dma_start3A_13 = tpu.memref_squeeze %dma_start3A_12 : memref<1x128xi32, #tpu.memory_space<vmem>> -> memref<128xi32, #tpu.memory_space<vmem>>
      %dma_start3A_14 = arith.constant 0 : i32
      %dma_start3A_15 = arith.constant 0 : i32
      %dma_start3A_16 = tpu.memref_slice %arg4[%dma_start3A_14, %dma_start3A_15] : memref<10240x128xf32, #tpu.memory_space<hbm>> -> memref<10240x128xf32, #tpu.memory_space<hbm>>
      tpu.enqueue_indirect_dma source(%dma_start3A_16 : memref<10240x128xf32, #tpu.memory_space<hbm>>) target(%arg13 : memref<128x128xf32, #tpu.memory_space<vmem>>) offsets(%dma_start3A_13 : memref<128xi32, #tpu.memory_space<vmem>>) semaphore(%arg15 : memref<!tpu.dma_semaphore, #tpu.memory_space<semaphore_mem>>)
      %dma_wait3A = arith.constant 0 : i32
      %dma_wait3A_17 = tpu.memref_slice %arg11[%scan3A_10, %dma_wait3A] : memref<79x128xi32, #tpu.memory_space<vmem>> -> memref<1x128xi32, #tpu.memory_space<vmem>>
      %dma_wait3A_18 = tpu.memref_squeeze %dma_wait3A_17 : memref<1x128xi32, #tpu.memory_space<vmem>> -> memref<128xi32, #tpu.memory_space<vmem>>
      %dma_wait3A_19 = arith.constant 0 : i32
      %dma_wait3A_20 = arith.constant 0 : i32
      %dma_wait3A_21 = tpu.memref_slice %arg4[%dma_wait3A_19, %dma_wait3A_20] : memref<10240x128xf32, #tpu.memory_space<hbm>> -> memref<10240x128xf32, #tpu.memory_space<hbm>>
      tpu.wait_indirect_dma semaphore(%arg15 : memref<!tpu.dma_semaphore, #tpu.memory_space<semaphore_mem>>) src(%dma_wait3A_21 : memref<10240x128xf32, #tpu.memory_space<hbm>>) dst(%arg13 : memref<128x128xf32, #tpu.memory_space<vmem>>)
      "tpu.region"() ({
        %run_scoped3A = tpu.sem_alloc : memref<!tpu.dma_semaphore, #tpu.memory_space<semaphore_mem>>
        %dma_start3A_23 = arith.constant 0 : i32
        %dma_start3A_24 = tpu.memref_slice %arg12[%scan3A_10, %dma_start3A_23] : memref<79x128xi32, #tpu.memory_space<vmem>> -> memref<1x128xi32, #tpu.memory_space<vmem>>
        %dma_start3A_25 = tpu.memref_squeeze %dma_start3A_24 : memref<1x128xi32, #tpu.memory_space<vmem>> -> memref<128xi32, #tpu.memory_space<vmem>>
        %dma_start3A_26 = arith.constant 0 : i32
        %dma_start3A_27 = arith.constant 0 : i32
        %dma_start3A_28 = tpu.memref_slice %arg14[%dma_start3A_26, %dma_start3A_27] : memref<10240x128xf32, #tpu.memory_space<vmem_shared>> -> memref<10240x128xf32, #tpu.memory_space<vmem_shared>>
        tpu.enqueue_indirect_dma source(%arg13 : memref<128x128xf32, #tpu.memory_space<vmem>>) target(%dma_start3A_28 : memref<10240x128xf32, #tpu.memory_space<vmem_shared>>) offsets(%dma_start3A_25 : memref<128xi32, #tpu.memory_space<vmem>>) semaphore(%run_scoped3A : memref<!tpu.dma_semaphore, #tpu.memory_space<semaphore_mem>>) {add = true}
        %dma_wait3A_29 = arith.constant 0 : i32
        %dma_wait3A_30 = tpu.memref_slice %arg12[%scan3A_10, %dma_wait3A_29] : memref<79x128xi32, #tpu.memory_space<vmem>> -> memref<1x128xi32, #tpu.memory_space<vmem>>
        %dma_wait3A_31 = tpu.memref_squeeze %dma_wait3A_30 : memref<1x128xi32, #tpu.memory_space<vmem>> -> memref<128xi32, #tpu.memory_space<vmem>>
        %dma_wait3A_32 = arith.constant 0 : i32
        %dma_wait3A_33 = arith.constant 0 : i32
        %dma_wait3A_34 = tpu.memref_slice %arg14[%dma_wait3A_32, %dma_wait3A_33] : memref<10240x128xf32, #tpu.memory_space<vmem_shared>> -> memref<10240x128xf32, #tpu.memory_space<vmem_shared>>
        tpu.wait_indirect_dma semaphore(%run_scoped3A : memref<!tpu.dma_semaphore, #tpu.memory_space<semaphore_mem>>) src(%arg13 : memref<128x128xf32, #tpu.memory_space<vmem>>) dst(%dma_wait3A_34 : memref<10240x128xf32, #tpu.memory_space<vmem_shared>>)
        tpu.yield
      }) : () -> ()
      "tpu.region"() ({
        %run_scoped3A = tpu.sem_alloc : memref<!tpu.dma_semaphore, #tpu.memory_space<semaphore_mem>>
        %dma_start3A_23 = arith.constant 0 : i32
        %dma_start3A_24 = tpu.memref_slice %arg11[%scan3A_10, %dma_start3A_23] : memref<79x128xi32, #tpu.memory_space<vmem>> -> memref<1x128xi32, #tpu.memory_space<vmem>>
        %dma_start3A_25 = tpu.memref_squeeze %dma_start3A_24 : memref<1x128xi32, #tpu.memory_space<vmem>> -> memref<128xi32, #tpu.memory_space<vmem>>
        %dma_start3A_26 = arith.constant 0 : i32
        %dma_start3A_27 = tpu.memref_slice %arg17[%dma_start3A_26] : memref<10240xf32, #tpu.memory_space<vmem_shared>> -> memref<10240xf32, #tpu.memory_space<vmem_shared>>
        tpu.enqueue_indirect_dma source(%arg16 : memref<128xf32, #tpu.memory_space<vmem>>) target(%dma_start3A_27 : memref<10240xf32, #tpu.memory_space<vmem_shared>>) offsets(%dma_start3A_25 : memref<128xi32, #tpu.memory_space<vmem>>) semaphore(%run_scoped3A : memref<!tpu.dma_semaphore, #tpu.memory_space<semaphore_mem>>) {add = true}
        %dma_wait3A_28 = arith.constant 0 : i32
        %dma_wait3A_29 = tpu.memref_slice %arg11[%scan3A_10, %dma_wait3A_28] : memref<79x128xi32, #tpu.memory_space<vmem>> -> memref<1x128xi32, #tpu.memory_space<vmem>>
        %dma_wait3A_30 = tpu.memref_squeeze %dma_wait3A_29 : memref<1x128xi32, #tpu.memory_space<vmem>> -> memref<128xi32, #tpu.memory_space<vmem>>
        %dma_wait3A_31 = arith.constant 0 : i32
        %dma_wait3A_32 = tpu.memref_slice %arg17[%dma_wait3A_31] : memref<10240xf32, #tpu.memory_space<vmem_shared>> -> memref<10240xf32, #tpu.memory_space<vmem_shared>>
        tpu.wait_indirect_dma semaphore(%run_scoped3A : memref<!tpu.dma_semaphore, #tpu.memory_space<semaphore_mem>>) src(%arg16 : memref<128xf32, #tpu.memory_space<vmem>>) dst(%dma_wait3A_32 : memref<10240xf32, #tpu.memory_space<vmem_shared>>)
        tpu.yield
      }) : () -> ()
      "tpu.region"() ({
        %run_scoped3A = tpu.sem_alloc : memref<!tpu.dma_semaphore, #tpu.memory_space<semaphore_mem>>
        %dma_start3A_23 = arith.constant 0 : i32
        %dma_start3A_24 = tpu.memref_slice %arg12[%scan3A_10, %dma_start3A_23] : memref<79x128xi32, #tpu.memory_space<vmem>> -> memref<1x128xi32, #tpu.memory_space<vmem>>
        %dma_start3A_25 = tpu.memref_squeeze %dma_start3A_24 : memref<1x128xi32, #tpu.memory_space<vmem>> -> memref<128xi32, #tpu.memory_space<vmem>>
        %dma_start3A_26 = arith.constant 0 : i32
        %dma_start3A_27 = tpu.memref_slice %arg18[%dma_start3A_26] : memref<10240xf32, #tpu.memory_space<vmem_shared>> -> memref<10240xf32, #tpu.memory_space<vmem_shared>>
        tpu.enqueue_indirect_dma source(%arg16 : memref<128xf32, #tpu.memory_space<vmem>>) target(%dma_start3A_27 : memref<10240xf32, #tpu.memory_space<vmem_shared>>) offsets(%dma_start3A_25 : memref<128xi32, #tpu.memory_space<vmem>>) semaphore(%run_scoped3A : memref<!tpu.dma_semaphore, #tpu.memory_space<semaphore_mem>>) {add = true}
        %dma_wait3A_28 = arith.constant 0 : i32
        %dma_wait3A_29 = tpu.memref_slice %arg12[%scan3A_10, %dma_wait3A_28] : memref<79x128xi32, #tpu.memory_space<vmem>> -> memref<1x128xi32, #tpu.memory_space<vmem>>
        %dma_wait3A_30 = tpu.memref_squeeze %dma_wait3A_29 : memref<1x128xi32, #tpu.memory_space<vmem>> -> memref<128xi32, #tpu.memory_space<vmem>>
        %dma_wait3A_31 = arith.constant 0 : i32
        %dma_wait3A_32 = tpu.memref_slice %arg18[%dma_wait3A_31] : memref<10240xf32, #tpu.memory_space<vmem_shared>> -> memref<10240xf32, #tpu.memory_space<vmem_shared>>
        tpu.wait_indirect_dma semaphore(%run_scoped3A : memref<!tpu.dma_semaphore, #tpu.memory_space<semaphore_mem>>) src(%arg16 : memref<128xf32, #tpu.memory_space<vmem>>) dst(%dma_wait3A_32 : memref<10240xf32, #tpu.memory_space<vmem_shared>>)
        tpu.yield
      }) : () -> ()
      %scan3A_22 = arith.constant 0 : i32
      scf.yield %scan3A_22 : i32
    }
    %scan3A_8 = arith.constant 79 : i32
    %barrier3A_9 = arith.constant 0 : index
    tpu.barrier barrier_id(%barrier3A_9)
    "tpu.region"() ({
      %run_scoped3A = tpu.sem_alloc : memref<!tpu.dma_semaphore, #tpu.memory_space<semaphore_mem>>
      %dma_start3A = arith.constant 0 : i32
      %dma_start3A_10 = tpu.memref_slice %arg8[%arg0, %mul3A_2, %dma_start3A] : memref<2x10240x128xf32, #tpu.memory_space<hbm>> -> memref<1x640x128xf32, #tpu.memory_space<hbm>>
      %dma_start3A_11 = tpu.memref_squeeze %dma_start3A_10 : memref<1x640x128xf32, #tpu.memory_space<hbm>> -> memref<640x128xf32, #tpu.memory_space<hbm>>
      %dma_start3A_12 = arith.constant 0 : i32
      %dma_start3A_13 = tpu.memref_slice %arg14[%mul3A_2, %dma_start3A_12] : memref<10240x128xf32, #tpu.memory_space<vmem_shared>> -> memref<640x128xf32, #tpu.memory_space<vmem_shared>>
      tpu.enqueue_dma source(%dma_start3A_13 : memref<640x128xf32, #tpu.memory_space<vmem_shared>>) target(%dma_start3A_11 : memref<640x128xf32, #tpu.memory_space<hbm>>) target_semaphore(%run_scoped3A : memref<!tpu.dma_semaphore, #tpu.memory_space<semaphore_mem>>)
      %dma_wait3A = arith.constant 0 : i32
      %dma_wait3A_14 = tpu.memref_slice %arg8[%arg0, %mul3A_2, %dma_wait3A] : memref<2x10240x128xf32, #tpu.memory_space<hbm>> -> memref<1x640x128xf32, #tpu.memory_space<hbm>>
      %dma_wait3A_15 = tpu.memref_squeeze %dma_wait3A_14 : memref<1x640x128xf32, #tpu.memory_space<hbm>> -> memref<640x128xf32, #tpu.memory_space<hbm>>
      %dma_wait3A_16 = arith.constant 0 : i32
      %dma_wait3A_17 = tpu.memref_slice %arg14[%mul3A_2, %dma_wait3A_16] : memref<10240x128xf32, #tpu.memory_space<vmem_shared>> -> memref<640x128xf32, #tpu.memory_space<vmem_shared>>
      tpu.wait_dma2 semaphore(%run_scoped3A : memref<!tpu.dma_semaphore, #tpu.memory_space<semaphore_mem>>) src(%dma_wait3A_17 : memref<640x128xf32, #tpu.memory_space<vmem_shared>>) dst(%dma_wait3A_15 : memref<640x128xf32, #tpu.memory_space<hbm>>)
      tpu.yield
    }) : () -> ()
    "tpu.region"() ({
      %run_scoped3A = tpu.sem_alloc : memref<!tpu.dma_semaphore, #tpu.memory_space<semaphore_mem>>
      %dma_start3A = tpu.memref_slice %arg9[%arg0, %mul3A_2] : memref<2x10240xf32, #tpu.memory_space<hbm>> -> memref<1x640xf32, #tpu.memory_space<hbm>>
      %dma_start3A_10 = tpu.memref_squeeze %dma_start3A : memref<1x640xf32, #tpu.memory_space<hbm>> -> memref<640xf32, #tpu.memory_space<hbm>>
      %dma_start3A_11 = tpu.memref_slice %arg17[%mul3A_2] : memref<10240xf32, #tpu.memory_space<vmem_shared>> -> memref<640xf32, #tpu.memory_space<vmem_shared>>
      tpu.enqueue_dma source(%dma_start3A_11 : memref<640xf32, #tpu.memory_space<vmem_shared>>) target(%dma_start3A_10 : memref<640xf32, #tpu.memory_space<hbm>>) target_semaphore(%run_scoped3A : memref<!tpu.dma_semaphore, #tpu.memory_space<semaphore_mem>>)
      %dma_wait3A = tpu.memref_slice %arg9[%arg0, %mul3A_2] : memref<2x10240xf32, #tpu.memory_space<hbm>> -> memref<1x640xf32, #tpu.memory_space<hbm>>
      %dma_wait3A_12 = tpu.memref_squeeze %dma_wait3A : memref<1x640xf32, #tpu.memory_space<hbm>> -> memref<640xf32, #tpu.memory_space<hbm>>
      %dma_wait3A_13 = tpu.memref_slice %arg17[%mul3A_2] : memref<10240xf32, #tpu.memory_space<vmem_shared>> -> memref<640xf32, #tpu.memory_space<vmem_shared>>
      tpu.wait_dma2 semaphore(%run_scoped3A : memref<!tpu.dma_semaphore, #tpu.memory_space<semaphore_mem>>) src(%dma_wait3A_13 : memref<640xf32, #tpu.memory_space<vmem_shared>>) dst(%dma_wait3A_12 : memref<640xf32, #tpu.memory_space<hbm>>)
      tpu.yield
    }) : () -> ()
    "tpu.region"() ({
      %run_scoped3A = tpu.sem_alloc : memref<!tpu.dma_semaphore, #tpu.memory_space<semaphore_mem>>
      %dma_start3A = tpu.memref_slice %arg10[%arg0, %mul3A_2] : memref<2x10240xf32, #tpu.memory_space<hbm>> -> memref<1x640xf32, #tpu.memory_space<hbm>>
      %dma_start3A_10 = tpu.memref_squeeze %dma_start3A : memref<1x640xf32, #tpu.memory_space<hbm>> -> memref<640xf32, #tpu.memory_space<hbm>>
      %dma_start3A_11 = tpu.memref_slice %arg18[%mul3A_2] : memref<10240xf32, #tpu.memory_space<vmem_shared>> -> memref<640xf32, #tpu.memory_space<vmem_shared>>
      tpu.enqueue_dma source(%dma_start3A_11 : memref<640xf32, #tpu.memory_space<vmem_shared>>) target(%dma_start3A_10 : memref<640xf32, #tpu.memory_space<hbm>>) target_semaphore(%run_scoped3A : memref<!tpu.dma_semaphore, #tpu.memory_space<semaphore_mem>>)
      %dma_wait3A = tpu.memref_slice %arg10[%arg0, %mul3A_2] : memref<2x10240xf32, #tpu.memory_space<hbm>> -> memref<1x640xf32, #tpu.memory_space<hbm>>
      %dma_wait3A_12 = tpu.memref_squeeze %dma_wait3A : memref<1x640xf32, #tpu.memory_space<hbm>> -> memref<640xf32, #tpu.memory_space<hbm>>
      %dma_wait3A_13 = tpu.memref_slice %arg18[%mul3A_2] : memref<10240xf32, #tpu.memory_space<vmem_shared>> -> memref<640xf32, #tpu.memory_space<vmem_shared>>
      tpu.wait_dma2 semaphore(%run_scoped3A : memref<!tpu.dma_semaphore, #tpu.memory_space<semaphore_mem>>) src(%dma_wait3A_13 : memref<640xf32, #tpu.memory_space<vmem_shared>>) dst(%dma_wait3A_12 : memref<640xf32, #tpu.memory_space<hbm>>)
      tpu.yield
    }) : () -> ()
    return
  }
}

#map = affine_map<(d0, d1) -> (0, 0, 0)>
#map1 = affine_map<(d0, d1) -> (0, 0)>
module attributes {stable_mosaic.version = 14 : i64} {
  func.func @body(%arg0: i32, %arg1: i32, %arg2: memref<32x79x128xi32, #tpu.memory_space<hbm>>, %arg3: memref<32x79x128xi32, #tpu.memory_space<hbm>>, %arg4: memref<10240x128xf32, #tpu.memory_space<hbm>>, %arg5: memref<10240x128xf32, #tpu.memory_space<hbm>>, %arg6: memref<2x10240x128xf32, #tpu.memory_space<hbm>>, %arg7: memref<79x128xi32, #tpu.memory_space<vmem>>, %arg8: memref<79x128xi32, #tpu.memory_space<vmem>>, %arg9: memref<128x128xf32, #tpu.memory_space<vmem>>, %arg10: memref<10240x128xf32, #tpu.memory_space<vmem_shared>>, %arg11: memref<!tpu.dma_semaphore, #tpu.memory_space<semaphore_mem>>) attributes {dimension_semantics = [#tpu.dimension_semantics<core_parallel>, #tpu.dimension_semantics<subcore_parallel>], iteration_bounds = array<i64: 2, 16>, scalar_prefetch = 0 : i64, scratch_operands = 5 : i64, tpu.core_type = #tpu.core_type<sc_vector_subcore>, window_params = [{transform_indices = #map}, {transform_indices = #map}, {transform_indices = #map1}, {transform_indices = #map1}, {transform_indices = #map}]} {
    %mul3A = arith.constant 2 : i32
    %mul3A_0 = arith.muli %arg1, %mul3A : i32
    %add3A = arith.addi %mul3A_0, %arg0 : i32
    %mul3A_1 = arith.constant 640 : i32
    %mul3A_2 = arith.muli %arg1, %mul3A_1 : i32
    "tpu.region"() ({
      %run_scoped3A = tpu.sem_alloc : memref<!tpu.dma_semaphore, #tpu.memory_space<semaphore_mem>>
      %dma_start3A = arith.constant 0 : i32
      %dma_start3A_10 = arith.constant 0 : i32
      %dma_start3A_11 = tpu.memref_slice %arg2[%add3A, %dma_start3A, %dma_start3A_10] : memref<32x79x128xi32, #tpu.memory_space<hbm>> -> memref<1x79x128xi32, #tpu.memory_space<hbm>>
      %dma_start3A_12 = tpu.memref_squeeze %dma_start3A_11 : memref<1x79x128xi32, #tpu.memory_space<hbm>> -> memref<79x128xi32, #tpu.memory_space<hbm>>
      %dma_start3A_13 = arith.constant 0 : i32
      %dma_start3A_14 = arith.constant 0 : i32
      %dma_start3A_15 = tpu.memref_slice %arg2[%add3A, %dma_start3A_13, %dma_start3A_14] : memref<32x79x128xi32, #tpu.memory_space<hbm>> -> memref<1x79x128xi32, #tpu.memory_space<hbm>>
      %dma_start3A_16 = tpu.memref_squeeze %dma_start3A_15 : memref<1x79x128xi32, #tpu.memory_space<hbm>> -> memref<79x128xi32, #tpu.memory_space<hbm>>
      tpu.enqueue_dma source(%dma_start3A_16 : memref<79x128xi32, #tpu.memory_space<hbm>>) target(%arg7 : memref<79x128xi32, #tpu.memory_space<vmem>>) target_semaphore(%run_scoped3A : memref<!tpu.dma_semaphore, #tpu.memory_space<semaphore_mem>>)
      %dma_wait3A = arith.constant 0 : i32
      %dma_wait3A_17 = arith.constant 0 : i32
      %dma_wait3A_18 = tpu.memref_slice %arg2[%add3A, %dma_wait3A, %dma_wait3A_17] : memref<32x79x128xi32, #tpu.memory_space<hbm>> -> memref<1x79x128xi32, #tpu.memory_space<hbm>>
      %dma_wait3A_19 = tpu.memref_squeeze %dma_wait3A_18 : memref<1x79x128xi32, #tpu.memory_space<hbm>> -> memref<79x128xi32, #tpu.memory_space<hbm>>
      %dma_wait3A_20 = arith.constant 0 : i32
      %dma_wait3A_21 = arith.constant 0 : i32
      %dma_wait3A_22 = tpu.memref_slice %arg2[%add3A, %dma_wait3A_20, %dma_wait3A_21] : memref<32x79x128xi32, #tpu.memory_space<hbm>> -> memref<1x79x128xi32, #tpu.memory_space<hbm>>
      %dma_wait3A_23 = tpu.memref_squeeze %dma_wait3A_22 : memref<1x79x128xi32, #tpu.memory_space<hbm>> -> memref<79x128xi32, #tpu.memory_space<hbm>>
      tpu.wait_dma2 semaphore(%run_scoped3A : memref<!tpu.dma_semaphore, #tpu.memory_space<semaphore_mem>>) src(%dma_wait3A_23 : memref<79x128xi32, #tpu.memory_space<hbm>>) dst(%arg7 : memref<79x128xi32, #tpu.memory_space<vmem>>)
      tpu.yield
    }) : () -> ()
    "tpu.region"() ({
      %run_scoped3A = tpu.sem_alloc : memref<!tpu.dma_semaphore, #tpu.memory_space<semaphore_mem>>
      %dma_start3A = arith.constant 0 : i32
      %dma_start3A_10 = arith.constant 0 : i32
      %dma_start3A_11 = tpu.memref_slice %arg3[%add3A, %dma_start3A, %dma_start3A_10] : memref<32x79x128xi32, #tpu.memory_space<hbm>> -> memref<1x79x128xi32, #tpu.memory_space<hbm>>
      %dma_start3A_12 = tpu.memref_squeeze %dma_start3A_11 : memref<1x79x128xi32, #tpu.memory_space<hbm>> -> memref<79x128xi32, #tpu.memory_space<hbm>>
      %dma_start3A_13 = arith.constant 0 : i32
      %dma_start3A_14 = arith.constant 0 : i32
      %dma_start3A_15 = tpu.memref_slice %arg3[%add3A, %dma_start3A_13, %dma_start3A_14] : memref<32x79x128xi32, #tpu.memory_space<hbm>> -> memref<1x79x128xi32, #tpu.memory_space<hbm>>
      %dma_start3A_16 = tpu.memref_squeeze %dma_start3A_15 : memref<1x79x128xi32, #tpu.memory_space<hbm>> -> memref<79x128xi32, #tpu.memory_space<hbm>>
      tpu.enqueue_dma source(%dma_start3A_16 : memref<79x128xi32, #tpu.memory_space<hbm>>) target(%arg8 : memref<79x128xi32, #tpu.memory_space<vmem>>) target_semaphore(%run_scoped3A : memref<!tpu.dma_semaphore, #tpu.memory_space<semaphore_mem>>)
      %dma_wait3A = arith.constant 0 : i32
      %dma_wait3A_17 = arith.constant 0 : i32
      %dma_wait3A_18 = tpu.memref_slice %arg3[%add3A, %dma_wait3A, %dma_wait3A_17] : memref<32x79x128xi32, #tpu.memory_space<hbm>> -> memref<1x79x128xi32, #tpu.memory_space<hbm>>
      %dma_wait3A_19 = tpu.memref_squeeze %dma_wait3A_18 : memref<1x79x128xi32, #tpu.memory_space<hbm>> -> memref<79x128xi32, #tpu.memory_space<hbm>>
      %dma_wait3A_20 = arith.constant 0 : i32
      %dma_wait3A_21 = arith.constant 0 : i32
      %dma_wait3A_22 = tpu.memref_slice %arg3[%add3A, %dma_wait3A_20, %dma_wait3A_21] : memref<32x79x128xi32, #tpu.memory_space<hbm>> -> memref<1x79x128xi32, #tpu.memory_space<hbm>>
      %dma_wait3A_23 = tpu.memref_squeeze %dma_wait3A_22 : memref<1x79x128xi32, #tpu.memory_space<hbm>> -> memref<79x128xi32, #tpu.memory_space<hbm>>
      tpu.wait_dma2 semaphore(%run_scoped3A : memref<!tpu.dma_semaphore, #tpu.memory_space<semaphore_mem>>) src(%dma_wait3A_23 : memref<79x128xi32, #tpu.memory_space<hbm>>) dst(%arg8 : memref<79x128xi32, #tpu.memory_space<vmem>>)
      tpu.yield
    }) : () -> ()
    "tpu.region"() ({
      %run_scoped3A = tpu.sem_alloc : memref<!tpu.dma_semaphore, #tpu.memory_space<semaphore_mem>>
      %dma_start3A = arith.constant 0 : i32
      %dma_start3A_10 = tpu.memref_slice %arg10[%mul3A_2, %dma_start3A] : memref<10240x128xf32, #tpu.memory_space<vmem_shared>> -> memref<640x128xf32, #tpu.memory_space<vmem_shared>>
      %dma_start3A_11 = arith.constant 0 : i32
      %dma_start3A_12 = tpu.memref_slice %arg5[%mul3A_2, %dma_start3A_11] : memref<10240x128xf32, #tpu.memory_space<hbm>> -> memref<640x128xf32, #tpu.memory_space<hbm>>
      tpu.enqueue_dma source(%dma_start3A_12 : memref<640x128xf32, #tpu.memory_space<hbm>>) target(%dma_start3A_10 : memref<640x128xf32, #tpu.memory_space<vmem_shared>>) target_semaphore(%run_scoped3A : memref<!tpu.dma_semaphore, #tpu.memory_space<semaphore_mem>>)
      %dma_wait3A = arith.constant 0 : i32
      %dma_wait3A_13 = tpu.memref_slice %arg10[%mul3A_2, %dma_wait3A] : memref<10240x128xf32, #tpu.memory_space<vmem_shared>> -> memref<640x128xf32, #tpu.memory_space<vmem_shared>>
      %dma_wait3A_14 = arith.constant 0 : i32
      %dma_wait3A_15 = tpu.memref_slice %arg5[%mul3A_2, %dma_wait3A_14] : memref<10240x128xf32, #tpu.memory_space<hbm>> -> memref<640x128xf32, #tpu.memory_space<hbm>>
      tpu.wait_dma2 semaphore(%run_scoped3A : memref<!tpu.dma_semaphore, #tpu.memory_space<semaphore_mem>>) src(%dma_wait3A_15 : memref<640x128xf32, #tpu.memory_space<hbm>>) dst(%dma_wait3A_13 : memref<640x128xf32, #tpu.memory_space<vmem_shared>>)
      tpu.yield
    }) : () -> ()
    %barrier3A = arith.constant 0 : index
    tpu.barrier barrier_id(%barrier3A)
    %scan3A = arith.constant 0 : i32
    %scan3A_3 = arith.constant 0 : i32
    %scan3A_4 = arith.constant 79 : i32
    %scan3A_5 = arith.addi %scan3A_3, %scan3A_4 : i32
    %scan3A_6 = arith.constant 1 : i32
    %scan3A_7 = scf.for %scan3A_10 = %scan3A_3 to %scan3A_5 step %scan3A_6 iter_args(%scan3A_11 = %scan3A) -> (i32)  : i32 {
      %dma_start3A = arith.constant 0 : i32
      %dma_start3A_12 = tpu.memref_slice %arg7[%scan3A_10, %dma_start3A] : memref<79x128xi32, #tpu.memory_space<vmem>> -> memref<1x128xi32, #tpu.memory_space<vmem>>
      %dma_start3A_13 = tpu.memref_squeeze %dma_start3A_12 : memref<1x128xi32, #tpu.memory_space<vmem>> -> memref<128xi32, #tpu.memory_space<vmem>>
      %dma_start3A_14 = arith.constant 0 : i32
      %dma_start3A_15 = arith.constant 0 : i32
      %dma_start3A_16 = tpu.memref_slice %arg4[%dma_start3A_14, %dma_start3A_15] : memref<10240x128xf32, #tpu.memory_space<hbm>> -> memref<10240x128xf32, #tpu.memory_space<hbm>>
      tpu.enqueue_indirect_dma source(%dma_start3A_16 : memref<10240x128xf32, #tpu.memory_space<hbm>>) target(%arg9 : memref<128x128xf32, #tpu.memory_space<vmem>>) offsets(%dma_start3A_13 : memref<128xi32, #tpu.memory_space<vmem>>) semaphore(%arg11 : memref<!tpu.dma_semaphore, #tpu.memory_space<semaphore_mem>>)
      %dma_wait3A = arith.constant 0 : i32
      %dma_wait3A_17 = tpu.memref_slice %arg7[%scan3A_10, %dma_wait3A] : memref<79x128xi32, #tpu.memory_space<vmem>> -> memref<1x128xi32, #tpu.memory_space<vmem>>
      %dma_wait3A_18 = tpu.memref_squeeze %dma_wait3A_17 : memref<1x128xi32, #tpu.memory_space<vmem>> -> memref<128xi32, #tpu.memory_space<vmem>>
      %dma_wait3A_19 = arith.constant 0 : i32
      %dma_wait3A_20 = arith.constant 0 : i32
      %dma_wait3A_21 = tpu.memref_slice %arg4[%dma_wait3A_19, %dma_wait3A_20] : memref<10240x128xf32, #tpu.memory_space<hbm>> -> memref<10240x128xf32, #tpu.memory_space<hbm>>
      tpu.wait_indirect_dma semaphore(%arg11 : memref<!tpu.dma_semaphore, #tpu.memory_space<semaphore_mem>>) src(%dma_wait3A_21 : memref<10240x128xf32, #tpu.memory_space<hbm>>) dst(%arg9 : memref<128x128xf32, #tpu.memory_space<vmem>>)
      "tpu.region"() ({
        %run_scoped3A = tpu.sem_alloc : memref<!tpu.dma_semaphore, #tpu.memory_space<semaphore_mem>>
        %dma_start3A_23 = arith.constant 0 : i32
        %dma_start3A_24 = tpu.memref_slice %arg8[%scan3A_10, %dma_start3A_23] : memref<79x128xi32, #tpu.memory_space<vmem>> -> memref<1x128xi32, #tpu.memory_space<vmem>>
        %dma_start3A_25 = tpu.memref_squeeze %dma_start3A_24 : memref<1x128xi32, #tpu.memory_space<vmem>> -> memref<128xi32, #tpu.memory_space<vmem>>
        %dma_start3A_26 = arith.constant 0 : i32
        %dma_start3A_27 = arith.constant 0 : i32
        %dma_start3A_28 = tpu.memref_slice %arg10[%dma_start3A_26, %dma_start3A_27] : memref<10240x128xf32, #tpu.memory_space<vmem_shared>> -> memref<10240x128xf32, #tpu.memory_space<vmem_shared>>
        tpu.enqueue_indirect_dma source(%arg9 : memref<128x128xf32, #tpu.memory_space<vmem>>) target(%dma_start3A_28 : memref<10240x128xf32, #tpu.memory_space<vmem_shared>>) offsets(%dma_start3A_25 : memref<128xi32, #tpu.memory_space<vmem>>) semaphore(%run_scoped3A : memref<!tpu.dma_semaphore, #tpu.memory_space<semaphore_mem>>) {add = true}
        %dma_wait3A_29 = arith.constant 0 : i32
        %dma_wait3A_30 = tpu.memref_slice %arg8[%scan3A_10, %dma_wait3A_29] : memref<79x128xi32, #tpu.memory_space<vmem>> -> memref<1x128xi32, #tpu.memory_space<vmem>>
        %dma_wait3A_31 = tpu.memref_squeeze %dma_wait3A_30 : memref<1x128xi32, #tpu.memory_space<vmem>> -> memref<128xi32, #tpu.memory_space<vmem>>
        %dma_wait3A_32 = arith.constant 0 : i32
        %dma_wait3A_33 = arith.constant 0 : i32
        %dma_wait3A_34 = tpu.memref_slice %arg10[%dma_wait3A_32, %dma_wait3A_33] : memref<10240x128xf32, #tpu.memory_space<vmem_shared>> -> memref<10240x128xf32, #tpu.memory_space<vmem_shared>>
        tpu.wait_indirect_dma semaphore(%run_scoped3A : memref<!tpu.dma_semaphore, #tpu.memory_space<semaphore_mem>>) src(%arg9 : memref<128x128xf32, #tpu.memory_space<vmem>>) dst(%dma_wait3A_34 : memref<10240x128xf32, #tpu.memory_space<vmem_shared>>)
        tpu.yield
      }) : () -> ()
      %scan3A_22 = arith.constant 0 : i32
      scf.yield %scan3A_22 : i32
    }
    %scan3A_8 = arith.constant 79 : i32
    %barrier3A_9 = arith.constant 0 : index
    tpu.barrier barrier_id(%barrier3A_9)
    "tpu.region"() ({
      %run_scoped3A = tpu.sem_alloc : memref<!tpu.dma_semaphore, #tpu.memory_space<semaphore_mem>>
      %dma_start3A = arith.constant 0 : i32
      %dma_start3A_10 = tpu.memref_slice %arg6[%arg0, %mul3A_2, %dma_start3A] : memref<2x10240x128xf32, #tpu.memory_space<hbm>> -> memref<1x640x128xf32, #tpu.memory_space<hbm>>
      %dma_start3A_11 = tpu.memref_squeeze %dma_start3A_10 : memref<1x640x128xf32, #tpu.memory_space<hbm>> -> memref<640x128xf32, #tpu.memory_space<hbm>>
      %dma_start3A_12 = arith.constant 0 : i32
      %dma_start3A_13 = tpu.memref_slice %arg10[%mul3A_2, %dma_start3A_12] : memref<10240x128xf32, #tpu.memory_space<vmem_shared>> -> memref<640x128xf32, #tpu.memory_space<vmem_shared>>
      tpu.enqueue_dma source(%dma_start3A_13 : memref<640x128xf32, #tpu.memory_space<vmem_shared>>) target(%dma_start3A_11 : memref<640x128xf32, #tpu.memory_space<hbm>>) target_semaphore(%run_scoped3A : memref<!tpu.dma_semaphore, #tpu.memory_space<semaphore_mem>>)
      %dma_wait3A = arith.constant 0 : i32
      %dma_wait3A_14 = tpu.memref_slice %arg6[%arg0, %mul3A_2, %dma_wait3A] : memref<2x10240x128xf32, #tpu.memory_space<hbm>> -> memref<1x640x128xf32, #tpu.memory_space<hbm>>
      %dma_wait3A_15 = tpu.memref_squeeze %dma_wait3A_14 : memref<1x640x128xf32, #tpu.memory_space<hbm>> -> memref<640x128xf32, #tpu.memory_space<hbm>>
      %dma_wait3A_16 = arith.constant 0 : i32
      %dma_wait3A_17 = tpu.memref_slice %arg10[%mul3A_2, %dma_wait3A_16] : memref<10240x128xf32, #tpu.memory_space<vmem_shared>> -> memref<640x128xf32, #tpu.memory_space<vmem_shared>>
      tpu.wait_dma2 semaphore(%run_scoped3A : memref<!tpu.dma_semaphore, #tpu.memory_space<semaphore_mem>>) src(%dma_wait3A_17 : memref<640x128xf32, #tpu.memory_space<vmem_shared>>) dst(%dma_wait3A_15 : memref<640x128xf32, #tpu.memory_space<hbm>>)
      tpu.yield
    }) : () -> ()
    return
  }
}

#map = affine_map<(d0, d1) -> (0, 0, 0)>
#map1 = affine_map<(d0, d1) -> (0, 0)>
module attributes {stable_mosaic.version = 14 : i64} {
  func.func @body(%arg0: i32, %arg1: i32, %arg2: memref<32x79x128xi32, #tpu.memory_space<hbm>>, %arg3: memref<32x79x128xi32, #tpu.memory_space<hbm>>, %arg4: memref<10240x128xf32, #tpu.memory_space<hbm>>, %arg5: memref<10240x128xf32, #tpu.memory_space<hbm>>, %arg6: memref<2x10240x128xf32, #tpu.memory_space<hbm>>, %arg7: memref<79x128xi32, #tpu.memory_space<vmem>>, %arg8: memref<79x128xi32, #tpu.memory_space<vmem>>, %arg9: memref<128x128xf32, #tpu.memory_space<vmem>>, %arg10: memref<10240x128xf32, #tpu.memory_space<vmem_shared>>, %arg11: memref<!tpu.dma_semaphore, #tpu.memory_space<semaphore_mem>>) attributes {dimension_semantics = [#tpu.dimension_semantics<core_parallel>, #tpu.dimension_semantics<subcore_parallel>], iteration_bounds = array<i64: 2, 16>, scalar_prefetch = 0 : i64, scratch_operands = 5 : i64, tpu.core_type = #tpu.core_type<sc_vector_subcore>, window_params = [{transform_indices = #map}, {transform_indices = #map}, {transform_indices = #map1}, {transform_indices = #map1}, {transform_indices = #map}]} {
    %mul3A = arith.constant 2 : i32
    %mul3A_0 = arith.muli %arg1, %mul3A : i32
    %add3A = arith.addi %mul3A_0, %arg0 : i32
    %mul3A_1 = arith.constant 640 : i32
    %mul3A_2 = arith.muli %arg1, %mul3A_1 : i32
    "tpu.region"() ({
      %run_scoped3A = tpu.sem_alloc : memref<!tpu.dma_semaphore, #tpu.memory_space<semaphore_mem>>
      %dma_start3A = arith.constant 0 : i32
      %dma_start3A_10 = arith.constant 0 : i32
      %dma_start3A_11 = tpu.memref_slice %arg2[%add3A, %dma_start3A, %dma_start3A_10] : memref<32x79x128xi32, #tpu.memory_space<hbm>> -> memref<1x79x128xi32, #tpu.memory_space<hbm>>
      %dma_start3A_12 = tpu.memref_squeeze %dma_start3A_11 : memref<1x79x128xi32, #tpu.memory_space<hbm>> -> memref<79x128xi32, #tpu.memory_space<hbm>>
      %dma_start3A_13 = arith.constant 0 : i32
      %dma_start3A_14 = arith.constant 0 : i32
      %dma_start3A_15 = tpu.memref_slice %arg2[%add3A, %dma_start3A_13, %dma_start3A_14] : memref<32x79x128xi32, #tpu.memory_space<hbm>> -> memref<1x79x128xi32, #tpu.memory_space<hbm>>
      %dma_start3A_16 = tpu.memref_squeeze %dma_start3A_15 : memref<1x79x128xi32, #tpu.memory_space<hbm>> -> memref<79x128xi32, #tpu.memory_space<hbm>>
      tpu.enqueue_dma source(%dma_start3A_16 : memref<79x128xi32, #tpu.memory_space<hbm>>) target(%arg7 : memref<79x128xi32, #tpu.memory_space<vmem>>) target_semaphore(%run_scoped3A : memref<!tpu.dma_semaphore, #tpu.memory_space<semaphore_mem>>)
      %dma_wait3A = arith.constant 0 : i32
      %dma_wait3A_17 = arith.constant 0 : i32
      %dma_wait3A_18 = tpu.memref_slice %arg2[%add3A, %dma_wait3A, %dma_wait3A_17] : memref<32x79x128xi32, #tpu.memory_space<hbm>> -> memref<1x79x128xi32, #tpu.memory_space<hbm>>
      %dma_wait3A_19 = tpu.memref_squeeze %dma_wait3A_18 : memref<1x79x128xi32, #tpu.memory_space<hbm>> -> memref<79x128xi32, #tpu.memory_space<hbm>>
      %dma_wait3A_20 = arith.constant 0 : i32
      %dma_wait3A_21 = arith.constant 0 : i32
      %dma_wait3A_22 = tpu.memref_slice %arg2[%add3A, %dma_wait3A_20, %dma_wait3A_21] : memref<32x79x128xi32, #tpu.memory_space<hbm>> -> memref<1x79x128xi32, #tpu.memory_space<hbm>>
      %dma_wait3A_23 = tpu.memref_squeeze %dma_wait3A_22 : memref<1x79x128xi32, #tpu.memory_space<hbm>> -> memref<79x128xi32, #tpu.memory_space<hbm>>
      tpu.wait_dma2 semaphore(%run_scoped3A : memref<!tpu.dma_semaphore, #tpu.memory_space<semaphore_mem>>) src(%dma_wait3A_23 : memref<79x128xi32, #tpu.memory_space<hbm>>) dst(%arg7 : memref<79x128xi32, #tpu.memory_space<vmem>>)
      tpu.yield
    }) : () -> ()
    "tpu.region"() ({
      %run_scoped3A = tpu.sem_alloc : memref<!tpu.dma_semaphore, #tpu.memory_space<semaphore_mem>>
      %dma_start3A = arith.constant 0 : i32
      %dma_start3A_10 = arith.constant 0 : i32
      %dma_start3A_11 = tpu.memref_slice %arg3[%add3A, %dma_start3A, %dma_start3A_10] : memref<32x79x128xi32, #tpu.memory_space<hbm>> -> memref<1x79x128xi32, #tpu.memory_space<hbm>>
      %dma_start3A_12 = tpu.memref_squeeze %dma_start3A_11 : memref<1x79x128xi32, #tpu.memory_space<hbm>> -> memref<79x128xi32, #tpu.memory_space<hbm>>
      %dma_start3A_13 = arith.constant 0 : i32
      %dma_start3A_14 = arith.constant 0 : i32
      %dma_start3A_15 = tpu.memref_slice %arg3[%add3A, %dma_start3A_13, %dma_start3A_14] : memref<32x79x128xi32, #tpu.memory_space<hbm>> -> memref<1x79x128xi32, #tpu.memory_space<hbm>>
      %dma_start3A_16 = tpu.memref_squeeze %dma_start3A_15 : memref<1x79x128xi32, #tpu.memory_space<hbm>> -> memref<79x128xi32, #tpu.memory_space<hbm>>
      tpu.enqueue_dma source(%dma_start3A_16 : memref<79x128xi32, #tpu.memory_space<hbm>>) target(%arg8 : memref<79x128xi32, #tpu.memory_space<vmem>>) target_semaphore(%run_scoped3A : memref<!tpu.dma_semaphore, #tpu.memory_space<semaphore_mem>>)
      %dma_wait3A = arith.constant 0 : i32
      %dma_wait3A_17 = arith.constant 0 : i32
      %dma_wait3A_18 = tpu.memref_slice %arg3[%add3A, %dma_wait3A, %dma_wait3A_17] : memref<32x79x128xi32, #tpu.memory_space<hbm>> -> memref<1x79x128xi32, #tpu.memory_space<hbm>>
      %dma_wait3A_19 = tpu.memref_squeeze %dma_wait3A_18 : memref<1x79x128xi32, #tpu.memory_space<hbm>> -> memref<79x128xi32, #tpu.memory_space<hbm>>
      %dma_wait3A_20 = arith.constant 0 : i32
      %dma_wait3A_21 = arith.constant 0 : i32
      %dma_wait3A_22 = tpu.memref_slice %arg3[%add3A, %dma_wait3A_20, %dma_wait3A_21] : memref<32x79x128xi32, #tpu.memory_space<hbm>> -> memref<1x79x128xi32, #tpu.memory_space<hbm>>
      %dma_wait3A_23 = tpu.memref_squeeze %dma_wait3A_22 : memref<1x79x128xi32, #tpu.memory_space<hbm>> -> memref<79x128xi32, #tpu.memory_space<hbm>>
      tpu.wait_dma2 semaphore(%run_scoped3A : memref<!tpu.dma_semaphore, #tpu.memory_space<semaphore_mem>>) src(%dma_wait3A_23 : memref<79x128xi32, #tpu.memory_space<hbm>>) dst(%arg8 : memref<79x128xi32, #tpu.memory_space<vmem>>)
      tpu.yield
    }) : () -> ()
    "tpu.region"() ({
      %run_scoped3A = tpu.sem_alloc : memref<!tpu.dma_semaphore, #tpu.memory_space<semaphore_mem>>
      %dma_start3A = arith.constant 0 : i32
      %dma_start3A_10 = tpu.memref_slice %arg10[%mul3A_2, %dma_start3A] : memref<10240x128xf32, #tpu.memory_space<vmem_shared>> -> memref<640x128xf32, #tpu.memory_space<vmem_shared>>
      %dma_start3A_11 = arith.constant 0 : i32
      %dma_start3A_12 = tpu.memref_slice %arg5[%mul3A_2, %dma_start3A_11] : memref<10240x128xf32, #tpu.memory_space<hbm>> -> memref<640x128xf32, #tpu.memory_space<hbm>>
      tpu.enqueue_dma source(%dma_start3A_12 : memref<640x128xf32, #tpu.memory_space<hbm>>) target(%dma_start3A_10 : memref<640x128xf32, #tpu.memory_space<vmem_shared>>) target_semaphore(%run_scoped3A : memref<!tpu.dma_semaphore, #tpu.memory_space<semaphore_mem>>)
      %dma_wait3A = arith.constant 0 : i32
      %dma_wait3A_13 = tpu.memref_slice %arg10[%mul3A_2, %dma_wait3A] : memref<10240x128xf32, #tpu.memory_space<vmem_shared>> -> memref<640x128xf32, #tpu.memory_space<vmem_shared>>
      %dma_wait3A_14 = arith.constant 0 : i32
      %dma_wait3A_15 = tpu.memref_slice %arg5[%mul3A_2, %dma_wait3A_14] : memref<10240x128xf32, #tpu.memory_space<hbm>> -> memref<640x128xf32, #tpu.memory_space<hbm>>
      tpu.wait_dma2 semaphore(%run_scoped3A : memref<!tpu.dma_semaphore, #tpu.memory_space<semaphore_mem>>) src(%dma_wait3A_15 : memref<640x128xf32, #tpu.memory_space<hbm>>) dst(%dma_wait3A_13 : memref<640x128xf32, #tpu.memory_space<vmem_shared>>)
      tpu.yield
    }) : () -> ()
    %barrier3A = arith.constant 0 : index
    tpu.barrier barrier_id(%barrier3A)
    %scan3A = arith.constant 0 : i32
    %scan3A_3 = arith.constant 0 : i32
    %scan3A_4 = arith.constant 79 : i32
    %scan3A_5 = arith.addi %scan3A_3, %scan3A_4 : i32
    %scan3A_6 = arith.constant 1 : i32
    %scan3A_7 = scf.for %scan3A_10 = %scan3A_3 to %scan3A_5 step %scan3A_6 iter_args(%scan3A_11 = %scan3A) -> (i32)  : i32 {
      %dma_start3A = arith.constant 0 : i32
      %dma_start3A_12 = tpu.memref_slice %arg7[%scan3A_10, %dma_start3A] : memref<79x128xi32, #tpu.memory_space<vmem>> -> memref<1x128xi32, #tpu.memory_space<vmem>>
      %dma_start3A_13 = tpu.memref_squeeze %dma_start3A_12 : memref<1x128xi32, #tpu.memory_space<vmem>> -> memref<128xi32, #tpu.memory_space<vmem>>
      %dma_start3A_14 = arith.constant 0 : i32
      %dma_start3A_15 = arith.constant 0 : i32
      %dma_start3A_16 = tpu.memref_slice %arg4[%dma_start3A_14, %dma_start3A_15] : memref<10240x128xf32, #tpu.memory_space<hbm>> -> memref<10240x128xf32, #tpu.memory_space<hbm>>
      tpu.enqueue_indirect_dma source(%dma_start3A_16 : memref<10240x128xf32, #tpu.memory_space<hbm>>) target(%arg9 : memref<128x128xf32, #tpu.memory_space<vmem>>) offsets(%dma_start3A_13 : memref<128xi32, #tpu.memory_space<vmem>>) semaphore(%arg11 : memref<!tpu.dma_semaphore, #tpu.memory_space<semaphore_mem>>)
      %dma_wait3A = arith.constant 0 : i32
      %dma_wait3A_17 = tpu.memref_slice %arg7[%scan3A_10, %dma_wait3A] : memref<79x128xi32, #tpu.memory_space<vmem>> -> memref<1x128xi32, #tpu.memory_space<vmem>>
      %dma_wait3A_18 = tpu.memref_squeeze %dma_wait3A_17 : memref<1x128xi32, #tpu.memory_space<vmem>> -> memref<128xi32, #tpu.memory_space<vmem>>
      %dma_wait3A_19 = arith.constant 0 : i32
      %dma_wait3A_20 = arith.constant 0 : i32
      %dma_wait3A_21 = tpu.memref_slice %arg4[%dma_wait3A_19, %dma_wait3A_20] : memref<10240x128xf32, #tpu.memory_space<hbm>> -> memref<10240x128xf32, #tpu.memory_space<hbm>>
      tpu.wait_indirect_dma semaphore(%arg11 : memref<!tpu.dma_semaphore, #tpu.memory_space<semaphore_mem>>) src(%dma_wait3A_21 : memref<10240x128xf32, #tpu.memory_space<hbm>>) dst(%arg9 : memref<128x128xf32, #tpu.memory_space<vmem>>)
      "tpu.region"() ({
        %run_scoped3A = tpu.sem_alloc : memref<!tpu.dma_semaphore, #tpu.memory_space<semaphore_mem>>
        %dma_start3A_23 = arith.constant 0 : i32
        %dma_start3A_24 = tpu.memref_slice %arg8[%scan3A_10, %dma_start3A_23] : memref<79x128xi32, #tpu.memory_space<vmem>> -> memref<1x128xi32, #tpu.memory_space<vmem>>
        %dma_start3A_25 = tpu.memref_squeeze %dma_start3A_24 : memref<1x128xi32, #tpu.memory_space<vmem>> -> memref<128xi32, #tpu.memory_space<vmem>>
        %dma_start3A_26 = arith.constant 0 : i32
        %dma_start3A_27 = arith.constant 0 : i32
        %dma_start3A_28 = tpu.memref_slice %arg10[%dma_start3A_26, %dma_start3A_27] : memref<10240x128xf32, #tpu.memory_space<vmem_shared>> -> memref<10240x128xf32, #tpu.memory_space<vmem_shared>>
        tpu.enqueue_indirect_dma source(%arg9 : memref<128x128xf32, #tpu.memory_space<vmem>>) target(%dma_start3A_28 : memref<10240x128xf32, #tpu.memory_space<vmem_shared>>) offsets(%dma_start3A_25 : memref<128xi32, #tpu.memory_space<vmem>>) semaphore(%run_scoped3A : memref<!tpu.dma_semaphore, #tpu.memory_space<semaphore_mem>>) {add = true}
        %dma_wait3A_29 = arith.constant 0 : i32
        %dma_wait3A_30 = tpu.memref_slice %arg8[%scan3A_10, %dma_wait3A_29] : memref<79x128xi32, #tpu.memory_space<vmem>> -> memref<1x128xi32, #tpu.memory_space<vmem>>
        %dma_wait3A_31 = tpu.memref_squeeze %dma_wait3A_30 : memref<1x128xi32, #tpu.memory_space<vmem>> -> memref<128xi32, #tpu.memory_space<vmem>>
        %dma_wait3A_32 = arith.constant 0 : i32
        %dma_wait3A_33 = arith.constant 0 : i32
        %dma_wait3A_34 = tpu.memref_slice %arg10[%dma_wait3A_32, %dma_wait3A_33] : memref<10240x128xf32, #tpu.memory_space<vmem_shared>> -> memref<10240x128xf32, #tpu.memory_space<vmem_shared>>
        tpu.wait_indirect_dma semaphore(%run_scoped3A : memref<!tpu.dma_semaphore, #tpu.memory_space<semaphore_mem>>) src(%arg9 : memref<128x128xf32, #tpu.memory_space<vmem>>) dst(%dma_wait3A_34 : memref<10240x128xf32, #tpu.memory_space<vmem_shared>>)
        tpu.yield
      }) : () -> ()
      %scan3A_22 = arith.constant 0 : i32
      scf.yield %scan3A_22 : i32
    }
    %scan3A_8 = arith.constant 79 : i32
    %barrier3A_9 = arith.constant 0 : index
    tpu.barrier barrier_id(%barrier3A_9)
    "tpu.region"() ({
      %run_scoped3A = tpu.sem_alloc : memref<!tpu.dma_semaphore, #tpu.memory_space<semaphore_mem>>
      %dma_start3A = arith.constant 0 : i32
      %dma_start3A_10 = tpu.memref_slice %arg6[%arg0, %mul3A_2, %dma_start3A] : memref<2x10240x128xf32, #tpu.memory_space<hbm>> -> memref<1x640x128xf32, #tpu.memory_space<hbm>>
      %dma_start3A_11 = tpu.memref_squeeze %dma_start3A_10 : memref<1x640x128xf32, #tpu.memory_space<hbm>> -> memref<640x128xf32, #tpu.memory_space<hbm>>
      %dma_start3A_12 = arith.constant 0 : i32
      %dma_start3A_13 = tpu.memref_slice %arg10[%mul3A_2, %dma_start3A_12] : memref<10240x128xf32, #tpu.memory_space<vmem_shared>> -> memref<640x128xf32, #tpu.memory_space<vmem_shared>>
      tpu.enqueue_dma source(%dma_start3A_13 : memref<640x128xf32, #tpu.memory_space<vmem_shared>>) target(%dma_start3A_11 : memref<640x128xf32, #tpu.memory_space<hbm>>) target_semaphore(%run_scoped3A : memref<!tpu.dma_semaphore, #tpu.memory_space<semaphore_mem>>)
      %dma_wait3A = arith.constant 0 : i32
      %dma_wait3A_14 = tpu.memref_slice %arg6[%arg0, %mul3A_2, %dma_wait3A] : memref<2x10240x128xf32, #tpu.memory_space<hbm>> -> memref<1x640x128xf32, #tpu.memory_space<hbm>>
      %dma_wait3A_15 = tpu.memref_squeeze %dma_wait3A_14 : memref<1x640x128xf32, #tpu.memory_space<hbm>> -> memref<640x128xf32, #tpu.memory_space<hbm>>
      %dma_wait3A_16 = arith.constant 0 : i32
      %dma_wait3A_17 = tpu.memref_slice %arg10[%mul3A_2, %dma_wait3A_16] : memref<10240x128xf32, #tpu.memory_space<vmem_shared>> -> memref<640x128xf32, #tpu.memory_space<vmem_shared>>
      tpu.wait_dma2 semaphore(%run_scoped3A : memref<!tpu.dma_semaphore, #tpu.memory_space<semaphore_mem>>) src(%dma_wait3A_17 : memref<640x128xf32, #tpu.memory_space<vmem_shared>>) dst(%dma_wait3A_15 : memref<640x128xf32, #tpu.memory_space<hbm>>)
      tpu.yield
    }) : () -> ()
    return
  }
}

#map = affine_map<(d0, d1) -> (0, 0, 0)>
#map1 = affine_map<(d0, d1) -> (0, 0)>
module attributes {stable_mosaic.version = 14 : i64} {
  func.func @body(%arg0: i32, %arg1: i32, %arg2: memref<32x79x128xi32, #tpu.memory_space<hbm>>, %arg3: memref<32x79x128xi32, #tpu.memory_space<hbm>>, %arg4: memref<10240x128xf32, #tpu.memory_space<hbm>>, %arg5: memref<10240x128xf32, #tpu.memory_space<hbm>>, %arg6: memref<2x10240x128xf32, #tpu.memory_space<hbm>>, %arg7: memref<79x128xi32, #tpu.memory_space<vmem>>, %arg8: memref<79x128xi32, #tpu.memory_space<vmem>>, %arg9: memref<128x128xf32, #tpu.memory_space<vmem>>, %arg10: memref<10240x128xf32, #tpu.memory_space<vmem_shared>>, %arg11: memref<!tpu.dma_semaphore, #tpu.memory_space<semaphore_mem>>) attributes {dimension_semantics = [#tpu.dimension_semantics<core_parallel>, #tpu.dimension_semantics<subcore_parallel>], iteration_bounds = array<i64: 2, 16>, scalar_prefetch = 0 : i64, scratch_operands = 5 : i64, tpu.core_type = #tpu.core_type<sc_vector_subcore>, window_params = [{transform_indices = #map}, {transform_indices = #map}, {transform_indices = #map1}, {transform_indices = #map1}, {transform_indices = #map}]} {
    %mul3A = arith.constant 2 : i32
    %mul3A_0 = arith.muli %arg1, %mul3A : i32
    %add3A = arith.addi %mul3A_0, %arg0 : i32
    %mul3A_1 = arith.constant 640 : i32
    %mul3A_2 = arith.muli %arg1, %mul3A_1 : i32
    "tpu.region"() ({
      %run_scoped3A = tpu.sem_alloc : memref<!tpu.dma_semaphore, #tpu.memory_space<semaphore_mem>>
      %dma_start3A = arith.constant 0 : i32
      %dma_start3A_10 = arith.constant 0 : i32
      %dma_start3A_11 = tpu.memref_slice %arg2[%add3A, %dma_start3A, %dma_start3A_10] : memref<32x79x128xi32, #tpu.memory_space<hbm>> -> memref<1x79x128xi32, #tpu.memory_space<hbm>>
      %dma_start3A_12 = tpu.memref_squeeze %dma_start3A_11 : memref<1x79x128xi32, #tpu.memory_space<hbm>> -> memref<79x128xi32, #tpu.memory_space<hbm>>
      %dma_start3A_13 = arith.constant 0 : i32
      %dma_start3A_14 = arith.constant 0 : i32
      %dma_start3A_15 = tpu.memref_slice %arg2[%add3A, %dma_start3A_13, %dma_start3A_14] : memref<32x79x128xi32, #tpu.memory_space<hbm>> -> memref<1x79x128xi32, #tpu.memory_space<hbm>>
      %dma_start3A_16 = tpu.memref_squeeze %dma_start3A_15 : memref<1x79x128xi32, #tpu.memory_space<hbm>> -> memref<79x128xi32, #tpu.memory_space<hbm>>
      tpu.enqueue_dma source(%dma_start3A_16 : memref<79x128xi32, #tpu.memory_space<hbm>>) target(%arg7 : memref<79x128xi32, #tpu.memory_space<vmem>>) target_semaphore(%run_scoped3A : memref<!tpu.dma_semaphore, #tpu.memory_space<semaphore_mem>>)
      %dma_wait3A = arith.constant 0 : i32
      %dma_wait3A_17 = arith.constant 0 : i32
      %dma_wait3A_18 = tpu.memref_slice %arg2[%add3A, %dma_wait3A, %dma_wait3A_17] : memref<32x79x128xi32, #tpu.memory_space<hbm>> -> memref<1x79x128xi32, #tpu.memory_space<hbm>>
      %dma_wait3A_19 = tpu.memref_squeeze %dma_wait3A_18 : memref<1x79x128xi32, #tpu.memory_space<hbm>> -> memref<79x128xi32, #tpu.memory_space<hbm>>
      %dma_wait3A_20 = arith.constant 0 : i32
      %dma_wait3A_21 = arith.constant 0 : i32
      %dma_wait3A_22 = tpu.memref_slice %arg2[%add3A, %dma_wait3A_20, %dma_wait3A_21] : memref<32x79x128xi32, #tpu.memory_space<hbm>> -> memref<1x79x128xi32, #tpu.memory_space<hbm>>
      %dma_wait3A_23 = tpu.memref_squeeze %dma_wait3A_22 : memref<1x79x128xi32, #tpu.memory_space<hbm>> -> memref<79x128xi32, #tpu.memory_space<hbm>>
      tpu.wait_dma2 semaphore(%run_scoped3A : memref<!tpu.dma_semaphore, #tpu.memory_space<semaphore_mem>>) src(%dma_wait3A_23 : memref<79x128xi32, #tpu.memory_space<hbm>>) dst(%arg7 : memref<79x128xi32, #tpu.memory_space<vmem>>)
      tpu.yield
    }) : () -> ()
    "tpu.region"() ({
      %run_scoped3A = tpu.sem_alloc : memref<!tpu.dma_semaphore, #tpu.memory_space<semaphore_mem>>
      %dma_start3A = arith.constant 0 : i32
      %dma_start3A_10 = arith.constant 0 : i32
      %dma_start3A_11 = tpu.memref_slice %arg3[%add3A, %dma_start3A, %dma_start3A_10] : memref<32x79x128xi32, #tpu.memory_space<hbm>> -> memref<1x79x128xi32, #tpu.memory_space<hbm>>
      %dma_start3A_12 = tpu.memref_squeeze %dma_start3A_11 : memref<1x79x128xi32, #tpu.memory_space<hbm>> -> memref<79x128xi32, #tpu.memory_space<hbm>>
      %dma_start3A_13 = arith.constant 0 : i32
      %dma_start3A_14 = arith.constant 0 : i32
      %dma_start3A_15 = tpu.memref_slice %arg3[%add3A, %dma_start3A_13, %dma_start3A_14] : memref<32x79x128xi32, #tpu.memory_space<hbm>> -> memref<1x79x128xi32, #tpu.memory_space<hbm>>
      %dma_start3A_16 = tpu.memref_squeeze %dma_start3A_15 : memref<1x79x128xi32, #tpu.memory_space<hbm>> -> memref<79x128xi32, #tpu.memory_space<hbm>>
      tpu.enqueue_dma source(%dma_start3A_16 : memref<79x128xi32, #tpu.memory_space<hbm>>) target(%arg8 : memref<79x128xi32, #tpu.memory_space<vmem>>) target_semaphore(%run_scoped3A : memref<!tpu.dma_semaphore, #tpu.memory_space<semaphore_mem>>)
      %dma_wait3A = arith.constant 0 : i32
      %dma_wait3A_17 = arith.constant 0 : i32
      %dma_wait3A_18 = tpu.memref_slice %arg3[%add3A, %dma_wait3A, %dma_wait3A_17] : memref<32x79x128xi32, #tpu.memory_space<hbm>> -> memref<1x79x128xi32, #tpu.memory_space<hbm>>
      %dma_wait3A_19 = tpu.memref_squeeze %dma_wait3A_18 : memref<1x79x128xi32, #tpu.memory_space<hbm>> -> memref<79x128xi32, #tpu.memory_space<hbm>>
      %dma_wait3A_20 = arith.constant 0 : i32
      %dma_wait3A_21 = arith.constant 0 : i32
      %dma_wait3A_22 = tpu.memref_slice %arg3[%add3A, %dma_wait3A_20, %dma_wait3A_21] : memref<32x79x128xi32, #tpu.memory_space<hbm>> -> memref<1x79x128xi32, #tpu.memory_space<hbm>>
      %dma_wait3A_23 = tpu.memref_squeeze %dma_wait3A_22 : memref<1x79x128xi32, #tpu.memory_space<hbm>> -> memref<79x128xi32, #tpu.memory_space<hbm>>
      tpu.wait_dma2 semaphore(%run_scoped3A : memref<!tpu.dma_semaphore, #tpu.memory_space<semaphore_mem>>) src(%dma_wait3A_23 : memref<79x128xi32, #tpu.memory_space<hbm>>) dst(%arg8 : memref<79x128xi32, #tpu.memory_space<vmem>>)
      tpu.yield
    }) : () -> ()
    "tpu.region"() ({
      %run_scoped3A = tpu.sem_alloc : memref<!tpu.dma_semaphore, #tpu.memory_space<semaphore_mem>>
      %dma_start3A = arith.constant 0 : i32
      %dma_start3A_10 = tpu.memref_slice %arg10[%mul3A_2, %dma_start3A] : memref<10240x128xf32, #tpu.memory_space<vmem_shared>> -> memref<640x128xf32, #tpu.memory_space<vmem_shared>>
      %dma_start3A_11 = arith.constant 0 : i32
      %dma_start3A_12 = tpu.memref_slice %arg5[%mul3A_2, %dma_start3A_11] : memref<10240x128xf32, #tpu.memory_space<hbm>> -> memref<640x128xf32, #tpu.memory_space<hbm>>
      tpu.enqueue_dma source(%dma_start3A_12 : memref<640x128xf32, #tpu.memory_space<hbm>>) target(%dma_start3A_10 : memref<640x128xf32, #tpu.memory_space<vmem_shared>>) target_semaphore(%run_scoped3A : memref<!tpu.dma_semaphore, #tpu.memory_space<semaphore_mem>>)
      %dma_wait3A = arith.constant 0 : i32
      %dma_wait3A_13 = tpu.memref_slice %arg10[%mul3A_2, %dma_wait3A] : memref<10240x128xf32, #tpu.memory_space<vmem_shared>> -> memref<640x128xf32, #tpu.memory_space<vmem_shared>>
      %dma_wait3A_14 = arith.constant 0 : i32
      %dma_wait3A_15 = tpu.memref_slice %arg5[%mul3A_2, %dma_wait3A_14] : memref<10240x128xf32, #tpu.memory_space<hbm>> -> memref<640x128xf32, #tpu.memory_space<hbm>>
      tpu.wait_dma2 semaphore(%run_scoped3A : memref<!tpu.dma_semaphore, #tpu.memory_space<semaphore_mem>>) src(%dma_wait3A_15 : memref<640x128xf32, #tpu.memory_space<hbm>>) dst(%dma_wait3A_13 : memref<640x128xf32, #tpu.memory_space<vmem_shared>>)
      tpu.yield
    }) : () -> ()
    %barrier3A = arith.constant 0 : index
    tpu.barrier barrier_id(%barrier3A)
    %scan3A = arith.constant 0 : i32
    %scan3A_3 = arith.constant 0 : i32
    %scan3A_4 = arith.constant 79 : i32
    %scan3A_5 = arith.addi %scan3A_3, %scan3A_4 : i32
    %scan3A_6 = arith.constant 1 : i32
    %scan3A_7 = scf.for %scan3A_10 = %scan3A_3 to %scan3A_5 step %scan3A_6 iter_args(%scan3A_11 = %scan3A) -> (i32)  : i32 {
      %dma_start3A = arith.constant 0 : i32
      %dma_start3A_12 = tpu.memref_slice %arg7[%scan3A_10, %dma_start3A] : memref<79x128xi32, #tpu.memory_space<vmem>> -> memref<1x128xi32, #tpu.memory_space<vmem>>
      %dma_start3A_13 = tpu.memref_squeeze %dma_start3A_12 : memref<1x128xi32, #tpu.memory_space<vmem>> -> memref<128xi32, #tpu.memory_space<vmem>>
      %dma_start3A_14 = arith.constant 0 : i32
      %dma_start3A_15 = arith.constant 0 : i32
      %dma_start3A_16 = tpu.memref_slice %arg4[%dma_start3A_14, %dma_start3A_15] : memref<10240x128xf32, #tpu.memory_space<hbm>> -> memref<10240x128xf32, #tpu.memory_space<hbm>>
      tpu.enqueue_indirect_dma source(%dma_start3A_16 : memref<10240x128xf32, #tpu.memory_space<hbm>>) target(%arg9 : memref<128x128xf32, #tpu.memory_space<vmem>>) offsets(%dma_start3A_13 : memref<128xi32, #tpu.memory_space<vmem>>) semaphore(%arg11 : memref<!tpu.dma_semaphore, #tpu.memory_space<semaphore_mem>>)
      %dma_wait3A = arith.constant 0 : i32
      %dma_wait3A_17 = tpu.memref_slice %arg7[%scan3A_10, %dma_wait3A] : memref<79x128xi32, #tpu.memory_space<vmem>> -> memref<1x128xi32, #tpu.memory_space<vmem>>
      %dma_wait3A_18 = tpu.memref_squeeze %dma_wait3A_17 : memref<1x128xi32, #tpu.memory_space<vmem>> -> memref<128xi32, #tpu.memory_space<vmem>>
      %dma_wait3A_19 = arith.constant 0 : i32
      %dma_wait3A_20 = arith.constant 0 : i32
      %dma_wait3A_21 = tpu.memref_slice %arg4[%dma_wait3A_19, %dma_wait3A_20] : memref<10240x128xf32, #tpu.memory_space<hbm>> -> memref<10240x128xf32, #tpu.memory_space<hbm>>
      tpu.wait_indirect_dma semaphore(%arg11 : memref<!tpu.dma_semaphore, #tpu.memory_space<semaphore_mem>>) src(%dma_wait3A_21 : memref<10240x128xf32, #tpu.memory_space<hbm>>) dst(%arg9 : memref<128x128xf32, #tpu.memory_space<vmem>>)
      "tpu.region"() ({
        %run_scoped3A = tpu.sem_alloc : memref<!tpu.dma_semaphore, #tpu.memory_space<semaphore_mem>>
        %dma_start3A_23 = arith.constant 0 : i32
        %dma_start3A_24 = tpu.memref_slice %arg8[%scan3A_10, %dma_start3A_23] : memref<79x128xi32, #tpu.memory_space<vmem>> -> memref<1x128xi32, #tpu.memory_space<vmem>>
        %dma_start3A_25 = tpu.memref_squeeze %dma_start3A_24 : memref<1x128xi32, #tpu.memory_space<vmem>> -> memref<128xi32, #tpu.memory_space<vmem>>
        %dma_start3A_26 = arith.constant 0 : i32
        %dma_start3A_27 = arith.constant 0 : i32
        %dma_start3A_28 = tpu.memref_slice %arg10[%dma_start3A_26, %dma_start3A_27] : memref<10240x128xf32, #tpu.memory_space<vmem_shared>> -> memref<10240x128xf32, #tpu.memory_space<vmem_shared>>
        tpu.enqueue_indirect_dma source(%arg9 : memref<128x128xf32, #tpu.memory_space<vmem>>) target(%dma_start3A_28 : memref<10240x128xf32, #tpu.memory_space<vmem_shared>>) offsets(%dma_start3A_25 : memref<128xi32, #tpu.memory_space<vmem>>) semaphore(%run_scoped3A : memref<!tpu.dma_semaphore, #tpu.memory_space<semaphore_mem>>) {add = true}
        %dma_wait3A_29 = arith.constant 0 : i32
        %dma_wait3A_30 = tpu.memref_slice %arg8[%scan3A_10, %dma_wait3A_29] : memref<79x128xi32, #tpu.memory_space<vmem>> -> memref<1x128xi32, #tpu.memory_space<vmem>>
        %dma_wait3A_31 = tpu.memref_squeeze %dma_wait3A_30 : memref<1x128xi32, #tpu.memory_space<vmem>> -> memref<128xi32, #tpu.memory_space<vmem>>
        %dma_wait3A_32 = arith.constant 0 : i32
        %dma_wait3A_33 = arith.constant 0 : i32
        %dma_wait3A_34 = tpu.memref_slice %arg10[%dma_wait3A_32, %dma_wait3A_33] : memref<10240x128xf32, #tpu.memory_space<vmem_shared>> -> memref<10240x128xf32, #tpu.memory_space<vmem_shared>>
        tpu.wait_indirect_dma semaphore(%run_scoped3A : memref<!tpu.dma_semaphore, #tpu.memory_space<semaphore_mem>>) src(%arg9 : memref<128x128xf32, #tpu.memory_space<vmem>>) dst(%dma_wait3A_34 : memref<10240x128xf32, #tpu.memory_space<vmem_shared>>)
        tpu.yield
      }) : () -> ()
      %scan3A_22 = arith.constant 0 : i32
      scf.yield %scan3A_22 : i32
    }
    %scan3A_8 = arith.constant 79 : i32
    %barrier3A_9 = arith.constant 0 : index
    tpu.barrier barrier_id(%barrier3A_9)
    "tpu.region"() ({
      %run_scoped3A = tpu.sem_alloc : memref<!tpu.dma_semaphore, #tpu.memory_space<semaphore_mem>>
      %dma_start3A = arith.constant 0 : i32
      %dma_start3A_10 = tpu.memref_slice %arg6[%arg0, %mul3A_2, %dma_start3A] : memref<2x10240x128xf32, #tpu.memory_space<hbm>> -> memref<1x640x128xf32, #tpu.memory_space<hbm>>
      %dma_start3A_11 = tpu.memref_squeeze %dma_start3A_10 : memref<1x640x128xf32, #tpu.memory_space<hbm>> -> memref<640x128xf32, #tpu.memory_space<hbm>>
      %dma_start3A_12 = arith.constant 0 : i32
      %dma_start3A_13 = tpu.memref_slice %arg10[%mul3A_2, %dma_start3A_12] : memref<10240x128xf32, #tpu.memory_space<vmem_shared>> -> memref<640x128xf32, #tpu.memory_space<vmem_shared>>
      tpu.enqueue_dma source(%dma_start3A_13 : memref<640x128xf32, #tpu.memory_space<vmem_shared>>) target(%dma_start3A_11 : memref<640x128xf32, #tpu.memory_space<hbm>>) target_semaphore(%run_scoped3A : memref<!tpu.dma_semaphore, #tpu.memory_space<semaphore_mem>>)
      %dma_wait3A = arith.constant 0 : i32
      %dma_wait3A_14 = tpu.memref_slice %arg6[%arg0, %mul3A_2, %dma_wait3A] : memref<2x10240x128xf32, #tpu.memory_space<hbm>> -> memref<1x640x128xf32, #tpu.memory_space<hbm>>
      %dma_wait3A_15 = tpu.memref_squeeze %dma_wait3A_14 : memref<1x640x128xf32, #tpu.memory_space<hbm>> -> memref<640x128xf32, #tpu.memory_space<hbm>>
      %dma_wait3A_16 = arith.constant 0 : i32
      %dma_wait3A_17 = tpu.memref_slice %arg10[%mul3A_2, %dma_wait3A_16] : memref<10240x128xf32, #tpu.memory_space<vmem_shared>> -> memref<640x128xf32, #tpu.memory_space<vmem_shared>>
      tpu.wait_dma2 semaphore(%run_scoped3A : memref<!tpu.dma_semaphore, #tpu.memory_space<semaphore_mem>>) src(%dma_wait3A_17 : memref<640x128xf32, #tpu.memory_space<vmem_shared>>) dst(%dma_wait3A_15 : memref<640x128xf32, #tpu.memory_space<hbm>>)
      tpu.yield
    }) : () -> ()
    return
  }
}

#map = affine_map<(d0, d1) -> (0, 0, 0)>
#map1 = affine_map<(d0, d1) -> (0, 0)>
module attributes {stable_mosaic.version = 14 : i64} {
  func.func @body(%arg0: i32, %arg1: i32, %arg2: memref<32x79x128xi32, #tpu.memory_space<hbm>>, %arg3: memref<32x79x128xi32, #tpu.memory_space<hbm>>, %arg4: memref<10240x128xf32, #tpu.memory_space<hbm>>, %arg5: memref<10240x128xf32, #tpu.memory_space<hbm>>, %arg6: memref<2x10240x128xf32, #tpu.memory_space<hbm>>, %arg7: memref<79x128xi32, #tpu.memory_space<vmem>>, %arg8: memref<79x128xi32, #tpu.memory_space<vmem>>, %arg9: memref<128x128xf32, #tpu.memory_space<vmem>>, %arg10: memref<10240x128xf32, #tpu.memory_space<vmem_shared>>, %arg11: memref<!tpu.dma_semaphore, #tpu.memory_space<semaphore_mem>>) attributes {dimension_semantics = [#tpu.dimension_semantics<core_parallel>, #tpu.dimension_semantics<subcore_parallel>], iteration_bounds = array<i64: 2, 16>, scalar_prefetch = 0 : i64, scratch_operands = 5 : i64, tpu.core_type = #tpu.core_type<sc_vector_subcore>, window_params = [{transform_indices = #map}, {transform_indices = #map}, {transform_indices = #map1}, {transform_indices = #map1}, {transform_indices = #map}]} {
    %mul3A = arith.constant 2 : i32
    %mul3A_0 = arith.muli %arg1, %mul3A : i32
    %add3A = arith.addi %mul3A_0, %arg0 : i32
    %mul3A_1 = arith.constant 640 : i32
    %mul3A_2 = arith.muli %arg1, %mul3A_1 : i32
    "tpu.region"() ({
      %run_scoped3A = tpu.sem_alloc : memref<!tpu.dma_semaphore, #tpu.memory_space<semaphore_mem>>
      %dma_start3A = arith.constant 0 : i32
      %dma_start3A_10 = arith.constant 0 : i32
      %dma_start3A_11 = tpu.memref_slice %arg2[%add3A, %dma_start3A, %dma_start3A_10] : memref<32x79x128xi32, #tpu.memory_space<hbm>> -> memref<1x79x128xi32, #tpu.memory_space<hbm>>
      %dma_start3A_12 = tpu.memref_squeeze %dma_start3A_11 : memref<1x79x128xi32, #tpu.memory_space<hbm>> -> memref<79x128xi32, #tpu.memory_space<hbm>>
      %dma_start3A_13 = arith.constant 0 : i32
      %dma_start3A_14 = arith.constant 0 : i32
      %dma_start3A_15 = tpu.memref_slice %arg2[%add3A, %dma_start3A_13, %dma_start3A_14] : memref<32x79x128xi32, #tpu.memory_space<hbm>> -> memref<1x79x128xi32, #tpu.memory_space<hbm>>
      %dma_start3A_16 = tpu.memref_squeeze %dma_start3A_15 : memref<1x79x128xi32, #tpu.memory_space<hbm>> -> memref<79x128xi32, #tpu.memory_space<hbm>>
      tpu.enqueue_dma source(%dma_start3A_16 : memref<79x128xi32, #tpu.memory_space<hbm>>) target(%arg7 : memref<79x128xi32, #tpu.memory_space<vmem>>) target_semaphore(%run_scoped3A : memref<!tpu.dma_semaphore, #tpu.memory_space<semaphore_mem>>)
      %dma_wait3A = arith.constant 0 : i32
      %dma_wait3A_17 = arith.constant 0 : i32
      %dma_wait3A_18 = tpu.memref_slice %arg2[%add3A, %dma_wait3A, %dma_wait3A_17] : memref<32x79x128xi32, #tpu.memory_space<hbm>> -> memref<1x79x128xi32, #tpu.memory_space<hbm>>
      %dma_wait3A_19 = tpu.memref_squeeze %dma_wait3A_18 : memref<1x79x128xi32, #tpu.memory_space<hbm>> -> memref<79x128xi32, #tpu.memory_space<hbm>>
      %dma_wait3A_20 = arith.constant 0 : i32
      %dma_wait3A_21 = arith.constant 0 : i32
      %dma_wait3A_22 = tpu.memref_slice %arg2[%add3A, %dma_wait3A_20, %dma_wait3A_21] : memref<32x79x128xi32, #tpu.memory_space<hbm>> -> memref<1x79x128xi32, #tpu.memory_space<hbm>>
      %dma_wait3A_23 = tpu.memref_squeeze %dma_wait3A_22 : memref<1x79x128xi32, #tpu.memory_space<hbm>> -> memref<79x128xi32, #tpu.memory_space<hbm>>
      tpu.wait_dma2 semaphore(%run_scoped3A : memref<!tpu.dma_semaphore, #tpu.memory_space<semaphore_mem>>) src(%dma_wait3A_23 : memref<79x128xi32, #tpu.memory_space<hbm>>) dst(%arg7 : memref<79x128xi32, #tpu.memory_space<vmem>>)
      tpu.yield
    }) : () -> ()
    "tpu.region"() ({
      %run_scoped3A = tpu.sem_alloc : memref<!tpu.dma_semaphore, #tpu.memory_space<semaphore_mem>>
      %dma_start3A = arith.constant 0 : i32
      %dma_start3A_10 = arith.constant 0 : i32
      %dma_start3A_11 = tpu.memref_slice %arg3[%add3A, %dma_start3A, %dma_start3A_10] : memref<32x79x128xi32, #tpu.memory_space<hbm>> -> memref<1x79x128xi32, #tpu.memory_space<hbm>>
      %dma_start3A_12 = tpu.memref_squeeze %dma_start3A_11 : memref<1x79x128xi32, #tpu.memory_space<hbm>> -> memref<79x128xi32, #tpu.memory_space<hbm>>
      %dma_start3A_13 = arith.constant 0 : i32
      %dma_start3A_14 = arith.constant 0 : i32
      %dma_start3A_15 = tpu.memref_slice %arg3[%add3A, %dma_start3A_13, %dma_start3A_14] : memref<32x79x128xi32, #tpu.memory_space<hbm>> -> memref<1x79x128xi32, #tpu.memory_space<hbm>>
      %dma_start3A_16 = tpu.memref_squeeze %dma_start3A_15 : memref<1x79x128xi32, #tpu.memory_space<hbm>> -> memref<79x128xi32, #tpu.memory_space<hbm>>
      tpu.enqueue_dma source(%dma_start3A_16 : memref<79x128xi32, #tpu.memory_space<hbm>>) target(%arg8 : memref<79x128xi32, #tpu.memory_space<vmem>>) target_semaphore(%run_scoped3A : memref<!tpu.dma_semaphore, #tpu.memory_space<semaphore_mem>>)
      %dma_wait3A = arith.constant 0 : i32
      %dma_wait3A_17 = arith.constant 0 : i32
      %dma_wait3A_18 = tpu.memref_slice %arg3[%add3A, %dma_wait3A, %dma_wait3A_17] : memref<32x79x128xi32, #tpu.memory_space<hbm>> -> memref<1x79x128xi32, #tpu.memory_space<hbm>>
      %dma_wait3A_19 = tpu.memref_squeeze %dma_wait3A_18 : memref<1x79x128xi32, #tpu.memory_space<hbm>> -> memref<79x128xi32, #tpu.memory_space<hbm>>
      %dma_wait3A_20 = arith.constant 0 : i32
      %dma_wait3A_21 = arith.constant 0 : i32
      %dma_wait3A_22 = tpu.memref_slice %arg3[%add3A, %dma_wait3A_20, %dma_wait3A_21] : memref<32x79x128xi32, #tpu.memory_space<hbm>> -> memref<1x79x128xi32, #tpu.memory_space<hbm>>
      %dma_wait3A_23 = tpu.memref_squeeze %dma_wait3A_22 : memref<1x79x128xi32, #tpu.memory_space<hbm>> -> memref<79x128xi32, #tpu.memory_space<hbm>>
      tpu.wait_dma2 semaphore(%run_scoped3A : memref<!tpu.dma_semaphore, #tpu.memory_space<semaphore_mem>>) src(%dma_wait3A_23 : memref<79x128xi32, #tpu.memory_space<hbm>>) dst(%arg8 : memref<79x128xi32, #tpu.memory_space<vmem>>)
      tpu.yield
    }) : () -> ()
    "tpu.region"() ({
      %run_scoped3A = tpu.sem_alloc : memref<!tpu.dma_semaphore, #tpu.memory_space<semaphore_mem>>
      %dma_start3A = arith.constant 0 : i32
      %dma_start3A_10 = tpu.memref_slice %arg10[%mul3A_2, %dma_start3A] : memref<10240x128xf32, #tpu.memory_space<vmem_shared>> -> memref<640x128xf32, #tpu.memory_space<vmem_shared>>
      %dma_start3A_11 = arith.constant 0 : i32
      %dma_start3A_12 = tpu.memref_slice %arg5[%mul3A_2, %dma_start3A_11] : memref<10240x128xf32, #tpu.memory_space<hbm>> -> memref<640x128xf32, #tpu.memory_space<hbm>>
      tpu.enqueue_dma source(%dma_start3A_12 : memref<640x128xf32, #tpu.memory_space<hbm>>) target(%dma_start3A_10 : memref<640x128xf32, #tpu.memory_space<vmem_shared>>) target_semaphore(%run_scoped3A : memref<!tpu.dma_semaphore, #tpu.memory_space<semaphore_mem>>)
      %dma_wait3A = arith.constant 0 : i32
      %dma_wait3A_13 = tpu.memref_slice %arg10[%mul3A_2, %dma_wait3A] : memref<10240x128xf32, #tpu.memory_space<vmem_shared>> -> memref<640x128xf32, #tpu.memory_space<vmem_shared>>
      %dma_wait3A_14 = arith.constant 0 : i32
      %dma_wait3A_15 = tpu.memref_slice %arg5[%mul3A_2, %dma_wait3A_14] : memref<10240x128xf32, #tpu.memory_space<hbm>> -> memref<640x128xf32, #tpu.memory_space<hbm>>
      tpu.wait_dma2 semaphore(%run_scoped3A : memref<!tpu.dma_semaphore, #tpu.memory_space<semaphore_mem>>) src(%dma_wait3A_15 : memref<640x128xf32, #tpu.memory_space<hbm>>) dst(%dma_wait3A_13 : memref<640x128xf32, #tpu.memory_space<vmem_shared>>)
      tpu.yield
    }) : () -> ()
    %barrier3A = arith.constant 0 : index
    tpu.barrier barrier_id(%barrier3A)
    %scan3A = arith.constant 0 : i32
    %scan3A_3 = arith.constant 0 : i32
    %scan3A_4 = arith.constant 79 : i32
    %scan3A_5 = arith.addi %scan3A_3, %scan3A_4 : i32
    %scan3A_6 = arith.constant 1 : i32
    %scan3A_7 = scf.for %scan3A_10 = %scan3A_3 to %scan3A_5 step %scan3A_6 iter_args(%scan3A_11 = %scan3A) -> (i32)  : i32 {
      %dma_start3A = arith.constant 0 : i32
      %dma_start3A_12 = tpu.memref_slice %arg7[%scan3A_10, %dma_start3A] : memref<79x128xi32, #tpu.memory_space<vmem>> -> memref<1x128xi32, #tpu.memory_space<vmem>>
      %dma_start3A_13 = tpu.memref_squeeze %dma_start3A_12 : memref<1x128xi32, #tpu.memory_space<vmem>> -> memref<128xi32, #tpu.memory_space<vmem>>
      %dma_start3A_14 = arith.constant 0 : i32
      %dma_start3A_15 = arith.constant 0 : i32
      %dma_start3A_16 = tpu.memref_slice %arg4[%dma_start3A_14, %dma_start3A_15] : memref<10240x128xf32, #tpu.memory_space<hbm>> -> memref<10240x128xf32, #tpu.memory_space<hbm>>
      tpu.enqueue_indirect_dma source(%dma_start3A_16 : memref<10240x128xf32, #tpu.memory_space<hbm>>) target(%arg9 : memref<128x128xf32, #tpu.memory_space<vmem>>) offsets(%dma_start3A_13 : memref<128xi32, #tpu.memory_space<vmem>>) semaphore(%arg11 : memref<!tpu.dma_semaphore, #tpu.memory_space<semaphore_mem>>)
      %dma_wait3A = arith.constant 0 : i32
      %dma_wait3A_17 = tpu.memref_slice %arg7[%scan3A_10, %dma_wait3A] : memref<79x128xi32, #tpu.memory_space<vmem>> -> memref<1x128xi32, #tpu.memory_space<vmem>>
      %dma_wait3A_18 = tpu.memref_squeeze %dma_wait3A_17 : memref<1x128xi32, #tpu.memory_space<vmem>> -> memref<128xi32, #tpu.memory_space<vmem>>
      %dma_wait3A_19 = arith.constant 0 : i32
      %dma_wait3A_20 = arith.constant 0 : i32
      %dma_wait3A_21 = tpu.memref_slice %arg4[%dma_wait3A_19, %dma_wait3A_20] : memref<10240x128xf32, #tpu.memory_space<hbm>> -> memref<10240x128xf32, #tpu.memory_space<hbm>>
      tpu.wait_indirect_dma semaphore(%arg11 : memref<!tpu.dma_semaphore, #tpu.memory_space<semaphore_mem>>) src(%dma_wait3A_21 : memref<10240x128xf32, #tpu.memory_space<hbm>>) dst(%arg9 : memref<128x128xf32, #tpu.memory_space<vmem>>)
      "tpu.region"() ({
        %run_scoped3A = tpu.sem_alloc : memref<!tpu.dma_semaphore, #tpu.memory_space<semaphore_mem>>
        %dma_start3A_23 = arith.constant 0 : i32
        %dma_start3A_24 = tpu.memref_slice %arg8[%scan3A_10, %dma_start3A_23] : memref<79x128xi32, #tpu.memory_space<vmem>> -> memref<1x128xi32, #tpu.memory_space<vmem>>
        %dma_start3A_25 = tpu.memref_squeeze %dma_start3A_24 : memref<1x128xi32, #tpu.memory_space<vmem>> -> memref<128xi32, #tpu.memory_space<vmem>>
        %dma_start3A_26 = arith.constant 0 : i32
        %dma_start3A_27 = arith.constant 0 : i32
        %dma_start3A_28 = tpu.memref_slice %arg10[%dma_start3A_26, %dma_start3A_27] : memref<10240x128xf32, #tpu.memory_space<vmem_shared>> -> memref<10240x128xf32, #tpu.memory_space<vmem_shared>>
        tpu.enqueue_indirect_dma source(%arg9 : memref<128x128xf32, #tpu.memory_space<vmem>>) target(%dma_start3A_28 : memref<10240x128xf32, #tpu.memory_space<vmem_shared>>) offsets(%dma_start3A_25 : memref<128xi32, #tpu.memory_space<vmem>>) semaphore(%run_scoped3A : memref<!tpu.dma_semaphore, #tpu.memory_space<semaphore_mem>>) {add = true}
        %dma_wait3A_29 = arith.constant 0 : i32
        %dma_wait3A_30 = tpu.memref_slice %arg8[%scan3A_10, %dma_wait3A_29] : memref<79x128xi32, #tpu.memory_space<vmem>> -> memref<1x128xi32, #tpu.memory_space<vmem>>
        %dma_wait3A_31 = tpu.memref_squeeze %dma_wait3A_30 : memref<1x128xi32, #tpu.memory_space<vmem>> -> memref<128xi32, #tpu.memory_space<vmem>>
        %dma_wait3A_32 = arith.constant 0 : i32
        %dma_wait3A_33 = arith.constant 0 : i32
        %dma_wait3A_34 = tpu.memref_slice %arg10[%dma_wait3A_32, %dma_wait3A_33] : memref<10240x128xf32, #tpu.memory_space<vmem_shared>> -> memref<10240x128xf32, #tpu.memory_space<vmem_shared>>
        tpu.wait_indirect_dma semaphore(%run_scoped3A : memref<!tpu.dma_semaphore, #tpu.memory_space<semaphore_mem>>) src(%arg9 : memref<128x128xf32, #tpu.memory_space<vmem>>) dst(%dma_wait3A_34 : memref<10240x128xf32, #tpu.memory_space<vmem_shared>>)
        tpu.yield
      }) : () -> ()
      %scan3A_22 = arith.constant 0 : i32
      scf.yield %scan3A_22 : i32
    }
    %scan3A_8 = arith.constant 79 : i32
    %barrier3A_9 = arith.constant 0 : index
    tpu.barrier barrier_id(%barrier3A_9)
    "tpu.region"() ({
      %run_scoped3A = tpu.sem_alloc : memref<!tpu.dma_semaphore, #tpu.memory_space<semaphore_mem>>
      %dma_start3A = arith.constant 0 : i32
      %dma_start3A_10 = tpu.memref_slice %arg6[%arg0, %mul3A_2, %dma_start3A] : memref<2x10240x128xf32, #tpu.memory_space<hbm>> -> memref<1x640x128xf32, #tpu.memory_space<hbm>>
      %dma_start3A_11 = tpu.memref_squeeze %dma_start3A_10 : memref<1x640x128xf32, #tpu.memory_space<hbm>> -> memref<640x128xf32, #tpu.memory_space<hbm>>
      %dma_start3A_12 = arith.constant 0 : i32
      %dma_start3A_13 = tpu.memref_slice %arg10[%mul3A_2, %dma_start3A_12] : memref<10240x128xf32, #tpu.memory_space<vmem_shared>> -> memref<640x128xf32, #tpu.memory_space<vmem_shared>>
      tpu.enqueue_dma source(%dma_start3A_13 : memref<640x128xf32, #tpu.memory_space<vmem_shared>>) target(%dma_start3A_11 : memref<640x128xf32, #tpu.memory_space<hbm>>) target_semaphore(%run_scoped3A : memref<!tpu.dma_semaphore, #tpu.memory_space<semaphore_mem>>)
      %dma_wait3A = arith.constant 0 : i32
      %dma_wait3A_14 = tpu.memref_slice %arg6[%arg0, %mul3A_2, %dma_wait3A] : memref<2x10240x128xf32, #tpu.memory_space<hbm>> -> memref<1x640x128xf32, #tpu.memory_space<hbm>>
      %dma_wait3A_15 = tpu.memref_squeeze %dma_wait3A_14 : memref<1x640x128xf32, #tpu.memory_space<hbm>> -> memref<640x128xf32, #tpu.memory_space<hbm>>
      %dma_wait3A_16 = arith.constant 0 : i32
      %dma_wait3A_17 = tpu.memref_slice %arg10[%mul3A_2, %dma_wait3A_16] : memref<10240x128xf32, #tpu.memory_space<vmem_shared>> -> memref<640x128xf32, #tpu.memory_space<vmem_shared>>
      tpu.wait_dma2 semaphore(%run_scoped3A : memref<!tpu.dma_semaphore, #tpu.memory_space<semaphore_mem>>) src(%dma_wait3A_17 : memref<640x128xf32, #tpu.memory_space<vmem_shared>>) dst(%dma_wait3A_15 : memref<640x128xf32, #tpu.memory_space<hbm>>)
      tpu.yield
    }) : () -> ()
    return
  }
}

#map = affine_map<(d0, d1) -> (0, 0, 0)>
#map1 = affine_map<(d0, d1) -> (0, 0)>
module attributes {stable_mosaic.version = 14 : i64} {
  func.func @body(%arg0: i32, %arg1: i32, %arg2: memref<32x79x128xi32, #tpu.memory_space<hbm>>, %arg3: memref<32x79x128xi32, #tpu.memory_space<hbm>>, %arg4: memref<10240x128xf32, #tpu.memory_space<hbm>>, %arg5: memref<10240x128xf32, #tpu.memory_space<hbm>>, %arg6: memref<2x10240x128xf32, #tpu.memory_space<hbm>>, %arg7: memref<79x128xi32, #tpu.memory_space<vmem>>, %arg8: memref<79x128xi32, #tpu.memory_space<vmem>>, %arg9: memref<128x128xf32, #tpu.memory_space<vmem>>, %arg10: memref<10240x128xf32, #tpu.memory_space<vmem_shared>>, %arg11: memref<!tpu.dma_semaphore, #tpu.memory_space<semaphore_mem>>) attributes {dimension_semantics = [#tpu.dimension_semantics<core_parallel>, #tpu.dimension_semantics<subcore_parallel>], iteration_bounds = array<i64: 2, 16>, scalar_prefetch = 0 : i64, scratch_operands = 5 : i64, tpu.core_type = #tpu.core_type<sc_vector_subcore>, window_params = [{transform_indices = #map}, {transform_indices = #map}, {transform_indices = #map1}, {transform_indices = #map1}, {transform_indices = #map}]} {
    %mul3A = arith.constant 2 : i32
    %mul3A_0 = arith.muli %arg1, %mul3A : i32
    %add3A = arith.addi %mul3A_0, %arg0 : i32
    %mul3A_1 = arith.constant 640 : i32
    %mul3A_2 = arith.muli %arg1, %mul3A_1 : i32
    "tpu.region"() ({
      %run_scoped3A = tpu.sem_alloc : memref<!tpu.dma_semaphore, #tpu.memory_space<semaphore_mem>>
      %dma_start3A = arith.constant 0 : i32
      %dma_start3A_10 = arith.constant 0 : i32
      %dma_start3A_11 = tpu.memref_slice %arg2[%add3A, %dma_start3A, %dma_start3A_10] : memref<32x79x128xi32, #tpu.memory_space<hbm>> -> memref<1x79x128xi32, #tpu.memory_space<hbm>>
      %dma_start3A_12 = tpu.memref_squeeze %dma_start3A_11 : memref<1x79x128xi32, #tpu.memory_space<hbm>> -> memref<79x128xi32, #tpu.memory_space<hbm>>
      %dma_start3A_13 = arith.constant 0 : i32
      %dma_start3A_14 = arith.constant 0 : i32
      %dma_start3A_15 = tpu.memref_slice %arg2[%add3A, %dma_start3A_13, %dma_start3A_14] : memref<32x79x128xi32, #tpu.memory_space<hbm>> -> memref<1x79x128xi32, #tpu.memory_space<hbm>>
      %dma_start3A_16 = tpu.memref_squeeze %dma_start3A_15 : memref<1x79x128xi32, #tpu.memory_space<hbm>> -> memref<79x128xi32, #tpu.memory_space<hbm>>
      tpu.enqueue_dma source(%dma_start3A_16 : memref<79x128xi32, #tpu.memory_space<hbm>>) target(%arg7 : memref<79x128xi32, #tpu.memory_space<vmem>>) target_semaphore(%run_scoped3A : memref<!tpu.dma_semaphore, #tpu.memory_space<semaphore_mem>>)
      %dma_wait3A = arith.constant 0 : i32
      %dma_wait3A_17 = arith.constant 0 : i32
      %dma_wait3A_18 = tpu.memref_slice %arg2[%add3A, %dma_wait3A, %dma_wait3A_17] : memref<32x79x128xi32, #tpu.memory_space<hbm>> -> memref<1x79x128xi32, #tpu.memory_space<hbm>>
      %dma_wait3A_19 = tpu.memref_squeeze %dma_wait3A_18 : memref<1x79x128xi32, #tpu.memory_space<hbm>> -> memref<79x128xi32, #tpu.memory_space<hbm>>
      %dma_wait3A_20 = arith.constant 0 : i32
      %dma_wait3A_21 = arith.constant 0 : i32
      %dma_wait3A_22 = tpu.memref_slice %arg2[%add3A, %dma_wait3A_20, %dma_wait3A_21] : memref<32x79x128xi32, #tpu.memory_space<hbm>> -> memref<1x79x128xi32, #tpu.memory_space<hbm>>
      %dma_wait3A_23 = tpu.memref_squeeze %dma_wait3A_22 : memref<1x79x128xi32, #tpu.memory_space<hbm>> -> memref<79x128xi32, #tpu.memory_space<hbm>>
      tpu.wait_dma2 semaphore(%run_scoped3A : memref<!tpu.dma_semaphore, #tpu.memory_space<semaphore_mem>>) src(%dma_wait3A_23 : memref<79x128xi32, #tpu.memory_space<hbm>>) dst(%arg7 : memref<79x128xi32, #tpu.memory_space<vmem>>)
      tpu.yield
    }) : () -> ()
    "tpu.region"() ({
      %run_scoped3A = tpu.sem_alloc : memref<!tpu.dma_semaphore, #tpu.memory_space<semaphore_mem>>
      %dma_start3A = arith.constant 0 : i32
      %dma_start3A_10 = arith.constant 0 : i32
      %dma_start3A_11 = tpu.memref_slice %arg3[%add3A, %dma_start3A, %dma_start3A_10] : memref<32x79x128xi32, #tpu.memory_space<hbm>> -> memref<1x79x128xi32, #tpu.memory_space<hbm>>
      %dma_start3A_12 = tpu.memref_squeeze %dma_start3A_11 : memref<1x79x128xi32, #tpu.memory_space<hbm>> -> memref<79x128xi32, #tpu.memory_space<hbm>>
      %dma_start3A_13 = arith.constant 0 : i32
      %dma_start3A_14 = arith.constant 0 : i32
      %dma_start3A_15 = tpu.memref_slice %arg3[%add3A, %dma_start3A_13, %dma_start3A_14] : memref<32x79x128xi32, #tpu.memory_space<hbm>> -> memref<1x79x128xi32, #tpu.memory_space<hbm>>
      %dma_start3A_16 = tpu.memref_squeeze %dma_start3A_15 : memref<1x79x128xi32, #tpu.memory_space<hbm>> -> memref<79x128xi32, #tpu.memory_space<hbm>>
      tpu.enqueue_dma source(%dma_start3A_16 : memref<79x128xi32, #tpu.memory_space<hbm>>) target(%arg8 : memref<79x128xi32, #tpu.memory_space<vmem>>) target_semaphore(%run_scoped3A : memref<!tpu.dma_semaphore, #tpu.memory_space<semaphore_mem>>)
      %dma_wait3A = arith.constant 0 : i32
      %dma_wait3A_17 = arith.constant 0 : i32
      %dma_wait3A_18 = tpu.memref_slice %arg3[%add3A, %dma_wait3A, %dma_wait3A_17] : memref<32x79x128xi32, #tpu.memory_space<hbm>> -> memref<1x79x128xi32, #tpu.memory_space<hbm>>
      %dma_wait3A_19 = tpu.memref_squeeze %dma_wait3A_18 : memref<1x79x128xi32, #tpu.memory_space<hbm>> -> memref<79x128xi32, #tpu.memory_space<hbm>>
      %dma_wait3A_20 = arith.constant 0 : i32
      %dma_wait3A_21 = arith.constant 0 : i32
      %dma_wait3A_22 = tpu.memref_slice %arg3[%add3A, %dma_wait3A_20, %dma_wait3A_21] : memref<32x79x128xi32, #tpu.memory_space<hbm>> -> memref<1x79x128xi32, #tpu.memory_space<hbm>>
      %dma_wait3A_23 = tpu.memref_squeeze %dma_wait3A_22 : memref<1x79x128xi32, #tpu.memory_space<hbm>> -> memref<79x128xi32, #tpu.memory_space<hbm>>
      tpu.wait_dma2 semaphore(%run_scoped3A : memref<!tpu.dma_semaphore, #tpu.memory_space<semaphore_mem>>) src(%dma_wait3A_23 : memref<79x128xi32, #tpu.memory_space<hbm>>) dst(%arg8 : memref<79x128xi32, #tpu.memory_space<vmem>>)
      tpu.yield
    }) : () -> ()
    "tpu.region"() ({
      %run_scoped3A = tpu.sem_alloc : memref<!tpu.dma_semaphore, #tpu.memory_space<semaphore_mem>>
      %dma_start3A = arith.constant 0 : i32
      %dma_start3A_10 = tpu.memref_slice %arg10[%mul3A_2, %dma_start3A] : memref<10240x128xf32, #tpu.memory_space<vmem_shared>> -> memref<640x128xf32, #tpu.memory_space<vmem_shared>>
      %dma_start3A_11 = arith.constant 0 : i32
      %dma_start3A_12 = tpu.memref_slice %arg5[%mul3A_2, %dma_start3A_11] : memref<10240x128xf32, #tpu.memory_space<hbm>> -> memref<640x128xf32, #tpu.memory_space<hbm>>
      tpu.enqueue_dma source(%dma_start3A_12 : memref<640x128xf32, #tpu.memory_space<hbm>>) target(%dma_start3A_10 : memref<640x128xf32, #tpu.memory_space<vmem_shared>>) target_semaphore(%run_scoped3A : memref<!tpu.dma_semaphore, #tpu.memory_space<semaphore_mem>>)
      %dma_wait3A = arith.constant 0 : i32
      %dma_wait3A_13 = tpu.memref_slice %arg10[%mul3A_2, %dma_wait3A] : memref<10240x128xf32, #tpu.memory_space<vmem_shared>> -> memref<640x128xf32, #tpu.memory_space<vmem_shared>>
      %dma_wait3A_14 = arith.constant 0 : i32
      %dma_wait3A_15 = tpu.memref_slice %arg5[%mul3A_2, %dma_wait3A_14] : memref<10240x128xf32, #tpu.memory_space<hbm>> -> memref<640x128xf32, #tpu.memory_space<hbm>>
      tpu.wait_dma2 semaphore(%run_scoped3A : memref<!tpu.dma_semaphore, #tpu.memory_space<semaphore_mem>>) src(%dma_wait3A_15 : memref<640x128xf32, #tpu.memory_space<hbm>>) dst(%dma_wait3A_13 : memref<640x128xf32, #tpu.memory_space<vmem_shared>>)
      tpu.yield
    }) : () -> ()
    %barrier3A = arith.constant 0 : index
    tpu.barrier barrier_id(%barrier3A)
    %scan3A = arith.constant 0 : i32
    %scan3A_3 = arith.constant 0 : i32
    %scan3A_4 = arith.constant 79 : i32
    %scan3A_5 = arith.addi %scan3A_3, %scan3A_4 : i32
    %scan3A_6 = arith.constant 1 : i32
    %scan3A_7 = scf.for %scan3A_10 = %scan3A_3 to %scan3A_5 step %scan3A_6 iter_args(%scan3A_11 = %scan3A) -> (i32)  : i32 {
      %dma_start3A = arith.constant 0 : i32
      %dma_start3A_12 = tpu.memref_slice %arg7[%scan3A_10, %dma_start3A] : memref<79x128xi32, #tpu.memory_space<vmem>> -> memref<1x128xi32, #tpu.memory_space<vmem>>
      %dma_start3A_13 = tpu.memref_squeeze %dma_start3A_12 : memref<1x128xi32, #tpu.memory_space<vmem>> -> memref<128xi32, #tpu.memory_space<vmem>>
      %dma_start3A_14 = arith.constant 0 : i32
      %dma_start3A_15 = arith.constant 0 : i32
      %dma_start3A_16 = tpu.memref_slice %arg4[%dma_start3A_14, %dma_start3A_15] : memref<10240x128xf32, #tpu.memory_space<hbm>> -> memref<10240x128xf32, #tpu.memory_space<hbm>>
      tpu.enqueue_indirect_dma source(%dma_start3A_16 : memref<10240x128xf32, #tpu.memory_space<hbm>>) target(%arg9 : memref<128x128xf32, #tpu.memory_space<vmem>>) offsets(%dma_start3A_13 : memref<128xi32, #tpu.memory_space<vmem>>) semaphore(%arg11 : memref<!tpu.dma_semaphore, #tpu.memory_space<semaphore_mem>>)
      %dma_wait3A = arith.constant 0 : i32
      %dma_wait3A_17 = tpu.memref_slice %arg7[%scan3A_10, %dma_wait3A] : memref<79x128xi32, #tpu.memory_space<vmem>> -> memref<1x128xi32, #tpu.memory_space<vmem>>
      %dma_wait3A_18 = tpu.memref_squeeze %dma_wait3A_17 : memref<1x128xi32, #tpu.memory_space<vmem>> -> memref<128xi32, #tpu.memory_space<vmem>>
      %dma_wait3A_19 = arith.constant 0 : i32
      %dma_wait3A_20 = arith.constant 0 : i32
      %dma_wait3A_21 = tpu.memref_slice %arg4[%dma_wait3A_19, %dma_wait3A_20] : memref<10240x128xf32, #tpu.memory_space<hbm>> -> memref<10240x128xf32, #tpu.memory_space<hbm>>
      tpu.wait_indirect_dma semaphore(%arg11 : memref<!tpu.dma_semaphore, #tpu.memory_space<semaphore_mem>>) src(%dma_wait3A_21 : memref<10240x128xf32, #tpu.memory_space<hbm>>) dst(%arg9 : memref<128x128xf32, #tpu.memory_space<vmem>>)
      "tpu.region"() ({
        %run_scoped3A = tpu.sem_alloc : memref<!tpu.dma_semaphore, #tpu.memory_space<semaphore_mem>>
        %dma_start3A_23 = arith.constant 0 : i32
        %dma_start3A_24 = tpu.memref_slice %arg8[%scan3A_10, %dma_start3A_23] : memref<79x128xi32, #tpu.memory_space<vmem>> -> memref<1x128xi32, #tpu.memory_space<vmem>>
        %dma_start3A_25 = tpu.memref_squeeze %dma_start3A_24 : memref<1x128xi32, #tpu.memory_space<vmem>> -> memref<128xi32, #tpu.memory_space<vmem>>
        %dma_start3A_26 = arith.constant 0 : i32
        %dma_start3A_27 = arith.constant 0 : i32
        %dma_start3A_28 = tpu.memref_slice %arg10[%dma_start3A_26, %dma_start3A_27] : memref<10240x128xf32, #tpu.memory_space<vmem_shared>> -> memref<10240x128xf32, #tpu.memory_space<vmem_shared>>
        tpu.enqueue_indirect_dma source(%arg9 : memref<128x128xf32, #tpu.memory_space<vmem>>) target(%dma_start3A_28 : memref<10240x128xf32, #tpu.memory_space<vmem_shared>>) offsets(%dma_start3A_25 : memref<128xi32, #tpu.memory_space<vmem>>) semaphore(%run_scoped3A : memref<!tpu.dma_semaphore, #tpu.memory_space<semaphore_mem>>) {add = true}
        %dma_wait3A_29 = arith.constant 0 : i32
        %dma_wait3A_30 = tpu.memref_slice %arg8[%scan3A_10, %dma_wait3A_29] : memref<79x128xi32, #tpu.memory_space<vmem>> -> memref<1x128xi32, #tpu.memory_space<vmem>>
        %dma_wait3A_31 = tpu.memref_squeeze %dma_wait3A_30 : memref<1x128xi32, #tpu.memory_space<vmem>> -> memref<128xi32, #tpu.memory_space<vmem>>
        %dma_wait3A_32 = arith.constant 0 : i32
        %dma_wait3A_33 = arith.constant 0 : i32
        %dma_wait3A_34 = tpu.memref_slice %arg10[%dma_wait3A_32, %dma_wait3A_33] : memref<10240x128xf32, #tpu.memory_space<vmem_shared>> -> memref<10240x128xf32, #tpu.memory_space<vmem_shared>>
        tpu.wait_indirect_dma semaphore(%run_scoped3A : memref<!tpu.dma_semaphore, #tpu.memory_space<semaphore_mem>>) src(%arg9 : memref<128x128xf32, #tpu.memory_space<vmem>>) dst(%dma_wait3A_34 : memref<10240x128xf32, #tpu.memory_space<vmem_shared>>)
        tpu.yield
      }) : () -> ()
      %scan3A_22 = arith.constant 0 : i32
      scf.yield %scan3A_22 : i32
    }
    %scan3A_8 = arith.constant 79 : i32
    %barrier3A_9 = arith.constant 0 : index
    tpu.barrier barrier_id(%barrier3A_9)
    "tpu.region"() ({
      %run_scoped3A = tpu.sem_alloc : memref<!tpu.dma_semaphore, #tpu.memory_space<semaphore_mem>>
      %dma_start3A = arith.constant 0 : i32
      %dma_start3A_10 = tpu.memref_slice %arg6[%arg0, %mul3A_2, %dma_start3A] : memref<2x10240x128xf32, #tpu.memory_space<hbm>> -> memref<1x640x128xf32, #tpu.memory_space<hbm>>
      %dma_start3A_11 = tpu.memref_squeeze %dma_start3A_10 : memref<1x640x128xf32, #tpu.memory_space<hbm>> -> memref<640x128xf32, #tpu.memory_space<hbm>>
      %dma_start3A_12 = arith.constant 0 : i32
      %dma_start3A_13 = tpu.memref_slice %arg10[%mul3A_2, %dma_start3A_12] : memref<10240x128xf32, #tpu.memory_space<vmem_shared>> -> memref<640x128xf32, #tpu.memory_space<vmem_shared>>
      tpu.enqueue_dma source(%dma_start3A_13 : memref<640x128xf32, #tpu.memory_space<vmem_shared>>) target(%dma_start3A_11 : memref<640x128xf32, #tpu.memory_space<hbm>>) target_semaphore(%run_scoped3A : memref<!tpu.dma_semaphore, #tpu.memory_space<semaphore_mem>>)
      %dma_wait3A = arith.constant 0 : i32
      %dma_wait3A_14 = tpu.memref_slice %arg6[%arg0, %mul3A_2, %dma_wait3A] : memref<2x10240x128xf32, #tpu.memory_space<hbm>> -> memref<1x640x128xf32, #tpu.memory_space<hbm>>
      %dma_wait3A_15 = tpu.memref_squeeze %dma_wait3A_14 : memref<1x640x128xf32, #tpu.memory_space<hbm>> -> memref<640x128xf32, #tpu.memory_space<hbm>>
      %dma_wait3A_16 = arith.constant 0 : i32
      %dma_wait3A_17 = tpu.memref_slice %arg10[%mul3A_2, %dma_wait3A_16] : memref<10240x128xf32, #tpu.memory_space<vmem_shared>> -> memref<640x128xf32, #tpu.memory_space<vmem_shared>>
      tpu.wait_dma2 semaphore(%run_scoped3A : memref<!tpu.dma_semaphore, #tpu.memory_space<semaphore_mem>>) src(%dma_wait3A_17 : memref<640x128xf32, #tpu.memory_space<vmem_shared>>) dst(%dma_wait3A_15 : memref<640x128xf32, #tpu.memory_space<hbm>>)
      tpu.yield
    }) : () -> ()
    return
  }
}

module attributes {stable_mosaic.version = 14 : i64} {
  func.func @_recip_body(%arg0: i32, %arg1: memref<2x1024xf32, #tpu.memory_space<vmem>>, %arg2: memref<2x1024xf32, #tpu.memory_space<vmem>>, %arg3: memref<1024x1xf32, #tpu.memory_space<vmem>>, %arg4: memref<1024x1xf32, #tpu.memory_space<vmem>>) attributes {dimension_semantics = [#tpu.dimension_semantics<arbitrary>], iteration_bounds = array<i64: 10>, scalar_prefetch = 0 : i64, scratch_operands = 0 : i64, tpu.core_type = #tpu.core_type<tc>, window_params = [{transform_indices = @transform_0, window_bounds = array<i64: 2, 1024>}, {transform_indices = @transform_1, window_bounds = array<i64: 2, 1024>}, {transform_indices = @transform_2, window_bounds = array<i64: 1024, 1>}, {transform_indices = @transform_3, window_bounds = array<i64: 1024, 1>}]} {
    %get3A = arith.constant 0 : index
    %get3A_0 = arith.constant 0 : index
    %get3A_1 = vector.load %arg1[%get3A, %get3A_0] : memref<2x1024xf32, #tpu.memory_space<vmem>>, vector<2x1024xf32>
    %reduce_sum3A = arith.constant dense<0.000000e+00> : vector<1024xf32>
    %reduce_sum3A_2 = vector.multi_reduction <add>, %get3A_1, %reduce_sum3A [0] : vector<2x1024xf32> to vector<1024xf32>
    %get3A_3 = arith.constant 0 : index
    %get3A_4 = arith.constant 0 : index
    %get3A_5 = vector.load %arg2[%get3A_3, %get3A_4] : memref<2x1024xf32, #tpu.memory_space<vmem>>, vector<2x1024xf32>
    %reduce_sum3A_6 = arith.constant dense<0.000000e+00> : vector<1024xf32>
    %reduce_sum3A_7 = vector.multi_reduction <add>, %get3A_5, %reduce_sum3A_6 [0] : vector<2x1024xf32> to vector<1024xf32>
    %gt3A = arith.constant 0.000000e+00 : f32
    %gt3A_8 = vector.broadcast %gt3A : f32 to vector<1024xf32>
    %gt3A_9 = arith.cmpf ogt, %reduce_sum3A_2, %gt3A_8 : vector<1024xf32>
    %div3A = arith.constant 1.000000e+00 : f32
    %div3A_10 = vector.broadcast %div3A : f32 to vector<1024xf32>
    %div3A_11 = arith.divf %div3A_10, %reduce_sum3A_2 : vector<1024xf32>
    %jit3A = arith.constant 0.000000e+00 : f32
    %broadcast_in_dim3A = vector.broadcast %jit3A : f32 to vector<1024xf32>
    %select_n3A = arith.select %gt3A_9, %div3A_11, %broadcast_in_dim3A : vector<1024xi1>, vector<1024xf32>
    %broadcast_in_dim3A_12 = vector.shape_cast %select_n3A : vector<1024xf32> to vector<1024x1xf32>
    %swap3A = arith.constant 0 : index
    %swap3A_13 = arith.constant 0 : index
    %swap3A_14 = vector.load %arg3[%swap3A, %swap3A_13] : memref<1024x1xf32, #tpu.memory_space<vmem>>, vector<1024x1xf32>
    tpu.vector_store %arg3[%swap3A, %swap3A_13], %broadcast_in_dim3A_12 {strides = array<i32>} : memref<1024x1xf32, #tpu.memory_space<vmem>>, vector<1024x1xf32>,
    %gt3A_15 = arith.constant 0.000000e+00 : f32
    %gt3A_16 = vector.broadcast %gt3A_15 : f32 to vector<1024xf32>
    %gt3A_17 = arith.cmpf ogt, %reduce_sum3A_7, %gt3A_16 : vector<1024xf32>
    %div3A_18 = arith.constant 1.000000e+00 : f32
    %div3A_19 = vector.broadcast %div3A_18 : f32 to vector<1024xf32>
    %div3A_20 = arith.divf %div3A_19, %reduce_sum3A_7 : vector<1024xf32>
    %jit3A_21 = arith.constant 0.000000e+00 : f32
    %broadcast_in_dim3A_22 = vector.broadcast %jit3A_21 : f32 to vector<1024xf32>
    %select_n3A_23 = arith.select %gt3A_17, %div3A_20, %broadcast_in_dim3A_22 : vector<1024xi1>, vector<1024xf32>
    %broadcast_in_dim3A_24 = vector.shape_cast %select_n3A_23 : vector<1024xf32> to vector<1024x1xf32>
    %swap3A_25 = arith.constant 0 : index
    %swap3A_26 = arith.constant 0 : index
    %swap3A_27 = vector.load %arg4[%swap3A_25, %swap3A_26] : memref<1024x1xf32, #tpu.memory_space<vmem>>, vector<1024x1xf32>
    tpu.vector_store %arg4[%swap3A_25, %swap3A_26], %broadcast_in_dim3A_24 {strides = array<i32>} : memref<1024x1xf32, #tpu.memory_space<vmem>>, vector<1024x1xf32>,
    return
  }
  func.func @transform_0(%arg0: i32) -> (i32, i32) {
    %c0_i32 = arith.constant 0 : i32
    %c0_i32_0 = arith.constant 0 : i32
    return %c0_i32, %arg0 : i32, i32
  }
  func.func @transform_1(%arg0: i32) -> (i32, i32) {
    %c0_i32 = arith.constant 0 : i32
    %c0_i32_0 = arith.constant 0 : i32
    return %c0_i32, %arg0 : i32, i32
  }
  func.func @transform_2(%arg0: i32) -> (i32, i32) {
    %c0_i32 = arith.constant 0 : i32
    %c0_i32_0 = arith.constant 0 : i32
    return %arg0, %c0_i32 : i32, i32
  }
  func.func @transform_3(%arg0: i32) -> (i32, i32) {
    %c0_i32 = arith.constant 0 : i32
    %c0_i32_0 = arith.constant 0 : i32
    return %arg0, %c0_i32 : i32, i32
  }
}

module attributes {stable_mosaic.version = 14 : i64} {
  func.func @_combine_body(%arg0: i32, %arg1: memref<2x1024x128xf32, #tpu.memory_space<vmem>>, %arg2: memref<1024x1xf32, #tpu.memory_space<vmem>>, %arg3: memref<1024x128xf32, #tpu.memory_space<vmem>>) attributes {dimension_semantics = [#tpu.dimension_semantics<arbitrary>], iteration_bounds = array<i64: 10>, scalar_prefetch = 0 : i64, scratch_operands = 0 : i64, tpu.core_type = #tpu.core_type<tc>, window_params = [{transform_indices = @transform_0, window_bounds = array<i64: 2, 1024, 128>}, {transform_indices = @transform_1, window_bounds = array<i64: 1024, 1>}, {transform_indices = @transform_2, window_bounds = array<i64: 1024, 128>}]} {
    %get3A = arith.constant 0 : index
    %get3A_0 = arith.constant 0 : index
    %get3A_1 = arith.constant 0 : index
    %get3A_2 = vector.load %arg1[%get3A, %get3A_0, %get3A_1] : memref<2x1024x128xf32, #tpu.memory_space<vmem>>, vector<1x1024x128xf32>
    %get3A_3 = vector.shape_cast %get3A_2 : vector<1x1024x128xf32> to vector<1024x128xf32>
    %get3A_4 = arith.constant 1 : index
    %get3A_5 = arith.constant 0 : index
    %get3A_6 = arith.constant 0 : index
    %get3A_7 = vector.load %arg1[%get3A_4, %get3A_5, %get3A_6] : memref<2x1024x128xf32, #tpu.memory_space<vmem>>, vector<1x1024x128xf32>
    %get3A_8 = vector.shape_cast %get3A_7 : vector<1x1024x128xf32> to vector<1024x128xf32>
    %add3A = arith.addf %get3A_3, %get3A_8 : vector<1024x128xf32>
    %get3A_9 = arith.constant 0 : index
    %get3A_10 = arith.constant 0 : index
    %get3A_11 = vector.load %arg2[%get3A_9, %get3A_10] : memref<1024x1xf32, #tpu.memory_space<vmem>>, vector<1024x1xf32>
    %mul3A = vector.broadcast %get3A_11 : vector<1024x1xf32> to vector<1024x128xf32>
    %mul3A_12 = arith.mulf %add3A, %mul3A : vector<1024x128xf32>
    %swap3A = arith.constant 0 : index
    %swap3A_13 = arith.constant 0 : index
    %swap3A_14 = vector.load %arg3[%swap3A, %swap3A_13] : memref<1024x128xf32, #tpu.memory_space<vmem>>, vector<1024x128xf32>
    tpu.vector_store %arg3[%swap3A, %swap3A_13], %mul3A_12 {strides = array<i32>} : memref<1024x128xf32, #tpu.memory_space<vmem>>, vector<1024x128xf32>,
    return
  }
  func.func @transform_0(%arg0: i32) -> (i32, i32, i32) {
    %c0_i32 = arith.constant 0 : i32
    %c0_i32_0 = arith.constant 0 : i32
    %c0_i32_1 = arith.constant 0 : i32
    return %c0_i32, %arg0, %c0_i32_0 : i32, i32, i32
  }
  func.func @transform_1(%arg0: i32) -> (i32, i32) {
    %c0_i32 = arith.constant 0 : i32
    %c0_i32_0 = arith.constant 0 : i32
    return %arg0, %c0_i32 : i32, i32
  }
  func.func @transform_2(%arg0: i32) -> (i32, i32) {
    %c0_i32 = arith.constant 0 : i32
    %c0_i32_0 = arith.constant 0 : i32
    return %arg0, %c0_i32 : i32, i32
  }
}

module attributes {stable_mosaic.version = 14 : i64} {
  func.func @_mm_relu_body(%arg0: i32, %arg1: memref<2x1024x128xf32, #tpu.memory_space<vmem>>, %arg2: memref<1024x1xf32, #tpu.memory_space<vmem>>, %arg3: memref<128x256xf32, #tpu.memory_space<vmem>>, %arg4: memref<1x256xf32, #tpu.memory_space<vmem>>, %arg5: memref<2x1024x128xf32, #tpu.memory_space<vmem>>) attributes {dimension_semantics = [#tpu.dimension_semantics<arbitrary>], iteration_bounds = array<i64: 10>, scalar_prefetch = 0 : i64, scratch_operands = 0 : i64, tpu.core_type = #tpu.core_type<tc>, window_params = [{transform_indices = @transform_0, window_bounds = array<i64: 2, 1024, 128>}, {transform_indices = @transform_1, window_bounds = array<i64: 1024, 1>}, {pipeline_mode = #tpu.pipeline_mode<synchronous>, transform_indices = @transform_2, window_bounds = array<i64: 128, 256>}, {pipeline_mode = #tpu.pipeline_mode<synchronous>, transform_indices = @transform_3, window_bounds = array<i64: 1, 256>}, {transform_indices = @transform_4, window_bounds = array<i64: 2, 1024, 128>}]} {
    %get3A = arith.constant 0 : index
    %get3A_0 = arith.constant 0 : index
    %get3A_1 = arith.constant 0 : index
    %get3A_2 = vector.load %arg1[%get3A, %get3A_0, %get3A_1] : memref<2x1024x128xf32, #tpu.memory_space<vmem>>, vector<1x1024x128xf32>
    %get3A_3 = vector.shape_cast %get3A_2 : vector<1x1024x128xf32> to vector<1024x128xf32>
    %get3A_4 = arith.constant 1 : index
    %get3A_5 = arith.constant 0 : index
    %get3A_6 = arith.constant 0 : index
    %get3A_7 = vector.load %arg1[%get3A_4, %get3A_5, %get3A_6] : memref<2x1024x128xf32, #tpu.memory_space<vmem>>, vector<1x1024x128xf32>
    %get3A_8 = vector.shape_cast %get3A_7 : vector<1x1024x128xf32> to vector<1024x128xf32>
    %add3A = arith.addf %get3A_3, %get3A_8 : vector<1024x128xf32>
    %get3A_9 = arith.constant 0 : index
    %get3A_10 = arith.constant 0 : index
    %get3A_11 = vector.load %arg2[%get3A_9, %get3A_10] : memref<1024x1xf32, #tpu.memory_space<vmem>>, vector<1024x1xf32>
    %mul3A = vector.broadcast %get3A_11 : vector<1024x1xf32> to vector<1024x128xf32>
    %mul3A_12 = arith.mulf %add3A, %mul3A : vector<1024x128xf32>
    %get3A_13 = arith.constant 0 : index
    %get3A_14 = arith.constant 0 : index
    %get3A_15 = vector.load %arg3[%get3A_13, %get3A_14] : memref<128x256xf32, #tpu.memory_space<vmem>>, vector<128x256xf32>
    %dot_general3A = arith.constant dense<0.000000e+00> : vector<1024x256xf32>
    %dot_general3A_16 = tpu.matmul %mul3A_12, %get3A_15, %dot_general3A {dimension_numbers = #tpu.dot_dimension_numbers<[1], [0], [0], [1], [0, 0, 1, 1], [], []>, transpose_lhs_hint = false} : vector<1024x128xf32>, vector<128x256xf32>, vector<1024x256xf32> -> vector<1024x256xf32>
    %get3A_17 = arith.constant 0 : index
    %get3A_18 = arith.constant 0 : index
    %get3A_19 = vector.load %arg4[%get3A_17, %get3A_18] : memref<1x256xf32, #tpu.memory_space<vmem>>, vector<1x256xf32>
    %add3A_20 = vector.broadcast %get3A_19 : vector<1x256xf32> to vector<1024x256xf32>
    %add3A_21 = arith.addf %dot_general3A_16, %add3A_20 : vector<1024x256xf32>
    %max3A = arith.constant 0.000000e+00 : f32
    %max3A_22 = vector.broadcast %max3A : f32 to vector<1024x256xf32>
    %max3A_23 = arith.maximumf %add3A_21, %max3A_22 : vector<1024x256xf32>
    %slice3A = vector.extract_strided_slice %max3A_23 {offsets = [0, 0], sizes = [1024, 128], strides = [1, 1]} : vector<1024x256xf32> to vector<1024x128xf32>
    %swap3A = arith.constant 0 : index
    %swap3A_24 = arith.constant 0 : index
    %swap3A_25 = arith.constant 0 : index
    %swap3A_26 = vector.load %arg5[%swap3A, %swap3A_24, %swap3A_25] : memref<2x1024x128xf32, #tpu.memory_space<vmem>>, vector<1x1024x128xf32>
    %swap3A_27 = vector.shape_cast %swap3A_26 : vector<1x1024x128xf32> to vector<1024x128xf32>
    %swap3A_28 = vector.shape_cast %slice3A : vector<1024x128xf32> to vector<1x1024x128xf32>
    tpu.vector_store %arg5[%swap3A, %swap3A_24, %swap3A_25], %swap3A_28 {strides = array<i32>} : memref<2x1024x128xf32, #tpu.memory_space<vmem>>, vector<1x1024x128xf32>,
    %slice3A_29 = vector.extract_strided_slice %max3A_23 {offsets = [0, 128], sizes = [1024, 128], strides = [1, 1]} : vector<1024x256xf32> to vector<1024x128xf32>
    %swap3A_30 = arith.constant 1 : index
    %swap3A_31 = arith.constant 0 : index
    %swap3A_32 = arith.constant 0 : index
    %swap3A_33 = vector.load %arg5[%swap3A_30, %swap3A_31, %swap3A_32] : memref<2x1024x128xf32, #tpu.memory_space<vmem>>, vector<1x1024x128xf32>
    %swap3A_34 = vector.shape_cast %swap3A_33 : vector<1x1024x128xf32> to vector<1024x128xf32>
    %swap3A_35 = vector.shape_cast %slice3A_29 : vector<1024x128xf32> to vector<1x1024x128xf32>
    tpu.vector_store %arg5[%swap3A_30, %swap3A_31, %swap3A_32], %swap3A_35 {strides = array<i32>} : memref<2x1024x128xf32, #tpu.memory_space<vmem>>, vector<1x1024x128xf32>,
    return
  }
  func.func @transform_0(%arg0: i32) -> (i32, i32, i32) {
    %c0_i32 = arith.constant 0 : i32
    %c0_i32_0 = arith.constant 0 : i32
    %c0_i32_1 = arith.constant 0 : i32
    return %c0_i32, %arg0, %c0_i32_0 : i32, i32, i32
  }
  func.func @transform_1(%arg0: i32) -> (i32, i32) {
    %c0_i32 = arith.constant 0 : i32
    %c0_i32_0 = arith.constant 0 : i32
    return %arg0, %c0_i32 : i32, i32
  }
  func.func @transform_2(%arg0: i32) -> (i32, i32) {
    %c0_i32 = arith.constant 0 : i32
    %c0_i32_0 = arith.constant 0 : i32
    %c0_i32_1 = arith.constant 0 : i32
    return %c0_i32, %c0_i32_0 : i32, i32
  }
  func.func @transform_3(%arg0: i32) -> (i32, i32) {
    %c0_i32 = arith.constant 0 : i32
    %c0_i32_0 = arith.constant 0 : i32
    %c0_i32_1 = arith.constant 0 : i32
    return %c0_i32, %c0_i32_0 : i32, i32
  }
  func.func @transform_4(%arg0: i32) -> (i32, i32, i32) {
    %c0_i32 = arith.constant 0 : i32
    %c0_i32_0 = arith.constant 0 : i32
    %c0_i32_1 = arith.constant 0 : i32
    return %c0_i32, %arg0, %c0_i32_0 : i32, i32, i32
  }
}

module attributes {stable_mosaic.version = 14 : i64} {
  func.func @_final_body(%arg0: i32, %arg1: memref<2x1024x128xf32, #tpu.memory_space<vmem>>, %arg2: memref<2x1024x128xf32, #tpu.memory_space<vmem>>, %arg3: memref<1024x1xf32, #tpu.memory_space<vmem>>, %arg4: memref<256x256xf32, #tpu.memory_space<vmem>>, %arg5: memref<1x256xf32, #tpu.memory_space<vmem>>, %arg6: memref<256x64xf32, #tpu.memory_space<vmem>>, %arg7: memref<1x64xf32, #tpu.memory_space<vmem>>, %arg8: memref<1024x64xf32, #tpu.memory_space<vmem>>) attributes {dimension_semantics = [#tpu.dimension_semantics<arbitrary>], iteration_bounds = array<i64: 10>, scalar_prefetch = 0 : i64, scratch_operands = 0 : i64, tpu.core_type = #tpu.core_type<tc>, window_params = [{transform_indices = @transform_0, window_bounds = array<i64: 2, 1024, 128>}, {transform_indices = @transform_1, window_bounds = array<i64: 2, 1024, 128>}, {transform_indices = @transform_2, window_bounds = array<i64: 1024, 1>}, {pipeline_mode = #tpu.pipeline_mode<synchronous>, transform_indices = @transform_3, window_bounds = array<i64: 256, 256>}, {pipeline_mode = #tpu.pipeline_mode<synchronous>, transform_indices = @transform_4, window_bounds = array<i64: 1, 256>}, {pipeline_mode = #tpu.pipeline_mode<synchronous>, transform_indices = @transform_5, window_bounds = array<i64: 256, 64>}, {pipeline_mode = #tpu.pipeline_mode<synchronous>, transform_indices = @transform_6, window_bounds = array<i64: 1, 64>}, {transform_indices = @transform_7, window_bounds = array<i64: 1024, 64>}]} {
    %get3A = arith.constant 0 : index
    %get3A_0 = arith.constant 0 : index
    %get3A_1 = vector.load %arg3[%get3A, %get3A_0] : memref<1024x1xf32, #tpu.memory_space<vmem>>, vector<1024x1xf32>
    %get3A_2 = arith.constant 0 : index
    %get3A_3 = arith.constant 0 : index
    %get3A_4 = arith.constant 0 : index
    %get3A_5 = vector.load %arg1[%get3A_2, %get3A_3, %get3A_4] : memref<2x1024x128xf32, #tpu.memory_space<vmem>>, vector<1x1024x128xf32>
    %get3A_6 = vector.shape_cast %get3A_5 : vector<1x1024x128xf32> to vector<1024x128xf32>
    %get3A_7 = arith.constant 1 : index
    %get3A_8 = arith.constant 0 : index
    %get3A_9 = arith.constant 0 : index
    %get3A_10 = vector.load %arg1[%get3A_7, %get3A_8, %get3A_9] : memref<2x1024x128xf32, #tpu.memory_space<vmem>>, vector<1x1024x128xf32>
    %get3A_11 = vector.shape_cast %get3A_10 : vector<1x1024x128xf32> to vector<1024x128xf32>
    %add3A = arith.addf %get3A_6, %get3A_11 : vector<1024x128xf32>
    %mul3A = vector.broadcast %get3A_1 : vector<1024x1xf32> to vector<1024x128xf32>
    %mul3A_12 = arith.mulf %add3A, %mul3A : vector<1024x128xf32>
    %get3A_13 = arith.constant 0 : index
    %get3A_14 = arith.constant 0 : index
    %get3A_15 = arith.constant 0 : index
    %get3A_16 = vector.load %arg2[%get3A_13, %get3A_14, %get3A_15] : memref<2x1024x128xf32, #tpu.memory_space<vmem>>, vector<1x1024x128xf32>
    %get3A_17 = vector.shape_cast %get3A_16 : vector<1x1024x128xf32> to vector<1024x128xf32>
    %get3A_18 = arith.constant 1 : index
    %get3A_19 = arith.constant 0 : index
    %get3A_20 = arith.constant 0 : index
    %get3A_21 = vector.load %arg2[%get3A_18, %get3A_19, %get3A_20] : memref<2x1024x128xf32, #tpu.memory_space<vmem>>, vector<1x1024x128xf32>
    %get3A_22 = vector.shape_cast %get3A_21 : vector<1x1024x128xf32> to vector<1024x128xf32>
    %add3A_23 = arith.addf %get3A_17, %get3A_22 : vector<1024x128xf32>
    %mul3A_24 = vector.broadcast %get3A_1 : vector<1024x1xf32> to vector<1024x128xf32>
    %mul3A_25 = arith.mulf %add3A_23, %mul3A_24 : vector<1024x128xf32>
    %concatenate3A = tpu.concatenate %mul3A_12, %mul3A_25 in 1 : vector<1024x128xf32>, vector<1024x128xf32> -> vector<1024x256xf32>
    %get3A_26 = arith.constant 0 : index
    %get3A_27 = arith.constant 0 : index
    %get3A_28 = vector.load %arg4[%get3A_26, %get3A_27] : memref<256x256xf32, #tpu.memory_space<vmem>>, vector<256x256xf32>
    %dot_general3A = arith.constant dense<0.000000e+00> : vector<1024x256xf32>
    %dot_general3A_29 = tpu.matmul %concatenate3A, %get3A_28, %dot_general3A {dimension_numbers = #tpu.dot_dimension_numbers<[1], [0], [0], [1], [0, 0, 1, 1], [], []>, transpose_lhs_hint = false} : vector<1024x256xf32>, vector<256x256xf32>, vector<1024x256xf32> -> vector<1024x256xf32>
    %get3A_30 = arith.constant 0 : index
    %get3A_31 = arith.constant 0 : index
    %get3A_32 = vector.load %arg5[%get3A_30, %get3A_31] : memref<1x256xf32, #tpu.memory_space<vmem>>, vector<1x256xf32>
    %add3A_33 = vector.broadcast %get3A_32 : vector<1x256xf32> to vector<1024x256xf32>
    %add3A_34 = arith.addf %dot_general3A_29, %add3A_33 : vector<1024x256xf32>
    %max3A = arith.constant 0.000000e+00 : f32
    %max3A_35 = vector.broadcast %max3A : f32 to vector<1024x256xf32>
    %max3A_36 = arith.maximumf %add3A_34, %max3A_35 : vector<1024x256xf32>
    %get3A_37 = arith.constant 0 : index
    %get3A_38 = arith.constant 0 : index
    %get3A_39 = vector.load %arg6[%get3A_37, %get3A_38] : memref<256x64xf32, #tpu.memory_space<vmem>>, vector<256x64xf32>
    %dot_general3A_40 = arith.constant dense<0.000000e+00> : vector<1024x64xf32>
    %dot_general3A_41 = tpu.matmul %max3A_36, %get3A_39, %dot_general3A_40 {dimension_numbers = #tpu.dot_dimension_numbers<[1], [0], [0], [1], [0, 0, 1, 1], [], []>, transpose_lhs_hint = false} : vector<1024x256xf32>, vector<256x64xf32>, vector<1024x64xf32> -> vector<1024x64xf32>
    %get3A_42 = arith.constant 0 : index
    %get3A_43 = arith.constant 0 : index
    %get3A_44 = vector.load %arg7[%get3A_42, %get3A_43] : memref<1x64xf32, #tpu.memory_space<vmem>>, vector<1x64xf32>
    %add3A_45 = vector.broadcast %get3A_44 : vector<1x64xf32> to vector<1024x64xf32>
    %add3A_46 = arith.addf %dot_general3A_41, %add3A_45 : vector<1024x64xf32>
    %swap3A = arith.constant 0 : index
    %swap3A_47 = arith.constant 0 : index
    %swap3A_48 = vector.load %arg8[%swap3A, %swap3A_47] : memref<1024x64xf32, #tpu.memory_space<vmem>>, vector<1024x64xf32>
    tpu.vector_store %arg8[%swap3A, %swap3A_47], %add3A_46 {strides = array<i32>} : memref<1024x64xf32, #tpu.memory_space<vmem>>, vector<1024x64xf32>,
    return
  }
  func.func @transform_0(%arg0: i32) -> (i32, i32, i32) {
    %c0_i32 = arith.constant 0 : i32
    %c0_i32_0 = arith.constant 0 : i32
    %c0_i32_1 = arith.constant 0 : i32
    return %c0_i32, %arg0, %c0_i32_0 : i32, i32, i32
  }
  func.func @transform_1(%arg0: i32) -> (i32, i32, i32) {
    %c0_i32 = arith.constant 0 : i32
    %c0_i32_0 = arith.constant 0 : i32
    %c0_i32_1 = arith.constant 0 : i32
    return %c0_i32, %arg0, %c0_i32_0 : i32, i32, i32
  }
  func.func @transform_2(%arg0: i32) -> (i32, i32) {
    %c0_i32 = arith.constant 0 : i32
    %c0_i32_0 = arith.constant 0 : i32
    return %arg0, %c0_i32 : i32, i32
  }
  func.func @transform_3(%arg0: i32) -> (i32, i32) {
    %c0_i32 = arith.constant 0 : i32
    %c0_i32_0 = arith.constant 0 : i32
    %c0_i32_1 = arith.constant 0 : i32
    return %c0_i32, %c0_i32_0 : i32, i32
  }
  func.func @transform_4(%arg0: i32) -> (i32, i32) {
    %c0_i32 = arith.constant 0 : i32
    %c0_i32_0 = arith.constant 0 : i32
    %c0_i32_1 = arith.constant 0 : i32
    return %c0_i32, %c0_i32_0 : i32, i32
  }
  func.func @transform_5(%arg0: i32) -> (i32, i32) {
    %c0_i32 = arith.constant 0 : i32
    %c0_i32_0 = arith.constant 0 : i32
    %c0_i32_1 = arith.constant 0 : i32
    return %c0_i32, %c0_i32_0 : i32, i32
  }
  func.func @transform_6(%arg0: i32) -> (i32, i32) {
    %c0_i32 = arith.constant 0 : i32
    %c0_i32_0 = arith.constant 0 : i32
    %c0_i32_1 = arith.constant 0 : i32
    return %c0_i32, %c0_i32_0 : i32, i32
  }
  func.func @transform_7(%arg0: i32) -> (i32, i32) {
    %c0_i32 = arith.constant 0 : i32
    %c0_i32_0 = arith.constant 0 : i32
    return %arg0, %c0_i32 : i32, i32
  }
}

</mosaic_0001>

<sc_bundles>
// kernel: kernel.14.cloned.1.call-start
scs
__scs_entry_jumppad:
0x0: {  	(pc) =	sbr.rel $0x88, $3  }
0x1: {  	(tag) =	ssettag $0x0;
	lr =	simm.s32 $0x1  }
0x2: {  	[smem:$0x3F99] =	sst lr;
	_ =	strace $0xD0000000  }
0x3: {  	_ = 	snop  }
0x4: {  	_ = 	snop  }
0x5: {  	_ = 	snop  }
0x6: {  	_ = 	snop  }
0x7: {  	_ = 	snop  }
__scs_overlays_trampoline_lowered:
0x8: {  	[smem:$0x3FA8] =	sst s0  }
0x9: {  	[smem:$0x3FA9] =	sst s1  }
0xa: {  	[smem:$0x3FAA] =	sst s2  }
0xb: {  	[smem:$0x3FAB] =	sst s3  }
0xc: {  	[smem:$0x3FAC] =	sst s4  }
0xd: {  	[smem:$0x3FAD] =	sst s5  }
0xe: {  	[smem:$0x3FAE] =	sst s6  }
0xf: {  	[smem:$0x3FAF] =	sst s7  }
0x10: {  	[smem:$0x3FB0] =	sst s8  }
0x11: {  	[smem:$0x3FB1] =	sst s9;
	s0 =	simm.s32 @!p0 $0x0  }
0x12: {  	s1 =	sld [smem:$0x3F97];
	s0 =	simm.s32 @p0 $0x1  }
0x13: {  	[smem:$0x3FB2] =	sst s0;
	s0 =	simm.s32 @!p1 $0x0  }
0x14: {  	s2 =	sld [smem:$0x3F96];
	s0 =	simm.s32 @p1 $0x1  }
0x15: {  	[smem:$0x3FB3] =	sst s0;
	s0 =	simm.s32 @!p2 $0x0  }
0x16: {  	s3 =	sld [smem:$0x3FDB];
	s0 =	simm.s32 @p2 $0x1  }
0x17: {  	s4 =	simm.s32 $0x1BF5;
	[smem:$0x3FB5] =	sst s0  }
0x18: {  	s0 =	sld [smem:$0x3F98];
	_ =	swait.ge [sflag:s4], $0x0  }
0x19: {  	s7 =	sld [smem:$0x3F99]  }
0x1a: {  	s8 =	sadd.s32 $0xFFFFE003, lr  }
0x1b: {  	s9 =	sadd.s32 $0xFFFFFEF7, lr;
	s5 =	simm.s32 $0xFFFFFFFF;
	p2 =	slt.u32 s8, $0xFFFFF086  }
0x1c: {  	p1 =	slt.u32 s9, $0xF7A;
	s5 =	simm.s32 @!p2 $0x0  }
0x1d: {  	s5 =	simm.s32 @p1 $0x1;
	p0 =	seq.s32 s7, s2  }
0x1e: {  	s7 =	smul.u32 @!p0 $0xF7A, s2;
	p2 =	seq.s32 @!p0 s5, $0x0  }
0x1f: {  	s9 =	smul.u32 $0xF7A, s1;
	s8 =	simm.s32 @!p0 $0x1BF5;
	p2 =	por !p2, p0  }
0x20: {  	[sflag:s8] =	ssyncset.s32 @!p0 $0xFFFFF086;
	s6 =	sadd.s32 @!p0 s3, s7;
	s7 =	simm.s32 @!p0 $0x108  }
0x21: {  	s3 =	sadd.s32 s3, s9;
	s6 =	sadd.s32 @!p0 $0x88, s6;
	s7 =	simm.s32 @p2 $0x1082  }
0x22: {  	[simem:s7], [sflag:s8] =	dma.local @!p0 [hbm:s6], $0xF7A  }
0x23: {  	s9 =	sor.u32 $0xD0000000, s2;
	s6 =	simm.s32 $0x108;
	_ =	swait.ge @!p0 [sflag:s8], $0x0  }
0x24: {  	s3 =	sadd.s32 $0x88, s3;
	s6 =	simm.s32 @!p1 $0x1082;
	[sflag:s4] =	ssyncset.s32 $0xFFFFF086  }
0x25: {  	[simem:s6], [sflag:s4] =	dma.local [hbm:s3], $0xF7A  }
0x26: {  	[smem:$0x3F99] =	sst s1;
	(tag) =	ssettag s2;
	_ =	strace s9  }
0x27: {  	s1 =	sld [smem:$0x3FA9]  }
0x28: {  	s2 =	sld [smem:$0x3FAA]  }
0x29: {  	s4 =	sld [smem:$0x3FAC]  }
0x2a: {  	p0 =	seq.s32 s5, $0x0;
	s5 =	sld [smem:$0x3FAD]  }
0x2b: {  	s6 =	sld [smem:$0x3FAE]  }
0x2c: {  	s7 =	sld [smem:$0x3FAF]  }
0x2d: {  	s3 =	simm.s32 $0x108;
	s8 =	sld [smem:$0x3FB0]  }
0x2e: {  	s3 =	simm.s32 @!p0 $0x1082;
	s9 =	sld [smem:$0x3FB1]  }
0x2f: {  	lr =	sadd.s32 s0, s3;
	s0 =	sld [smem:$0x3FA8]  }
0x30: {  	s3 =	sld [smem:$0x3FAB]  }
0x31: {  	[smem:$0x3FB4] =	sst s10  }
0x32: {  	s10 =	sld [smem:$0x3FB2];
	_ =	sdelay $0x3  }
0x33: {  	p0 =	seq.s32 s10, $0x1;
	s10 =	sld [smem:$0x3FB4];
	_ =	sdelay $0x3  }
0x34: {  	[smem:$0x3FB4] =	sst s10  }
0x35: {  	s10 =	sld [smem:$0x3FB3];
	_ =	sdelay $0x3  }
0x36: {  	p1 =	seq.s32 s10, $0x1;
	s10 =	sld [smem:$0x3FB4];
	_ =	sdelay $0x3  }
0x37: {  	[smem:$0x3FB4] =	sst s10  }
0x38: {  	s10 =	sld [smem:$0x3FB5]  }
0x39: {  	_ = 	snop;
	(pc) =	sbr.ind lr, $3  }
0x3a: {  	_ = 	snop  }
0x3b: {  	_ = 	snop  }
0x3c: {  	p2 =	seq.s32 s10, $0x1;
	s10 =	sld [smem:$0x3FB4]  }
0x3d: {  	_ =	shalt  }
0x3e: {  	_ =	shalt  }
0x3f: {  	_ =	shalt  }
0x40: {  	_ =	shalt  }
0x41: {  	_ =	shalt  }
0x42: {  	_ =	shalt  }
0x43: {  	_ =	shalt  }
0x44: {  	_ =	shalt  }
0x45: {  	_ =	shalt  }
0x46: {  	_ =	shalt  }
0x47: {  	_ =	shalt  }
0x48: {  	_ =	shalt  }
0x49: {  	_ =	shalt  }
0x4a: {  	_ =	shalt  }
0x4b: {  	_ =	shalt  }
0x4c: {  	_ =	shalt  }
0x4d: {  	_ =	shalt  }
0x4e: {  	_ =	shalt  }
0x4f: {  	_ =	shalt  }
0x50: {  	_ =	shalt  }
0x51: {  	_ =	shalt  }
0x52: {  	_ =	shalt  }
0x53: {  	_ =	shalt  }
0x54: {  	_ =	shalt  }
0x55: {  	_ =	shalt  }
0x56: {  	_ =	shalt  }
0x57: {  	_ =	shalt  }
0x58: {  	_ =	shalt  }
0x59: {  	_ =	shalt  }
0x5a: {  	_ =	shalt  }
0x5b: {  	_ =	shalt  }
0x5c: {  	_ =	shalt  }
0x5d: {  	_ =	shalt  }
0x5e: {  	_ =	shalt  }
0x5f: {  	_ =	shalt  }
0x60: {  	_ =	shalt  }
0x61: {  	_ =	shalt  }
0x62: {  	_ =	shalt  }
0x63: {  	_ =	shalt  }
0x64: {  	_ =	shalt  }
0x65: {  	_ =	shalt  }
0x66: {  	_ =	shalt  }
0x67: {  	_ =	shalt  }
0x68: {  	_ =	shalt  }
0x69: {  	_ =	shalt  }
0x6a: {  	_ =	shalt  }
0x6b: {  	_ =	shalt  }
0x6c: {  	_ =	shalt  }
0x6d: {  	_ =	shalt  }
0x6e: {  	_ =	shalt  }
0x6f: {  	_ =	shalt  }
0x70: {  	_ =	shalt  }
0x71: {  	_ =	shalt  }
0x72: {  	_ =	shalt  }
0x73: {  	_ =	shalt  }
0x74: {  	_ =	shalt  }
0x75: {  	_ =	shalt  }
0x76: {  	_ =	shalt  }
0x77: {  	_ =	shalt  }
0x78: {  	_ =	shalt  }
0x79: {  	_ =	shalt  }
0x7a: {  	_ =	shalt  }
0x7b: {  	_ =	shalt  }
0x7c: {  	_ =	shalt  }
0x7d: {  	_ =	shalt  }
0x7e: {  	_ =	shalt  }
0x7f: {  	_ =	shalt  }
0x80: {  	_ =	shalt  }
0x81: {  	_ =	shalt  }
0x82: {  	_ =	shalt  }
0x83: {  	_ =	shalt  }
0x84: {  	_ =	shalt  }
0x85: {  	_ =	shalt  }
0x86: {  	_ =	shalt  }
0x87: {  	_ =	shalt  }
.Lfunc_end0:
.L_simem_size_0:
called_computation_lowered:
.L_overlay_start_0:
0x88: {  	s2 =	sld [smem:$0x3FD9]  }
0x89: {  	s3 =	sld [smem:$0x3FFE];
	_ =	sdelay $0x1  }
0x8a: {  	s1 =	srdreg.scid  }
0x8b: {  	s0 =	sand.u32 $0x1, s1  }
0x8c: {  	s17 =	sshll.u32 s0, $0xA;
	s2 =	sadd.s32 s3, s2  }
0x8d: {  	s2 =	sadd.s32 s2, s17  }
0x8e: {  	[smem:$0x3FC0] =	sst s2  }
0x8f: {  	_ = 	snop  }
0x90: {  	s2 =	sld [smem:$0x3FD0];
	(tm) =	ssettm $0x1  }
0x91: {  	s18 =	sld [smem:$0x3FFB];
	_ =	sdelay $0x3  }
0x92: {  	_ =	strace s18  }
0x93: {  	s3 =	sld [smem:$0x3FFC];
	_ =	sdelay $0x3  }
0x94: {  	_ =	strace s3  }
0x95: {  	s3 =	sld [smem:$0x3FFD];
	_ =	sdelay $0x3  }
0x96: {  	_ =	strace s3  }
0x97: {  	_ =	strace $0x8FFFFFFF  }
0x98: {  	s19 =	sld [smem:$0x3FDB];
	_ =	sdelay $0x1  }
0x99: {  	s4 =	simm.s32 $_scs_section_size  }
0x9a: {  	s5 =	simm.s32 $_size__tile_overlayer_lowered;
	s6 =	simm.s32 $_tile_overlayer_lowered  }
0x9b: {  	s22 =	simm.s32 $0x1BFF;
	s21 =	sshll.u32 s6, $0x1;
	s3 =	sadd.s32 s4, s19  }
0x9c: {  	s7 =	simm.s32 $0x0;
	s20 =	sshll.u32 s5, $0x1;
	s5 =	sadd.s32 s21, s3  }
0x9d: {  	[timem:s7], [sflag:s22] =	dma.local [hbm:s5], s20  }
0x9e: {  	_ =	swait.ge [sflag:s22], s20  }
0x9f: {  	s4 =	ssub.s32 $0x0, s20;
	[sflag:s22] =	ssyncset.done $0x0  }
0xa0: {  	[sflag:s22] =	ssyncadd.s32 s4;
	_ =	sdelay $0x1  }
0xa1: {  	s23 =	simm.s32 $0x1B8B  }
0xa2: {  	_ =	swait.ge [sflag:s23], $0x1  }
0xa3: {  	[sflag:s23] =	ssyncset.done $0x0  }
0xa4: {  	s25 =	simm.s32 $0x1B8E;
	s24 =	sld [smem:$0x3FFE];
	[sflag:s23] =	ssyncadd.s32 $0xFFFFFFFF  }
0xa5: {  	s26 =	simm.s32 $execute0_lowered;
	[smem:$0x3FD2] =	sst s25  }
0xa6: {  	s5 =	sshll.u32 s26, $0x1;
	_ =	strace $0x80000046;
	[dreg:$0x1] =	wrdreg $0xFFFFFFFF  }
0xa7: {  	s28 =	simm.s32 $_size_execute0_lowered;
	s3 =	sadd.s32 s3, s5;
	[dreg:$0x0] =	wrdreg $0x0  }
0xa8: {  	s5 =	sshll.u32 s28, $0x1;
	[dreg:$0x2] =	wrdreg s3  }
0xa9: {  	[dreg:$0x3] =	wrdreg s5  }
0xaa: {  	[dreg:$0x4] =	wrdreg $0xC0  }
0xab: {  	_ =	task [dreg:s7], $0x5FFFF  }
0xac: {  	[dreg:$0x1] =	wrdreg $0xFFFFFFFF  }
0xad: {  	[dreg:$0x0] =	wrdreg $0x60  }
0xae: {  	[dreg:$0x2] =	wrdreg s24  }
0xaf: {  	[dreg:$0x3] =	wrdreg s2  }
0xb0: {  	[dreg:$0x4] =	wrdreg $0x90000  }
0xb1: {  	[dreg:$0x5] =	wrdreg $0x1D0800  }
0xb2: {  	[dreg:$0x6] =	wrdreg $0x1D3000  }
0xb3: {  	[dreg:$0x7] =	wrdreg $0x9  }
0xb4: {  	_ =	task.clear_ibuf [dreg:s7], $0x8FFFF;
	_ =	strace $0x90000046  }
0xb5: {  	s29 =	simm.s32 $0x9;
	_ =	strace $0x80000048  }
0xb6: {  	_ =	swait.ge [sflag:s29], $0x1  }
0xb7: {  	[sflag:s29] =	ssyncadd.s32 $0xFFFFFFFF  }
0xb8: {  	_ =	strace $0x90000048  }
0xb9: {  	_ =	sfence  }
0xba: {  	s30 =	sld [smem:$0x0];
	_ =	sdelay $0x2  }
0xbb: {  	s31 =	sshll.u32 s1, $0xD;
	s1 =	sshrl.u32 s1, $0x2  }
0xbc: {  	s3 =	sand.u32 $0x4000, s31;
	s1 =	sadd.s32 s1, s30  }
0xbd: {  	s0 =	sor.u32 s3, s0;
	s1 =	sshll.u32 s1, $0x11  }
0xbe: {  	s0 =	sor.u32 s1, s0  }
0xbf: {  	s0 =	sadd.s32 $0x8F2B, s0  }
0xc0: {  	[sflag:s0] =	ssyncadd.remote.s32 $0x1  }
0xc1: {  	_ =	sfence.sel $0xFFFF  }
0xc2: {  	[dreg:$0x0] =	wrdreg $0xFFFFFFFF;
	(pc) =	sbr.abs _section_cstart, $3  }
0xc3: {  	[dreg:$0x1] =	wrdreg $0xFFFFFFFF  }
0xc4: {  	_ =	task.clear_ibuf [dreg:s7], $0x2FFFF;
	_ =	strace $0x9FFFFFFF  }
0xc5: {  	(tm) =	ssettm $0x7FFFFFFF  }
tec
execute0_lowered:
.L_overlay_start_1:
0x0: {  	(tag) =	ssettag $0x1  }
0x1: {  	s0 =	rddreg [dreg:$0x0]  }
0x2: {  	s2 =	rddreg [dreg:$0x1]  }
0x3: {  	s1 =	rddreg [dreg:$0x2];
	s4 =	srdreg.scid  }
0x4: {  	s20 =	stileid.u32;
	s3 =	rddreg [dreg:$0x3]  }
0x5: {  	s22 =	simm.s32 $0x1D000;
	s23 =	simm.s32 $0x80;
	s10 =	smul.u32 $0x14000, s20  }
0x6: {  	s28 =	simm.s32 $0x10;
	s29 =	simm.s32 $0x0;
	s13 =	smul.u32 $0x280, s20  }
0x7: {  	s8 =	sand.u32 $0x1, s4;
	s5 =	sshll.u32 s20, $0x1;
	s16 =	smul.u32 $0x500, s20  }
0x8: {  	s4 =	rddreg [dreg:$0x4];
	s24 =	sadd.s32 $0x5E400, s0;
	s17 =	smul.u32 $0x50000, s20  }
0x9: {  	s31 =	sshll.u32 s20, $0x6;
	s6 =	sor.u32 s8, s5;
	s5 =	simm.s32 $0x0  }
0xa: {  	s14 =	smul.u32 $0x140000, s8;
	s25 =	sshll.u32 s8, $0x7;
	s8 =	ssub.s32 $0x2, s8  }
0xb: {  	s20 =	sor.u32 $0x1C02, s31;
	s9 =	smul.u32 $0x500, s6;
	[smem:$0x7FF] =	sst s5  }
0xc: {  	s7 =	sshrl.u32 s10, $0x3;
	s6 =	sadd.s32 $0xDE00, s0;
	s15 =	sshrl.u32 s13, $0x3  }
0xd: {  	s26 =	sshrl.u32 s8, $0x1;
	s30 =	sshrl.u32 s17, $0x2;
	_ =	strace $0x80000047  }
0xe: {  	s12 =	sadd.s32 s7, s0;
	[dreg:$0x6] =	wrdreg s24;
	s15 =	sadd.s32 s15, s0  }
0xf: {  	s10 =	sadd.s32 s10, s14;
	s14 =	sor.u32 s25, s16;
	s19 =	ssub.s32 s8, s26  }
0x10: {  	s24 =	simm.s32 $0x5000;
	s25 =	simm.s32 $0x1;
	s26 =	simm.s32 $0x20  }
0x11: {  	s11 =	sadd.s32 s9, s0;
	s10 =	sshrl.u32 s10, $0x3;
	s14 =	sshrl.u32 s14, $0x3  }
0x12: {  	s9 =	sadd.s32 s2, s9;
	s2 =	sadd.s32 s30, s1;
	s17 =	smax.u32 s19, $0x1  }
0x13: {  	s18 =	sadd.s32 s10, s0;
	s0 =	sadd.s32 s14, s0;
	s8 =	sadd.s32 $0x3E00, s11  }
0x14: {  	s10 =	sadd.s32 $0x35E00, s12;
	s11 =	sadd.s32 s13, s3;
	s12 =	sadd.s32 $0x5DE00, s15  }
0x15: {  	s13 =	sadd.s32 s13, s4;
	s21 =	sshrl.u32 s2, $0x3;
	s14 =	sadd.s32 $0x5FA00, s18  }
0x16: {  	s15 =	sadd.s32 $0x5E600, s0;
	s16 =	sadd.s32 $0x5F000, s0;
	s18 =	simm.s32 $0x2  }
.LBB2_1:
0x17: {  	[tilespmem:s5], [sflag:$0x2] =	stream.linear.gather [hbm4b:s8+s5], $0x2780, $0x38;
	[tilespmem:$0x1D580] =	vst v63  }
0x18: {  	_ =	swait.ge [sflag:s18], $0x2780  }
0x19: {  	[sflag:s18] =	ssyncset.done $0x0  }
0x1a: {  	s0 =	simm.s32 $0x2800;
	[sflag:s18] =	ssyncadd.s32 $0xFFFFD880  }
0x1b: {  	[tilespmem:s0], [sflag:$0x2] =	stream.linear.gather [hbm4b:s9+s5], $0x2780, $0x38;
	[tilespmem:$0x1D580] =	vst v63  }
0x1c: {  	_ =	swait.ge [sflag:s18], $0x2780  }
0x1d: {  	[sflag:s18] =	ssyncset.done $0x0  }
0x1e: {  	[sflag:s18] =	ssyncadd.s32 $0xFFFFD880  }
0x1f: {  	[spmem:s21], [sflag:s20] =	dma.local [hbm:s10], $0x2800  }
0x20: {  	_ =	swait.ge [sflag:s18], $0x2800  }
0x21: {  	[sflag:s18] =	ssyncset.done $0x0  }
0x22: {  	s7 =	rddreg [dreg:$0x6];
	[sflag:s18] =	ssyncadd.s32 $0xFFFFD800  }
0x23: {  	[tilespmem:s22], [sflag:$0x2] =	stream.linear.gather [hbm4b:s7+s5], $0x80, $0x38;
	[tilespmem:$0x1D580] =	vst v63  }
0x24: {  	_ =	swait.ge [sflag:s18], $0x80  }
0x25: {  	[sflag:s18] =	ssyncset.done $0x0  }
0x26: {  	s30 =	sshrl.u32 s11, $0x3;
	[sflag:s18] =	ssyncadd.s32 $0xFFFFFF80  }
0x27: {  	[spmem:s30], [sflag:s20] =	dma.local [hbm:s12], $0x50  }
0x28: {  	_ =	swait.ge [sflag:s18], $0x50  }
0x29: {  	[sflag:s18] =	ssyncset.done $0x0  }
0x2a: {  	s31 =	sshrl.u32 s13, $0x3;
	[sflag:s18] =	ssyncadd.s32 $0xFFFFFFB0  }
0x2b: {  	[spmem:s31], [sflag:s20] =	dma.local [hbm:s12], $0x50  }
0x2c: {  	_ =	swait.ge [sflag:s18], $0x50  }
0x2d: {  	[sflag:s18] =	ssyncset.done $0x0  }
0x2e: {  	[sflag:s18] =	ssyncadd.s32 $0xFFFFFFB0  }
0x2f: {  	s19 =	simm.s32 $0x0;
	[bflag:$0x0] =	sbarrier.arrive $0xFFFF  }
0x30: {  	[tilespmem:s24], [sflag:$0x1] =	stream.indirect.gather [hbm4b:s6+s23], $0x80, s19, s23, $0xb8;
	[tilespmem:$0x1D580] =	vst v63  }
0x31: {  	_ =	swait.ge [sflag:s25], $0x4000  }
0x32: {  	[sflag:s25] =	ssyncset.done $0x0  }
0x33: {  	s2 =	simm.s32 $0x2800;
	[sflag:s25] =	ssyncadd.s32 $0xFFFFC000  }
0x34: {  	[spmem:s1] =	stream.indirect.scatter.add.f32 [tilespmem:s24], [sflag:$0x2], $0x80, s2, s23, $0xb8;
	[tilespmem:$0x1D580] =	vst v63  }
0x35: {  	_ =	swait.ge [sflag:s18], $0x4000  }
0x36: {  	[sflag:s18] =	ssyncset.done $0x0  }
0x37: {  	[sflag:s18] =	ssyncadd.s32 $0xFFFFC000  }
0x38: {  	[spmem:s3] =	stream.indirect.scatter.add.f32 [tilespmem:s22], [sflag:$0x2], $0x1, s19, s23, $0xb8;
	[tilespmem:$0x1D580] =	vst v63  }
0x39: {  	_ =	swait.ge [sflag:s18], $0x80  }
0x3a: {  	[sflag:s18] =	ssyncset.done $0x0  }
0x3b: {  	[sflag:s18] =	ssyncadd.s32 $0xFFFFFF80  }
0x3c: {  	[spmem:s4] =	stream.indirect.scatter.add.f32 [tilespmem:s22], [sflag:$0x2], $0x1, s2, s23, $0xb8;
	[tilespmem:$0x1D580] =	vst v63  }
0x3d: {  	_ =	swait.ge [sflag:s18], $0x80  }
0x3e: {  	s0 =	simm.s32 $0x400;
	s2 =	simm.s32 $0x200;
	[sflag:s18] =	ssyncset.done $0x0  }
.LBB2_2:
0x3f: {  	s19 =	sshra.s32 s2, $0x2  }
0x40: {  	[sflag:s18] =	ssyncadd.s32 $0xFFFFFF80;
	s2 =	smov.u32 s0;
	s7 =	sadd.s32 $0x200, s0  }
0x41: {  	[tilespmem:s24], [sflag:$0x1] =	stream.indirect.gather [hbm4b:s6+s23], $0x80, s19, s23, $0xb8;
	[tilespmem:$0x1D580] =	vst v63  }
0x42: {  	p0 =	sne.s32 s0, $0x9C00;
	_ =	swait.ge [sflag:s25], $0x4000  }
0x43: {  	[sflag:s25] =	ssyncset.done $0x0  }
0x44: {  	s0 =	sadd.s32 $0x2800, s19;
	[sflag:s25] =	ssyncadd.s32 $0xFFFFC000  }
0x45: {  	[spmem:s1] =	stream.indirect.scatter.add.f32 [tilespmem:s24], [sflag:$0x2], $0x80, s0, s23, $0xb8;
	[tilespmem:$0x1D580] =	vst v63  }
0x46: {  	_ =	swait.ge [sflag:s18], $0x4000  }
0x47: {  	[sflag:s18] =	ssyncset.done $0x0  }
0x48: {  	[sflag:s18] =	ssyncadd.s32 $0xFFFFC000  }
0x49: {  	[spmem:s3] =	stream.indirect.scatter.add.f32 [tilespmem:s22], [sflag:$0x2], $0x1, s19, s23, $0xb8;
	[tilespmem:$0x1D580] =	vst v63  }
0x4a: {  	_ =	swait.ge [sflag:s18], $0x80  }
.Ltmp0:
0x4b: {  	[sflag:s18] =	ssyncset.done $0x0;
	(pc) =	sbr.rel @p0 .LBB2_2-.Ltmp0, $4  }
0x4c: {  	[sflag:s18] =	ssyncadd.s32 $0xFFFFFF80  }
0x4d: {  	[spmem:s4] =	stream.indirect.scatter.add.f32 [tilespmem:s22], [sflag:$0x2], $0x1, s0, s23, $0xb8;
	[tilespmem:$0x1D580] =	vst v63  }
0x4e: {  	_ =	swait.ge [sflag:s18], $0x80  }
0x4f: {  	s0 =	smov.u32 s7;
	[sflag:s18] =	ssyncset.done $0x0  }
0x50: {  	s0 =	sshra.s32 s2, $0x2;
	[sflag:s18] =	ssyncadd.s32 $0xFFFFFF80  }
0x51: {  	[tilespmem:s24], [sflag:$0x1] =	stream.indirect.gather [hbm4b:s6+s23], $0x80, s0, s23, $0xb8;
	[tilespmem:$0x1D580] =	vst v63  }
0x52: {  	_ =	swait.ge [sflag:s25], $0x4000  }
0x53: {  	[sflag:s25] =	ssyncset.done $0x0  }
0x54: {  	s2 =	sadd.s32 $0x2800, s0;
	[sflag:s25] =	ssyncadd.s32 $0xFFFFC000  }
0x55: {  	[spmem:s1] =	stream.indirect.scatter.add.f32 [tilespmem:s24], [sflag:$0x2], $0x80, s2, s23, $0xb8;
	[tilespmem:$0x1D580] =	vst v63  }
0x56: {  	_ =	swait.ge [sflag:s18], $0x4000  }
0x57: {  	[sflag:s18] =	ssyncset.done $0x0  }
0x58: {  	[sflag:s18] =	ssyncadd.s32 $0xFFFFC000  }
0x59: {  	[spmem:s3] =	stream.indirect.scatter.add.f32 [tilespmem:s22], [sflag:$0x2], $0x1, s0, s23, $0xb8;
	[tilespmem:$0x1D580] =	vst v63  }
0x5a: {  	_ =	swait.ge [sflag:s18], $0x80  }
0x5b: {  	[sflag:s18] =	ssyncset.done $0x0  }
0x5c: {  	[sflag:s18] =	ssyncadd.s32 $0xFFFFFF80  }
0x5d: {  	[spmem:s4] =	stream.indirect.scatter.add.f32 [tilespmem:s22], [sflag:$0x2], $0x1, s2, s23, $0xb8;
	[tilespmem:$0x1D580] =	vst v63  }
0x5e: {  	_ =	swait.ge [sflag:s18], $0x80  }
0x5f: {  	[sflag:s18] =	ssyncset.done $0x0  }
0x60: {  	[sflag:s18] =	ssyncadd.s32 $0xFFFFFF80  }
0x61: {  	[bflag:$0x0] =	sbarrier.arrive $0xFFFF  }
0x62: {  	[hbm:s14], [sflag:s20] =	dma.local [spmem:s21], $0x2800  }
0x63: {  	_ =	swait.ge [sflag:s18], $0x2800  }
0x64: {  	[sflag:s18] =	ssyncset.done $0x0  }
0x65: {  	[sflag:s18] =	ssyncadd.s32 $0xFFFFD800  }
0x66: {  	[hbm:s15@s26], [sflag:s20] =	dma.strided [spmem:s30@s28], $0x50, s25, $0x10   }
0x67: {  	s29 =	sadd.s32 $0x1, s29;
	_ =	swait.ge [sflag:s18], $0x50  }
0x68: {  	p0 =	sne.s32 s29, s17;
	[sflag:s18] =	ssyncset.done $0x0  }
.Ltmp1:
0x69: {  	[sflag:s18] =	ssyncadd.s32 $0xFFFFFFB0;
	(pc) =	sbr.rel @p0 .LBB2_1-.Ltmp1, $4  }
0x6a: {  	[hbm:s16@s26], [sflag:s20] =	dma.strided [spmem:s31@s28], $0x50, s25, $0x10   }
0x6b: {  	_ =	swait.ge [sflag:s18], $0x50  }
0x6c: {  	[sflag:s18] =	ssyncset.done $0x0  }
0x6d: {  	[sflag:s18] =	ssyncadd.s32 $0xFFFFFFB0  }
0x6e: {  	_ =	sfence.sel $0x180000  }
0x6f: {  	[bflag:$0x0] =	sbarrier.arrive $0xFFFF  }
0x70: {  	_ =	strace $0x90000047  }
0x71: {  	s0 =	stileid.u32;
	[bflag:$0x2] =	sbarrier.arrive $0xFFFF  }
0x72: {  	p0 =	sne.s32 s0, $0x0;
	s0 =	rddreg [dreg:$0x5]  }
0x73: {  	s0 =	sadd.s32 @!p0 $0x100000, s0  }
0x74: {  	[sflag:s0] =	ssyncadd.tile.s32 @!p0 $0x1;
	_ =	shalt  }
.Lfunc_end2:
_tile_overlayer_lowered:
.L_overlay_start_2:
0x75: {  	(tag) =	ssettag $0x2  }
0x76: {  	s0 =	rddreg [dreg:$0x0];
	s2 =	stileid.u32  }
0x77: {  	s1 =	rddreg [dreg:$0x1];
	p0 =	sne.s32 s2, $0x0  }
0x78: {  	s3 =	rddreg [dreg:$0x2];
	[bflag:$0x3] =	sbarrier.arrive $0xFFFF;
	s2 =	simm.s32 @!p0 $0x1C02  }
0x79: {  	[timem:s3], [sflag:s2] =	dma.local @!p0 [hbm:s0], s1  }
0x7a: {  	s0 =	simm.s32 @!p0 $0x2  }
0x7b: {  	_ =	swait.ge @!p0 [sflag:s0], s1  }
0x7c: {  	s1 =	ssub.s32 @!p0 $0x0, s1;
	[sflag:s0] =	ssyncset.done @!p0 $0x0  }
0x7d: {  	[sflag:s0] =	ssyncadd.s32 @!p0 s1  }
0x7e: {  	[bflag:$0x3] =	sbarrier.arrive $0xFFFF  }
0x7f: {  	_ =	shalt  }

// kernel: kernel.17.cloned.1.call-start
scs
__scs_entry_jumppad:
0x0: {  	(pc) =	sbr.rel $0x88, $3  }
0x1: {  	(tag) =	ssettag $0x0;
	lr =	simm.s32 $0x1  }
0x2: {  	[smem:$0x3F99] =	sst lr;
	_ =	strace $0xD0000000  }
0x3: {  	_ = 	snop  }
0x4: {  	_ = 	snop  }
0x5: {  	_ = 	snop  }
0x6: {  	_ = 	snop  }
0x7: {  	_ = 	snop  }
__scs_overlays_trampoline_lowered:
0x8: {  	[smem:$0x3FA8] =	sst s0  }
0x9: {  	[smem:$0x3FA9] =	sst s1  }
0xa: {  	[smem:$0x3FAA] =	sst s2  }
0xb: {  	[smem:$0x3FAB] =	sst s3  }
0xc: {  	[smem:$0x3FAC] =	sst s4  }
0xd: {  	[smem:$0x3FAD] =	sst s5  }
0xe: {  	[smem:$0x3FAE] =	sst s6  }
0xf: {  	[smem:$0x3FAF] =	sst s7  }
0x10: {  	[smem:$0x3FB0] =	sst s8  }
0x11: {  	[smem:$0x3FB1] =	sst s9;
	s0 =	simm.s32 @!p0 $0x0  }
0x12: {  	s1 =	sld [smem:$0x3F97];
	s0 =	simm.s32 @p0 $0x1  }
0x13: {  	[smem:$0x3FB2] =	sst s0;
	s0 =	simm.s32 @!p1 $0x0  }
0x14: {  	s2 =	sld [smem:$0x3F96];
	s0 =	simm.s32 @p1 $0x1  }
0x15: {  	[smem:$0x3FB3] =	sst s0;
	s0 =	simm.s32 @!p2 $0x0  }
0x16: {  	s3 =	sld [smem:$0x3FDB];
	s0 =	simm.s32 @p2 $0x1  }
0x17: {  	s4 =	simm.s32 $0x1BF5;
	[smem:$0x3FB5] =	sst s0  }
0x18: {  	s0 =	sld [smem:$0x3F98];
	_ =	swait.ge [sflag:s4], $0x0  }
0x19: {  	s7 =	sld [smem:$0x3F99]  }
0x1a: {  	s8 =	sadd.s32 $0xFFFFE003, lr  }
0x1b: {  	s9 =	sadd.s32 $0xFFFFFEF7, lr;
	s5 =	simm.s32 $0xFFFFFFFF;
	p2 =	slt.u32 s8, $0xFFFFF086  }
0x1c: {  	p1 =	slt.u32 s9, $0xF7A;
	s5 =	simm.s32 @!p2 $0x0  }
0x1d: {  	s5 =	simm.s32 @p1 $0x1;
	p0 =	seq.s32 s7, s2  }
0x1e: {  	s7 =	smul.u32 @!p0 $0xF7A, s2;
	p2 =	seq.s32 @!p0 s5, $0x0  }
0x1f: {  	s9 =	smul.u32 $0xF7A, s1;
	s8 =	simm.s32 @!p0 $0x1BF5;
	p2 =	por !p2, p0  }
0x20: {  	[sflag:s8] =	ssyncset.s32 @!p0 $0xFFFFF086;
	s6 =	sadd.s32 @!p0 s3, s7;
	s7 =	simm.s32 @!p0 $0x108  }
0x21: {  	s3 =	sadd.s32 s3, s9;
	s6 =	sadd.s32 @!p0 $0x88, s6;
	s7 =	simm.s32 @p2 $0x1082  }
0x22: {  	[simem:s7], [sflag:s8] =	dma.local @!p0 [hbm:s6], $0xF7A  }
0x23: {  	s9 =	sor.u32 $0xD0000000, s2;
	s6 =	simm.s32 $0x108;
	_ =	swait.ge @!p0 [sflag:s8], $0x0  }
0x24: {  	s3 =	sadd.s32 $0x88, s3;
	s6 =	simm.s32 @!p1 $0x1082;
	[sflag:s4] =	ssyncset.s32 $0xFFFFF086  }
0x25: {  	[simem:s6], [sflag:s4] =	dma.local [hbm:s3], $0xF7A  }
0x26: {  	[smem:$0x3F99] =	sst s1;
	(tag) =	ssettag s2;
	_ =	strace s9  }
0x27: {  	s1 =	sld [smem:$0x3FA9]  }
0x28: {  	s2 =	sld [smem:$0x3FAA]  }
0x29: {  	s4 =	sld [smem:$0x3FAC]  }
0x2a: {  	p0 =	seq.s32 s5, $0x0;
	s5 =	sld [smem:$0x3FAD]  }
0x2b: {  	s6 =	sld [smem:$0x3FAE]  }
0x2c: {  	s7 =	sld [smem:$0x3FAF]  }
0x2d: {  	s3 =	simm.s32 $0x108;
	s8 =	sld [smem:$0x3FB0]  }
0x2e: {  	s3 =	simm.s32 @!p0 $0x1082;
	s9 =	sld [smem:$0x3FB1]  }
0x2f: {  	lr =	sadd.s32 s0, s3;
	s0 =	sld [smem:$0x3FA8]  }
0x30: {  	s3 =	sld [smem:$0x3FAB]  }
0x31: {  	[smem:$0x3FB4] =	sst s10  }
0x32: {  	s10 =	sld [smem:$0x3FB2];
	_ =	sdelay $0x3  }
0x33: {  	p0 =	seq.s32 s10, $0x1;
	s10 =	sld [smem:$0x3FB4];
	_ =	sdelay $0x3  }
0x34: {  	[smem:$0x3FB4] =	sst s10  }
0x35: {  	s10 =	sld [smem:$0x3FB3];
	_ =	sdelay $0x3  }
0x36: {  	p1 =	seq.s32 s10, $0x1;
	s10 =	sld [smem:$0x3FB4];
	_ =	sdelay $0x3  }
0x37: {  	[smem:$0x3FB4] =	sst s10  }
0x38: {  	s10 =	sld [smem:$0x3FB5]  }
0x39: {  	_ = 	snop;
	(pc) =	sbr.ind lr, $3  }
0x3a: {  	_ = 	snop  }
0x3b: {  	_ = 	snop  }
0x3c: {  	p2 =	seq.s32 s10, $0x1;
	s10 =	sld [smem:$0x3FB4]  }
0x3d: {  	_ =	shalt  }
0x3e: {  	_ =	shalt  }
0x3f: {  	_ =	shalt  }
0x40: {  	_ =	shalt  }
0x41: {  	_ =	shalt  }
0x42: {  	_ =	shalt  }
0x43: {  	_ =	shalt  }
0x44: {  	_ =	shalt  }
0x45: {  	_ =	shalt  }
0x46: {  	_ =	shalt  }
0x47: {  	_ =	shalt  }
0x48: {  	_ =	shalt  }
0x49: {  	_ =	shalt  }
0x4a: {  	_ =	shalt  }
0x4b: {  	_ =	shalt  }
0x4c: {  	_ =	shalt  }
0x4d: {  	_ =	shalt  }
0x4e: {  	_ =	shalt  }
0x4f: {  	_ =	shalt  }
0x50: {  	_ =	shalt  }
0x51: {  	_ =	shalt  }
0x52: {  	_ =	shalt  }
0x53: {  	_ =	shalt  }
0x54: {  	_ =	shalt  }
0x55: {  	_ =	shalt  }
0x56: {  	_ =	shalt  }
0x57: {  	_ =	shalt  }
0x58: {  	_ =	shalt  }
0x59: {  	_ =	shalt  }
0x5a: {  	_ =	shalt  }
0x5b: {  	_ =	shalt  }
0x5c: {  	_ =	shalt  }
0x5d: {  	_ =	shalt  }
0x5e: {  	_ =	shalt  }
0x5f: {  	_ =	shalt  }
0x60: {  	_ =	shalt  }
0x61: {  	_ =	shalt  }
0x62: {  	_ =	shalt  }
0x63: {  	_ =	shalt  }
0x64: {  	_ =	shalt  }
0x65: {  	_ =	shalt  }
0x66: {  	_ =	shalt  }
0x67: {  	_ =	shalt  }
0x68: {  	_ =	shalt  }
0x69: {  	_ =	shalt  }
0x6a: {  	_ =	shalt  }
0x6b: {  	_ =	shalt  }
0x6c: {  	_ =	shalt  }
0x6d: {  	_ =	shalt  }
0x6e: {  	_ =	shalt  }
0x6f: {  	_ =	shalt  }
0x70: {  	_ =	shalt  }
0x71: {  	_ =	shalt  }
0x72: {  	_ =	shalt  }
0x73: {  	_ =	shalt  }
0x74: {  	_ =	shalt  }
0x75: {  	_ =	shalt  }
0x76: {  	_ =	shalt  }
0x77: {  	_ =	shalt  }
0x78: {  	_ =	shalt  }
0x79: {  	_ =	shalt  }
0x7a: {  	_ =	shalt  }
0x7b: {  	_ =	shalt  }
0x7c: {  	_ =	shalt  }
0x7d: {  	_ =	shalt  }
0x7e: {  	_ =	shalt  }
0x7f: {  	_ =	shalt  }
0x80: {  	_ =	shalt  }
0x81: {  	_ =	shalt  }
0x82: {  	_ =	shalt  }
0x83: {  	_ =	shalt  }
0x84: {  	_ =	shalt  }
0x85: {  	_ =	shalt  }
0x86: {  	_ =	shalt  }
0x87: {  	_ =	shalt  }
.Lfunc_end0:
.L_simem_size_0:
called_computation.1_lowered:
.L_overlay_start_0:
0x88: {  	s2 =	sld [smem:$0x3FD9]  }
0x89: {  	s3 =	sld [smem:$0x3FFE];
	_ =	sdelay $0x1  }
0x8a: {  	s1 =	srdreg.scid  }
0x8b: {  	s0 =	sand.u32 $0x1, s1  }
0x8c: {  	s17 =	sshll.u32 s0, $0xA;
	s2 =	sadd.s32 s3, s2  }
0x8d: {  	s2 =	sadd.s32 s2, s17  }
0x8e: {  	[smem:$0x3FC0] =	sst s2  }
0x8f: {  	_ = 	snop  }
0x90: {  	s2 =	sld [smem:$0x3FD0];
	(tm) =	ssettm $0x1  }
0x91: {  	s18 =	sld [smem:$0x3FFB];
	_ =	sdelay $0x3  }
0x92: {  	_ =	strace s18  }
0x93: {  	s3 =	sld [smem:$0x3FFC];
	_ =	sdelay $0x3  }
0x94: {  	_ =	strace s3  }
0x95: {  	s3 =	sld [smem:$0x3FFD];
	_ =	sdelay $0x3  }
0x96: {  	_ =	strace s3  }
0x97: {  	_ =	strace $0x8FFFFFFF  }
0x98: {  	s19 =	sld [smem:$0x3FDB];
	_ =	sdelay $0x1  }
0x99: {  	s4 =	simm.s32 $_scs_section_size  }
0x9a: {  	s5 =	simm.s32 $_size__tile_overlayer_lowered;
	s6 =	simm.s32 $_tile_overlayer_lowered  }
0x9b: {  	s22 =	simm.s32 $0x1BFF;
	s21 =	sshll.u32 s6, $0x1;
	s3 =	sadd.s32 s4, s19  }
0x9c: {  	s7 =	simm.s32 $0x0;
	s20 =	sshll.u32 s5, $0x1;
	s5 =	sadd.s32 s21, s3  }
0x9d: {  	[timem:s7], [sflag:s22] =	dma.local [hbm:s5], s20  }
0x9e: {  	_ =	swait.ge [sflag:s22], s20  }
0x9f: {  	s4 =	ssub.s32 $0x0, s20;
	[sflag:s22] =	ssyncset.done $0x0  }
0xa0: {  	[sflag:s22] =	ssyncadd.s32 s4;
	_ =	sdelay $0x1  }
0xa1: {  	s23 =	simm.s32 $0x1B8B  }
0xa2: {  	_ =	swait.ge [sflag:s23], $0x1  }
0xa3: {  	[sflag:s23] =	ssyncset.done $0x0  }
0xa4: {  	s25 =	simm.s32 $0x1B8E;
	s24 =	sld [smem:$0x3FFE];
	[sflag:s23] =	ssyncadd.s32 $0xFFFFFFFF  }
0xa5: {  	s26 =	simm.s32 $execute0_lowered;
	[smem:$0x3FD2] =	sst s25  }
0xa6: {  	s5 =	sshll.u32 s26, $0x1;
	_ =	strace $0x80000049;
	[dreg:$0x1] =	wrdreg $0xFFFFFFFF  }
0xa7: {  	s28 =	simm.s32 $_size_execute0_lowered;
	s3 =	sadd.s32 s3, s5;
	[dreg:$0x0] =	wrdreg $0x0  }
0xa8: {  	s5 =	sshll.u32 s28, $0x1;
	[dreg:$0x2] =	wrdreg s3  }
0xa9: {  	[dreg:$0x3] =	wrdreg s5  }
0xaa: {  	[dreg:$0x4] =	wrdreg $0xC0  }
0xab: {  	_ =	task [dreg:s7], $0x5FFFF  }
0xac: {  	[dreg:$0x1] =	wrdreg $0xFFFFFFFF  }
0xad: {  	[dreg:$0x0] =	wrdreg $0x60  }
0xae: {  	[dreg:$0x2] =	wrdreg s2  }
0xaf: {  	[dreg:$0x3] =	wrdreg s24  }
0xb0: {  	[dreg:$0x4] =	wrdreg $0x90000  }
0xb1: {  	[dreg:$0x5] =	wrdreg $0x9  }
0xb2: {  	_ =	task.clear_ibuf [dreg:s7], $0x6FFFF;
	_ =	strace $0x90000049  }
0xb3: {  	s29 =	simm.s32 $0x9;
	_ =	strace $0x8000004B  }
0xb4: {  	_ =	swait.ge [sflag:s29], $0x1  }
0xb5: {  	[sflag:s29] =	ssyncadd.s32 $0xFFFFFFFF  }
0xb6: {  	_ =	strace $0x9000004B  }
0xb7: {  	_ =	sfence  }
0xb8: {  	s30 =	sld [smem:$0x0];
	_ =	sdelay $0x2  }
0xb9: {  	s31 =	sshll.u32 s1, $0xD;
	s1 =	sshrl.u32 s1, $0x2  }
0xba: {  	s3 =	sand.u32 $0x4000, s31;
	s1 =	sadd.s32 s1, s30  }
0xbb: {  	s0 =	sor.u32 s3, s0;
	s1 =	sshll.u32 s1, $0x11  }
0xbc: {  	s0 =	sor.u32 s1, s0  }
0xbd: {  	s0 =	sadd.s32 $0x8F2B, s0  }
0xbe: {  	[sflag:s0] =	ssyncadd.remote.s32 $0x1  }
0xbf: {  	_ =	sfence.sel $0xFFFF  }
0xc0: {  	[dreg:$0x0] =	wrdreg $0xFFFFFFFF;
	(pc) =	sbr.abs _section_cstart, $3  }
0xc1: {  	[dreg:$0x1] =	wrdreg $0xFFFFFFFF  }
0xc2: {  	_ =	task.clear_ibuf [dreg:s7], $0x2FFFF;
	_ =	strace $0x9FFFFFFF  }
0xc3: {  	(tm) =	ssettm $0x7FFFFFFF  }
tec
execute0_lowered:
.L_overlay_start_1:
0x0: {  	(tag) =	ssettag $0x1  }
0x1: {  	s5 =	rddreg [dreg:$0x0]  }
0x2: {  	s1 =	srdreg.scid;
	s6 =	rddreg [dreg:$0x1]  }
0x3: {  	s0 =	stileid.u32;
	s2 =	rddreg [dreg:$0x2];
	s3 =	simm.s32 $0x0  }
0x4: {  	s15 =	simm.s32 $0x5000;
	s16 =	simm.s32 $0x1;
	s17 =	simm.s32 $0x0  }
0x5: {  	s7 =	sand.u32 $0x1, s1;
	s1 =	rddreg [dreg:$0x3];
	s9 =	smul.u32 $0x14000, s0  }
0x6: {  	s28 =	sshll.u32 s0, $0x1;
	[smem:$0x7FF] =	sst s3;
	s29 =	smul.u32 $0x50000, s0  }
0x7: {  	s31 =	sshll.u32 s0, $0x6;
	s4 =	sor.u32 s7, s28;
	s10 =	smul.u32 $0x140000, s7  }
0x8: {  	_ =	strace $0x8000004A;
	s7 =	ssub.s32 $0x2, s7;
	s8 =	smul.u32 $0x500, s4  }
0x9: {  	s4 =	sadd.s32 $0xDE00, s6;
	s12 =	sshrl.u32 s9, $0x3;
	s13 =	sshrl.u32 s7, $0x1  }
0xa: {  	s30 =	sshrl.u32 s29, $0x2;
	s9 =	sadd.s32 s9, s10;
	s12 =	sadd.s32 s12, s6  }
0xb: {  	s13 =	ssub.s32 s7, s13;
	s14 =	sadd.s32 s30, s2;
	s10 =	simm.s32 $0x2  }
0xc: {  	s11 =	sadd.s32 s8, s6;
	s9 =	sshrl.u32 s9, $0x3;
	s5 =	sadd.s32 s5, s8  }
0xd: {  	s7 =	sadd.s32 $0x35E00, s12;
	s12 =	sor.u32 $0x1C02, s31;
	s9 =	sadd.s32 s9, s6  }
0xe: {  	s6 =	sadd.s32 $0x3E00, s11;
	s11 =	simm.s32 $0x2800;
	s8 =	sadd.s32 $0x5DE00, s9  }
0xf: {  	s9 =	smax.u32 s13, $0x1;
	s13 =	sshrl.u32 s14, $0x3;
	s14 =	simm.s32 $0x80  }
.LBB2_1:
0x10: {  	[tilespmem:s3], [sflag:$0x2] =	stream.linear.gather [hbm4b:s5+s3], $0x2780, $0x38;
	[tilespmem:$0x1D000] =	vst v63  }
0x11: {  	_ =	swait.ge [sflag:s10], $0x2780  }
0x12: {  	[sflag:s10] =	ssyncset.done $0x0  }
0x13: {  	[sflag:s10] =	ssyncadd.s32 $0xFFFFD880  }
0x14: {  	[tilespmem:s11], [sflag:$0x2] =	stream.linear.gather [hbm4b:s6+s3], $0x2780, $0x38;
	[tilespmem:$0x1D000] =	vst v63  }
0x15: {  	_ =	swait.ge [sflag:s10], $0x2780  }
0x16: {  	[sflag:s10] =	ssyncset.done $0x0  }
0x17: {  	[sflag:s10] =	ssyncadd.s32 $0xFFFFD880  }
0x18: {  	[spmem:s13], [sflag:s12] =	dma.local [hbm:s7], $0x2800  }
0x19: {  	_ =	swait.ge [sflag:s10], $0x2800  }
0x1a: {  	[sflag:s10] =	ssyncset.done $0x0  }
0x1b: {  	[sflag:s10] =	ssyncadd.s32 $0xFFFFD800  }
0x1c: {  	s18 =	simm.s32 $0x0;
	[bflag:$0x0] =	sbarrier.arrive $0xFFFF  }
0x1d: {  	[tilespmem:s15], [sflag:$0x1] =	stream.indirect.gather [hbm4b:s4+s14], $0x80, s18, s14, $0xb8;
	[tilespmem:$0x1D000] =	vst v63  }
0x1e: {  	_ =	swait.ge [sflag:s16], $0x4000  }
0x1f: {  	[sflag:s16] =	ssyncset.done $0x0  }
0x20: {  	s31 =	simm.s32 $0x2800;
	[sflag:s16] =	ssyncadd.s32 $0xFFFFC000  }
0x21: {  	[spmem:s2] =	stream.indirect.scatter.add.f32 [tilespmem:s15], [sflag:$0x2], $0x80, s31, s14, $0xb8;
	[tilespmem:$0x1D000] =	vst v63  }
0x22: {  	_ =	swait.ge [sflag:s10], $0x4000  }
0x23: {  	s19 =	simm.s32 $0x400;
	s18 =	simm.s32 $0x200;
	[sflag:s10] =	ssyncset.done $0x0  }
.LBB2_2:
0x24: {  	s20 =	sshra.s32 s18, $0x2  }
0x25: {  	[sflag:s10] =	ssyncadd.s32 $0xFFFFC000;
	s18 =	smov.u32 s19;
	s21 =	sadd.s32 $0x200, s19  }
0x26: {  	[tilespmem:s15], [sflag:$0x1] =	stream.indirect.gather [hbm4b:s4+s14], $0x80, s20, s14, $0xb8;
	[tilespmem:$0x1D000] =	vst v63  }
0x27: {  	p0 =	sne.s32 s19, $0x9C00;
	_ =	swait.ge [sflag:s16], $0x4000  }
.Ltmp0:
0x28: {  	[sflag:s16] =	ssyncset.done $0x0;
	(pc) =	sbr.rel @p0 .LBB2_2-.Ltmp0, $4  }
0x29: {  	s19 =	sadd.s32 $0x2800, s20;
	[sflag:s16] =	ssyncadd.s32 $0xFFFFC000  }
0x2a: {  	[spmem:s2] =	stream.indirect.scatter.add.f32 [tilespmem:s15], [sflag:$0x2], $0x80, s19, s14, $0xb8;
	[tilespmem:$0x1D000] =	vst v63  }
0x2b: {  	_ =	swait.ge [sflag:s10], $0x4000  }
0x2c: {  	s19 =	smov.u32 s21;
	[sflag:s10] =	ssyncset.done $0x0  }
0x2d: {  	s18 =	sshra.s32 s18, $0x2;
	[sflag:s10] =	ssyncadd.s32 $0xFFFFC000  }
0x2e: {  	[tilespmem:s15], [sflag:$0x1] =	stream.indirect.gather [hbm4b:s4+s14], $0x80, s18, s14, $0xb8;
	[tilespmem:$0x1D000] =	vst v63  }
0x2f: {  	_ =	swait.ge [sflag:s16], $0x4000  }
0x30: {  	[sflag:s16] =	ssyncset.done $0x0  }
0x31: {  	s18 =	sadd.s32 $0x2800, s18;
	[sflag:s16] =	ssyncadd.s32 $0xFFFFC000  }
0x32: {  	[spmem:s2] =	stream.indirect.scatter.add.f32 [tilespmem:s15], [sflag:$0x2], $0x80, s18, s14, $0xb8;
	[tilespmem:$0x1D000] =	vst v63  }
0x33: {  	_ =	swait.ge [sflag:s10], $0x4000  }
0x34: {  	s17 =	sadd.s32 $0x1, s17;
	[sflag:s10] =	ssyncset.done $0x0  }
0x35: {  	p0 =	sne.s32 s17, s9;
	[sflag:s10] =	ssyncadd.s32 $0xFFFFC000  }
.Ltmp1:
0x36: {  	[bflag:$0x0] =	sbarrier.arrive $0xFFFF;
	(pc) =	sbr.rel @p0 .LBB2_1-.Ltmp1, $4  }
0x37: {  	[hbm:s8], [sflag:s12] =	dma.local [spmem:s13], $0x2800  }
0x38: {  	_ =	swait.ge [sflag:s10], $0x2800  }
0x39: {  	[sflag:s10] =	ssyncset.done $0x0  }
0x3a: {  	[sflag:s10] =	ssyncadd.s32 $0xFFFFD800  }
0x3b: {  	_ =	sfence.sel $0x180000  }
0x3c: {  	[bflag:$0x0] =	sbarrier.arrive $0xFFFF  }
0x3d: {  	p0 =	sne.s32 s0, $0x0;
	_ =	strace $0x9000004A  }
0x3e: {  	s0 =	sadd.s32 @!p0 $0x100000, s1;
	[bflag:$0x2] =	sbarrier.arrive $0xFFFF  }
0x3f: {  	[sflag:s0] =	ssyncadd.tile.s32 @!p0 $0x1;
	_ =	shalt  }
.Lfunc_end2:
_tile_overlayer_lowered:
.L_overlay_start_2:
0x40: {  	(tag) =	ssettag $0x2  }
0x41: {  	s0 =	rddreg [dreg:$0x0];
	s2 =	stileid.u32  }
0x42: {  	s1 =	rddreg [dreg:$0x1];
	p0 =	sne.s32 s2, $0x0  }
0x43: {  	s3 =	rddreg [dreg:$0x2];
	[bflag:$0x3] =	sbarrier.arrive $0xFFFF;
	s2 =	simm.s32 @!p0 $0x1C02  }
0x44: {  	[timem:s3], [sflag:s2] =	dma.local @!p0 [hbm:s0], s1  }
0x45: {  	s0 =	simm.s32 @!p0 $0x2  }
0x46: {  	_ =	swait.ge @!p0 [sflag:s0], s1  }
0x47: {  	s1 =	ssub.s32 @!p0 $0x0, s1;
	[sflag:s0] =	ssyncset.done @!p0 $0x0  }
0x48: {  	[sflag:s0] =	ssyncadd.s32 @!p0 s1  }
0x49: {  	[bflag:$0x3] =	sbarrier.arrive $0xFFFF  }
0x4a: {  	_ =	shalt  }

// kernel: kernel.20.cloned.1.call-start
scs
__scs_entry_jumppad:
0x0: {  	(pc) =	sbr.rel $0x88, $3  }
0x1: {  	(tag) =	ssettag $0x0;
	lr =	simm.s32 $0x1  }
0x2: {  	[smem:$0x3F99] =	sst lr;
	_ =	strace $0xD0000000  }
0x3: {  	_ = 	snop  }
0x4: {  	_ = 	snop  }
0x5: {  	_ = 	snop  }
0x6: {  	_ = 	snop  }
0x7: {  	_ = 	snop  }
__scs_overlays_trampoline_lowered:
0x8: {  	[smem:$0x3FA8] =	sst s0  }
0x9: {  	[smem:$0x3FA9] =	sst s1  }
0xa: {  	[smem:$0x3FAA] =	sst s2  }
0xb: {  	[smem:$0x3FAB] =	sst s3  }
0xc: {  	[smem:$0x3FAC] =	sst s4  }
0xd: {  	[smem:$0x3FAD] =	sst s5  }
0xe: {  	[smem:$0x3FAE] =	sst s6  }
0xf: {  	[smem:$0x3FAF] =	sst s7  }
0x10: {  	[smem:$0x3FB0] =	sst s8  }
0x11: {  	[smem:$0x3FB1] =	sst s9;
	s0 =	simm.s32 @!p0 $0x0  }
0x12: {  	s1 =	sld [smem:$0x3F97];
	s0 =	simm.s32 @p0 $0x1  }
0x13: {  	[smem:$0x3FB2] =	sst s0;
	s0 =	simm.s32 @!p1 $0x0  }
0x14: {  	s2 =	sld [smem:$0x3F96];
	s0 =	simm.s32 @p1 $0x1  }
0x15: {  	[smem:$0x3FB3] =	sst s0;
	s0 =	simm.s32 @!p2 $0x0  }
0x16: {  	s3 =	sld [smem:$0x3FDB];
	s0 =	simm.s32 @p2 $0x1  }
0x17: {  	s4 =	simm.s32 $0x1BF5;
	[smem:$0x3FB5] =	sst s0  }
0x18: {  	s0 =	sld [smem:$0x3F98];
	_ =	swait.ge [sflag:s4], $0x0  }
0x19: {  	s7 =	sld [smem:$0x3F99]  }
0x1a: {  	s8 =	sadd.s32 $0xFFFFE003, lr  }
0x1b: {  	s9 =	sadd.s32 $0xFFFFFEF7, lr;
	s5 =	simm.s32 $0xFFFFFFFF;
	p2 =	slt.u32 s8, $0xFFFFF086  }
0x1c: {  	p1 =	slt.u32 s9, $0xF7A;
	s5 =	simm.s32 @!p2 $0x0  }
0x1d: {  	s5 =	simm.s32 @p1 $0x1;
	p0 =	seq.s32 s7, s2  }
0x1e: {  	s7 =	smul.u32 @!p0 $0xF7A, s2;
	p2 =	seq.s32 @!p0 s5, $0x0  }
0x1f: {  	s9 =	smul.u32 $0xF7A, s1;
	s8 =	simm.s32 @!p0 $0x1BF5;
	p2 =	por !p2, p0  }
0x20: {  	[sflag:s8] =	ssyncset.s32 @!p0 $0xFFFFF086;
	s6 =	sadd.s32 @!p0 s3, s7;
	s7 =	simm.s32 @!p0 $0x108  }
0x21: {  	s3 =	sadd.s32 s3, s9;
	s6 =	sadd.s32 @!p0 $0x88, s6;
	s7 =	simm.s32 @p2 $0x1082  }
0x22: {  	[simem:s7], [sflag:s8] =	dma.local @!p0 [hbm:s6], $0xF7A  }
0x23: {  	s9 =	sor.u32 $0xD0000000, s2;
	s6 =	simm.s32 $0x108;
	_ =	swait.ge @!p0 [sflag:s8], $0x0  }
0x24: {  	s3 =	sadd.s32 $0x88, s3;
	s6 =	simm.s32 @!p1 $0x1082;
	[sflag:s4] =	ssyncset.s32 $0xFFFFF086  }
0x25: {  	[simem:s6], [sflag:s4] =	dma.local [hbm:s3], $0xF7A  }
0x26: {  	[smem:$0x3F99] =	sst s1;
	(tag) =	ssettag s2;
	_ =	strace s9  }
0x27: {  	s1 =	sld [smem:$0x3FA9]  }
0x28: {  	s2 =	sld [smem:$0x3FAA]  }
0x29: {  	s4 =	sld [smem:$0x3FAC]  }
0x2a: {  	p0 =	seq.s32 s5, $0x0;
	s5 =	sld [smem:$0x3FAD]  }
0x2b: {  	s6 =	sld [smem:$0x3FAE]  }
0x2c: {  	s7 =	sld [smem:$0x3FAF]  }
0x2d: {  	s3 =	simm.s32 $0x108;
	s8 =	sld [smem:$0x3FB0]  }
0x2e: {  	s3 =	simm.s32 @!p0 $0x1082;
	s9 =	sld [smem:$0x3FB1]  }
0x2f: {  	lr =	sadd.s32 s0, s3;
	s0 =	sld [smem:$0x3FA8]  }
0x30: {  	s3 =	sld [smem:$0x3FAB]  }
0x31: {  	[smem:$0x3FB4] =	sst s10  }
0x32: {  	s10 =	sld [smem:$0x3FB2];
	_ =	sdelay $0x3  }
0x33: {  	p0 =	seq.s32 s10, $0x1;
	s10 =	sld [smem:$0x3FB4];
	_ =	sdelay $0x3  }
0x34: {  	[smem:$0x3FB4] =	sst s10  }
0x35: {  	s10 =	sld [smem:$0x3FB3];
	_ =	sdelay $0x3  }
0x36: {  	p1 =	seq.s32 s10, $0x1;
	s10 =	sld [smem:$0x3FB4];
	_ =	sdelay $0x3  }
0x37: {  	[smem:$0x3FB4] =	sst s10  }
0x38: {  	s10 =	sld [smem:$0x3FB5]  }
0x39: {  	_ = 	snop;
	(pc) =	sbr.ind lr, $3  }
0x3a: {  	_ = 	snop  }
0x3b: {  	_ = 	snop  }
0x3c: {  	p2 =	seq.s32 s10, $0x1;
	s10 =	sld [smem:$0x3FB4]  }
0x3d: {  	_ =	shalt  }
0x3e: {  	_ =	shalt  }
0x3f: {  	_ =	shalt  }
0x40: {  	_ =	shalt  }
0x41: {  	_ =	shalt  }
0x42: {  	_ =	shalt  }
0x43: {  	_ =	shalt  }
0x44: {  	_ =	shalt  }
0x45: {  	_ =	shalt  }
0x46: {  	_ =	shalt  }
0x47: {  	_ =	shalt  }
0x48: {  	_ =	shalt  }
0x49: {  	_ =	shalt  }
0x4a: {  	_ =	shalt  }
0x4b: {  	_ =	shalt  }
0x4c: {  	_ =	shalt  }
0x4d: {  	_ =	shalt  }
0x4e: {  	_ =	shalt  }
0x4f: {  	_ =	shalt  }
0x50: {  	_ =	shalt  }
0x51: {  	_ =	shalt  }
0x52: {  	_ =	shalt  }
0x53: {  	_ =	shalt  }
0x54: {  	_ =	shalt  }
0x55: {  	_ =	shalt  }
0x56: {  	_ =	shalt  }
0x57: {  	_ =	shalt  }
0x58: {  	_ =	shalt  }
0x59: {  	_ =	shalt  }
0x5a: {  	_ =	shalt  }
0x5b: {  	_ =	shalt  }
0x5c: {  	_ =	shalt  }
0x5d: {  	_ =	shalt  }
0x5e: {  	_ =	shalt  }
0x5f: {  	_ =	shalt  }
0x60: {  	_ =	shalt  }
0x61: {  	_ =	shalt  }
0x62: {  	_ =	shalt  }
0x63: {  	_ =	shalt  }
0x64: {  	_ =	shalt  }
0x65: {  	_ =	shalt  }
0x66: {  	_ =	shalt  }
0x67: {  	_ =	shalt  }
0x68: {  	_ =	shalt  }
0x69: {  	_ =	shalt  }
0x6a: {  	_ =	shalt  }
0x6b: {  	_ =	shalt  }
0x6c: {  	_ =	shalt  }
0x6d: {  	_ =	shalt  }
0x6e: {  	_ =	shalt  }
0x6f: {  	_ =	shalt  }
0x70: {  	_ =	shalt  }
0x71: {  	_ =	shalt  }
0x72: {  	_ =	shalt  }
0x73: {  	_ =	shalt  }
0x74: {  	_ =	shalt  }
0x75: {  	_ =	shalt  }
0x76: {  	_ =	shalt  }
0x77: {  	_ =	shalt  }
0x78: {  	_ =	shalt  }
0x79: {  	_ =	shalt  }
0x7a: {  	_ =	shalt  }
0x7b: {  	_ =	shalt  }
0x7c: {  	_ =	shalt  }
0x7d: {  	_ =	shalt  }
0x7e: {  	_ =	shalt  }
0x7f: {  	_ =	shalt  }
0x80: {  	_ =	shalt  }
0x81: {  	_ =	shalt  }
0x82: {  	_ =	shalt  }
0x83: {  	_ =	shalt  }
0x84: {  	_ =	shalt  }
0x85: {  	_ =	shalt  }
0x86: {  	_ =	shalt  }
0x87: {  	_ =	shalt  }
.Lfunc_end0:
.L_simem_size_0:
called_computation.2_lowered:
.L_overlay_start_0:
0x88: {  	s2 =	sld [smem:$0x3FD9]  }
0x89: {  	s3 =	sld [smem:$0x3FFE];
	_ =	sdelay $0x1  }
0x8a: {  	s1 =	srdreg.scid  }
0x8b: {  	s0 =	sand.u32 $0x1, s1  }
0x8c: {  	s17 =	sshll.u32 s0, $0xA;
	s2 =	sadd.s32 s3, s2  }
0x8d: {  	s2 =	sadd.s32 s2, s17  }
0x8e: {  	[smem:$0x3FC0] =	sst s2  }
0x8f: {  	_ = 	snop  }
0x90: {  	s18 =	sld [smem:$0x3FD0];
	(tm) =	ssettm $0x1  }
0x91: {  	s19 =	sld [smem:$0x3FFB];
	_ =	sdelay $0x3  }
0x92: {  	_ =	strace s19  }
0x93: {  	s2 =	sld [smem:$0x3FFC];
	_ =	sdelay $0x3  }
0x94: {  	_ =	strace s2  }
0x95: {  	s2 =	sld [smem:$0x3FFD];
	_ =	sdelay $0x3  }
0x96: {  	_ =	strace s2  }
0x97: {  	_ =	strace $0x8FFFFFFF  }
0x98: {  	s20 =	sld [smem:$0x3FDB];
	_ =	sdelay $0x1  }
0x99: {  	s4 =	simm.s32 $_scs_section_size  }
0x9a: {  	s5 =	simm.s32 $_size__tile_overlayer_lowered;
	s6 =	simm.s32 $_tile_overlayer_lowered  }
0x9b: {  	s7 =	simm.s32 $0x1BFF;
	s21 =	sshll.u32 s6, $0x1;
	s4 =	sadd.s32 s4, s20  }
0x9c: {  	s22 =	simm.s32 $0x0;
	s5 =	sshll.u32 s5, $0x1;
	s6 =	sadd.s32 s21, s4  }
0x9d: {  	[timem:s22], [sflag:s7] =	dma.local [hbm:s6], s5  }
0x9e: {  	_ =	swait.ge [sflag:s7], s5  }
0x9f: {  	s5 =	ssub.s32 $0x0, s5;
	[sflag:s7] =	ssyncset.done $0x0  }
0xa0: {  	[sflag:s7] =	ssyncadd.s32 s5;
	_ =	sdelay $0x1  }
0xa1: {  	s23 =	simm.s32 $0x1B8B  }
0xa2: {  	_ =	swait.ge [sflag:s23], $0x1  }
0xa3: {  	[sflag:s23] =	ssyncset.done $0x0  }
0xa4: {  	[sflag:s23] =	ssyncadd.s32 $0xFFFFFFFF  }
0xa5: {  	s5 =	sld [smem:$0x0]  }
0xa6: {  	s6 =	sand.u32 $0xFFFFFFFE, s1  }
0xa7: {  	p0 =	sne.s32 s1, s6  }
0xa8: {  	s6 =	sshll.u32 @p0 s6, $0xE  }
0xa9: {  	s6 =	sadd.s32 @p0 $0x11B8D, s6;
	s7 =	sshll.u32 @p0 s5, $0x11  }
0xaa: {  	s6 =	sor.u32 @p0 s7, s6  }
0xab: {  	[sflag:s6] =	ssyncadd.remote.s32 @p0 $0x1;
	_ =	sdelay $0x1  }
0xac: {  	s6 =	simm.s32 @p0 $0x1B8D  }
0xad: {  	_ =	swait.eq @p0 [sflag:s6], $0x1  }
0xae: {  	[sflag:s6] =	ssyncadd.s32 @p0 $0xFFFFFFFF  }
0xaf: {  	s7 =	sshll.u32 @!p0 s1, $0xE  }
0xb0: {  	s7 =	sor.u32 @!p0 $0x4000, s7;
	s6 =	simm.s32 @!p0 $0x1B8D  }
0xb1: {  	s5 =	sshll.u32 @!p0 s5, $0x11;
	s7 =	sadd.s32 @!p0 $0x11B8D, s7;
	_ =	swait.eq @!p0 [sflag:s6], $0x1  }
0xb2: {  	s5 =	sor.u32 @!p0 s5, s7;
	[sflag:s6] =	ssyncadd.s32 @!p0 $0xFFFFFFFF  }
0xb3: {  	s25 =	simm.s32 $0x1B8E;
	s24 =	sld [smem:$0x3FFE];
	[sflag:s5] =	ssyncadd.remote.s32 @!p0 $0x1  }
0xb4: {  	s26 =	simm.s32 $execute0_lowered;
	[smem:$0x3FD2] =	sst s25  }
0xb5: {  	s6 =	sshll.u32 s26, $0x1;
	_ =	strace $0x8000004F;
	[dreg:$0x1] =	wrdreg $0xFFFFFFFF  }
0xb6: {  	s28 =	simm.s32 $_size_execute0_lowered;
	s4 =	sadd.s32 s4, s6;
	[dreg:$0x0] =	wrdreg $0x0  }
0xb7: {  	s6 =	sshll.u32 s28, $0x1;
	[dreg:$0x2] =	wrdreg s4  }
0xb8: {  	[dreg:$0x3] =	wrdreg s6  }
0xb9: {  	[dreg:$0x4] =	wrdreg $0xC0  }
0xba: {  	_ =	task [dreg:s22], $0x5FFFF  }
0xbb: {  	[dreg:$0x1] =	wrdreg $0xFFFFFFFF  }
0xbc: {  	[dreg:$0x0] =	wrdreg $0x60  }
0xbd: {  	[dreg:$0x2] =	wrdreg s24  }
0xbe: {  	[dreg:$0x3] =	wrdreg s18  }
0xbf: {  	[dreg:$0x4] =	wrdreg $0x90000  }
0xc0: {  	[dreg:$0x5] =	wrdreg $0x9  }
0xc1: {  	_ =	task.clear_ibuf [dreg:s22], $0x6FFFF;
	_ =	strace $0x9000004F  }
0xc2: {  	s29 =	simm.s32 $0x9;
	_ =	strace $0x80000051  }
0xc3: {  	_ =	swait.ge [sflag:s29], $0x1  }
0xc4: {  	[sflag:s29] =	ssyncadd.s32 $0xFFFFFFFF  }
0xc5: {  	_ =	strace $0x90000051  }
0xc6: {  	_ =	sfence  }
0xc7: {  	s30 =	sld [smem:$0x0];
	_ =	sdelay $0x2  }
0xc8: {  	s31 =	sshll.u32 s1, $0xD;
	s1 =	sshrl.u32 s1, $0x2  }
0xc9: {  	s4 =	sand.u32 $0x4000, s31;
	s1 =	sadd.s32 s1, s30  }
0xca: {  	s0 =	sor.u32 s4, s0;
	s1 =	sshll.u32 s1, $0x11  }
0xcb: {  	s0 =	sor.u32 s1, s0  }
0xcc: {  	s0 =	sadd.s32 $0x8F2B, s0  }
0xcd: {  	[sflag:s0] =	ssyncadd.remote.s32 $0x1  }
0xce: {  	_ =	sfence.sel $0xFFFF  }
0xcf: {  	[dreg:$0x0] =	wrdreg $0xFFFFFFFF;
	(pc) =	sbr.abs _section_cstart, $3  }
0xd0: {  	[dreg:$0x1] =	wrdreg $0xFFFFFFFF  }
0xd1: {  	_ =	task.clear_ibuf [dreg:s22], $0x2FFFF;
	_ =	strace $0x9FFFFFFF  }
0xd2: {  	(tm) =	ssettm $0x7FFFFFFF  }
0xd3: {  	_ =	shalt  }
tec
execute0_lowered:
.L_overlay_start_1:
0x0: {  	(tag) =	ssettag $0x1  }
0x1: {  	s5 =	rddreg [dreg:$0x0]  }
0x2: {  	s1 =	srdreg.scid;
	s6 =	rddreg [dreg:$0x1]  }
0x3: {  	s0 =	stileid.u32;
	s2 =	rddreg [dreg:$0x2];
	s3 =	simm.s32 $0x0  }
0x4: {  	s15 =	simm.s32 $0x5000;
	s16 =	simm.s32 $0x1;
	s17 =	simm.s32 $0x0  }
0x5: {  	s7 =	sand.u32 $0x1, s1;
	s1 =	rddreg [dreg:$0x3];
	s9 =	smul.u32 $0x14000, s0  }
0x6: {  	s28 =	sshll.u32 s0, $0x1;
	[smem:$0x7FF] =	sst s3;
	s29 =	smul.u32 $0x50000, s0  }
0x7: {  	s31 =	sshll.u32 s0, $0x6;
	s4 =	sor.u32 s7, s28;
	s10 =	smul.u32 $0x140000, s7  }
0x8: {  	_ =	strace $0x80000050;
	s7 =	ssub.s32 $0x2, s7;
	s8 =	smul.u32 $0x500, s4  }
0x9: {  	s4 =	sadd.s32 $0x5DE00, s5;
	s12 =	sshrl.u32 s9, $0x3;
	s13 =	sshrl.u32 s7, $0x1  }
0xa: {  	s30 =	sshrl.u32 s29, $0x2;
	s9 =	sadd.s32 s9, s10;
	s12 =	sadd.s32 s12, s5  }
0xb: {  	s13 =	ssub.s32 s7, s13;
	s14 =	sadd.s32 s30, s2;
	s10 =	simm.s32 $0x2  }
0xc: {  	s11 =	sadd.s32 s8, s5;
	s9 =	sshrl.u32 s9, $0x3;
	s6 =	sadd.s32 s6, s8  }
0xd: {  	s7 =	sadd.s32 $0x35E00, s12;
	s12 =	sor.u32 $0x1C02, s31;
	s9 =	sadd.s32 s9, s5  }
0xe: {  	s5 =	sadd.s32 $0x3E00, s11;
	s11 =	simm.s32 $0x2800;
	s8 =	sadd.s32 $0xD5E00, s9  }
0xf: {  	s9 =	smax.u32 s13, $0x1;
	s13 =	sshrl.u32 s14, $0x3;
	s14 =	simm.s32 $0x80  }
.LBB2_1:
0x10: {  	[tilespmem:s3], [sflag:$0x2] =	stream.linear.gather [hbm4b:s5+s3], $0x2780, $0x38;
	[tilespmem:$0x1D000] =	vst v63  }
0x11: {  	_ =	swait.ge [sflag:s10], $0x2780  }
0x12: {  	[sflag:s10] =	ssyncset.done $0x0  }
0x13: {  	[sflag:s10] =	ssyncadd.s32 $0xFFFFD880  }
0x14: {  	[tilespmem:s11], [sflag:$0x2] =	stream.linear.gather [hbm4b:s6+s3], $0x2780, $0x38;
	[tilespmem:$0x1D000] =	vst v63  }
0x15: {  	_ =	swait.ge [sflag:s10], $0x2780  }
0x16: {  	[sflag:s10] =	ssyncset.done $0x0  }
0x17: {  	[sflag:s10] =	ssyncadd.s32 $0xFFFFD880  }
0x18: {  	[spmem:s13], [sflag:s12] =	dma.local [hbm:s7], $0x2800  }
0x19: {  	_ =	swait.ge [sflag:s10], $0x2800  }
0x1a: {  	[sflag:s10] =	ssyncset.done $0x0  }
0x1b: {  	[sflag:s10] =	ssyncadd.s32 $0xFFFFD800  }
0x1c: {  	s18 =	simm.s32 $0x0;
	[bflag:$0x0] =	sbarrier.arrive $0xFFFF  }
0x1d: {  	[tilespmem:s15], [sflag:$0x1] =	stream.indirect.gather [hbm4b:s4+s14], $0x80, s18, s14, $0xb8;
	[tilespmem:$0x1D000] =	vst v63  }
0x1e: {  	_ =	swait.ge [sflag:s16], $0x4000  }
0x1f: {  	[sflag:s16] =	ssyncset.done $0x0  }
0x20: {  	s31 =	simm.s32 $0x2800;
	[sflag:s16] =	ssyncadd.s32 $0xFFFFC000  }
0x21: {  	[spmem:s2] =	stream.indirect.scatter.add.f32 [tilespmem:s15], [sflag:$0x2], $0x80, s31, s14, $0xb8;
	[tilespmem:$0x1D000] =	vst v63  }
0x22: {  	_ =	swait.ge [sflag:s10], $0x4000  }
0x23: {  	s19 =	simm.s32 $0x400;
	s18 =	simm.s32 $0x200;
	[sflag:s10] =	ssyncset.done $0x0  }
.LBB2_2:
0x24: {  	s20 =	sshra.s32 s18, $0x2  }
0x25: {  	[sflag:s10] =	ssyncadd.s32 $0xFFFFC000;
	s18 =	smov.u32 s19;
	s21 =	sadd.s32 $0x200, s19  }
0x26: {  	[tilespmem:s15], [sflag:$0x1] =	stream.indirect.gather [hbm4b:s4+s14], $0x80, s20, s14, $0xb8;
	[tilespmem:$0x1D000] =	vst v63  }
0x27: {  	p0 =	sne.s32 s19, $0x9C00;
	_ =	swait.ge [sflag:s16], $0x4000  }
.Ltmp0:
0x28: {  	[sflag:s16] =	ssyncset.done $0x0;
	(pc) =	sbr.rel @p0 .LBB2_2-.Ltmp0, $4  }
0x29: {  	s19 =	sadd.s32 $0x2800, s20;
	[sflag:s16] =	ssyncadd.s32 $0xFFFFC000  }
0x2a: {  	[spmem:s2] =	stream.indirect.scatter.add.f32 [tilespmem:s15], [sflag:$0x2], $0x80, s19, s14, $0xb8;
	[tilespmem:$0x1D000] =	vst v63  }
0x2b: {  	_ =	swait.ge [sflag:s10], $0x4000  }
0x2c: {  	s19 =	smov.u32 s21;
	[sflag:s10] =	ssyncset.done $0x0  }
0x2d: {  	s18 =	sshra.s32 s18, $0x2;
	[sflag:s10] =	ssyncadd.s32 $0xFFFFC000  }
0x2e: {  	[tilespmem:s15], [sflag:$0x1] =	stream.indirect.gather [hbm4b:s4+s14], $0x80, s18, s14, $0xb8;
	[tilespmem:$0x1D000] =	vst v63  }
0x2f: {  	_ =	swait.ge [sflag:s16], $0x4000  }
0x30: {  	[sflag:s16] =	ssyncset.done $0x0  }
0x31: {  	s18 =	sadd.s32 $0x2800, s18;
	[sflag:s16] =	ssyncadd.s32 $0xFFFFC000  }
0x32: {  	[spmem:s2] =	stream.indirect.scatter.add.f32 [tilespmem:s15], [sflag:$0x2], $0x80, s18, s14, $0xb8;
	[tilespmem:$0x1D000] =	vst v63  }
0x33: {  	_ =	swait.ge [sflag:s10], $0x4000  }
0x34: {  	s17 =	sadd.s32 $0x1, s17;
	[sflag:s10] =	ssyncset.done $0x0  }
0x35: {  	p0 =	sne.s32 s17, s9;
	[sflag:s10] =	ssyncadd.s32 $0xFFFFC000  }
.Ltmp1:
0x36: {  	[bflag:$0x0] =	sbarrier.arrive $0xFFFF;
	(pc) =	sbr.rel @p0 .LBB2_1-.Ltmp1, $4  }
0x37: {  	[hbm:s8], [sflag:s12] =	dma.local [spmem:s13], $0x2800  }
0x38: {  	_ =	swait.ge [sflag:s10], $0x2800  }
0x39: {  	[sflag:s10] =	ssyncset.done $0x0  }
0x3a: {  	[sflag:s10] =	ssyncadd.s32 $0xFFFFD800  }
0x3b: {  	_ =	sfence.sel $0x180000  }
0x3c: {  	[bflag:$0x0] =	sbarrier.arrive $0xFFFF  }
0x3d: {  	p0 =	sne.s32 s0, $0x0;
	_ =	strace $0x90000050  }
0x3e: {  	s0 =	sadd.s32 @!p0 $0x100000, s1;
	[bflag:$0x2] =	sbarrier.arrive $0xFFFF  }
0x3f: {  	[sflag:s0] =	ssyncadd.tile.s32 @!p0 $0x1;
	_ =	shalt  }
.Lfunc_end2:
_tile_overlayer_lowered:
.L_overlay_start_2:
0x40: {  	(tag) =	ssettag $0x2  }
0x41: {  	s0 =	rddreg [dreg:$0x0];
	s2 =	stileid.u32  }
0x42: {  	s1 =	rddreg [dreg:$0x1];
	p0 =	sne.s32 s2, $0x0  }
0x43: {  	s3 =	rddreg [dreg:$0x2];
	[bflag:$0x3] =	sbarrier.arrive $0xFFFF;
	s2 =	simm.s32 @!p0 $0x1C02  }
0x44: {  	[timem:s3], [sflag:s2] =	dma.local @!p0 [hbm:s0], s1  }
0x45: {  	s0 =	simm.s32 @!p0 $0x2  }
0x46: {  	_ =	swait.ge @!p0 [sflag:s0], s1  }
0x47: {  	s1 =	ssub.s32 @!p0 $0x0, s1;
	[sflag:s0] =	ssyncset.done @!p0 $0x0  }
0x48: {  	[sflag:s0] =	ssyncadd.s32 @!p0 s1  }
0x49: {  	[bflag:$0x3] =	sbarrier.arrive $0xFFFF  }
0x4a: {  	_ =	shalt  }

// kernel: kernel.23.cloned.1.call-start
scs
__scs_entry_jumppad:
0x0: {  	(pc) =	sbr.rel $0x88, $3  }
0x1: {  	(tag) =	ssettag $0x0;
	lr =	simm.s32 $0x1  }
0x2: {  	[smem:$0x3F99] =	sst lr;
	_ =	strace $0xD0000000  }
0x3: {  	_ = 	snop  }
0x4: {  	_ = 	snop  }
0x5: {  	_ = 	snop  }
0x6: {  	_ = 	snop  }
0x7: {  	_ = 	snop  }
__scs_overlays_trampoline_lowered:
0x8: {  	[smem:$0x3FA8] =	sst s0  }
0x9: {  	[smem:$0x3FA9] =	sst s1  }
0xa: {  	[smem:$0x3FAA] =	sst s2  }
0xb: {  	[smem:$0x3FAB] =	sst s3  }
0xc: {  	[smem:$0x3FAC] =	sst s4  }
0xd: {  	[smem:$0x3FAD] =	sst s5  }
0xe: {  	[smem:$0x3FAE] =	sst s6  }
0xf: {  	[smem:$0x3FAF] =	sst s7  }
0x10: {  	[smem:$0x3FB0] =	sst s8  }
0x11: {  	[smem:$0x3FB1] =	sst s9;
	s0 =	simm.s32 @!p0 $0x0  }
0x12: {  	s1 =	sld [smem:$0x3F97];
	s0 =	simm.s32 @p0 $0x1  }
0x13: {  	[smem:$0x3FB2] =	sst s0;
	s0 =	simm.s32 @!p1 $0x0  }
0x14: {  	s2 =	sld [smem:$0x3F96];
	s0 =	simm.s32 @p1 $0x1  }
0x15: {  	[smem:$0x3FB3] =	sst s0;
	s0 =	simm.s32 @!p2 $0x0  }
0x16: {  	s3 =	sld [smem:$0x3FDB];
	s0 =	simm.s32 @p2 $0x1  }
0x17: {  	s4 =	simm.s32 $0x1BF5;
	[smem:$0x3FB5] =	sst s0  }
0x18: {  	s0 =	sld [smem:$0x3F98];
	_ =	swait.ge [sflag:s4], $0x0  }
0x19: {  	s7 =	sld [smem:$0x3F99]  }
0x1a: {  	s8 =	sadd.s32 $0xFFFFE003, lr  }
0x1b: {  	s9 =	sadd.s32 $0xFFFFFEF7, lr;
	s5 =	simm.s32 $0xFFFFFFFF;
	p2 =	slt.u32 s8, $0xFFFFF086  }
0x1c: {  	p1 =	slt.u32 s9, $0xF7A;
	s5 =	simm.s32 @!p2 $0x0  }
0x1d: {  	s5 =	simm.s32 @p1 $0x1;
	p0 =	seq.s32 s7, s2  }
0x1e: {  	s7 =	smul.u32 @!p0 $0xF7A, s2;
	p2 =	seq.s32 @!p0 s5, $0x0  }
0x1f: {  	s9 =	smul.u32 $0xF7A, s1;
	s8 =	simm.s32 @!p0 $0x1BF5;
	p2 =	por !p2, p0  }
0x20: {  	[sflag:s8] =	ssyncset.s32 @!p0 $0xFFFFF086;
	s6 =	sadd.s32 @!p0 s3, s7;
	s7 =	simm.s32 @!p0 $0x108  }
0x21: {  	s3 =	sadd.s32 s3, s9;
	s6 =	sadd.s32 @!p0 $0x88, s6;
	s7 =	simm.s32 @p2 $0x1082  }
0x22: {  	[simem:s7], [sflag:s8] =	dma.local @!p0 [hbm:s6], $0xF7A  }
0x23: {  	s9 =	sor.u32 $0xD0000000, s2;
	s6 =	simm.s32 $0x108;
	_ =	swait.ge @!p0 [sflag:s8], $0x0  }
0x24: {  	s3 =	sadd.s32 $0x88, s3;
	s6 =	simm.s32 @!p1 $0x1082;
	[sflag:s4] =	ssyncset.s32 $0xFFFFF086  }
0x25: {  	[simem:s6], [sflag:s4] =	dma.local [hbm:s3], $0xF7A  }
0x26: {  	[smem:$0x3F99] =	sst s1;
	(tag) =	ssettag s2;
	_ =	strace s9  }
0x27: {  	s1 =	sld [smem:$0x3FA9]  }
0x28: {  	s2 =	sld [smem:$0x3FAA]  }
0x29: {  	s4 =	sld [smem:$0x3FAC]  }
0x2a: {  	p0 =	seq.s32 s5, $0x0;
	s5 =	sld [smem:$0x3FAD]  }
0x2b: {  	s6 =	sld [smem:$0x3FAE]  }
0x2c: {  	s7 =	sld [smem:$0x3FAF]  }
0x2d: {  	s3 =	simm.s32 $0x108;
	s8 =	sld [smem:$0x3FB0]  }
0x2e: {  	s3 =	simm.s32 @!p0 $0x1082;
	s9 =	sld [smem:$0x3FB1]  }
0x2f: {  	lr =	sadd.s32 s0, s3;
	s0 =	sld [smem:$0x3FA8]  }
0x30: {  	s3 =	sld [smem:$0x3FAB]  }
0x31: {  	[smem:$0x3FB4] =	sst s10  }
0x32: {  	s10 =	sld [smem:$0x3FB2];
	_ =	sdelay $0x3  }
0x33: {  	p0 =	seq.s32 s10, $0x1;
	s10 =	sld [smem:$0x3FB4];
	_ =	sdelay $0x3  }
0x34: {  	[smem:$0x3FB4] =	sst s10  }
0x35: {  	s10 =	sld [smem:$0x3FB3];
	_ =	sdelay $0x3  }
0x36: {  	p1 =	seq.s32 s10, $0x1;
	s10 =	sld [smem:$0x3FB4];
	_ =	sdelay $0x3  }
0x37: {  	[smem:$0x3FB4] =	sst s10  }
0x38: {  	s10 =	sld [smem:$0x3FB5]  }
0x39: {  	_ = 	snop;
	(pc) =	sbr.ind lr, $3  }
0x3a: {  	_ = 	snop  }
0x3b: {  	_ = 	snop  }
0x3c: {  	p2 =	seq.s32 s10, $0x1;
	s10 =	sld [smem:$0x3FB4]  }
0x3d: {  	_ =	shalt  }
0x3e: {  	_ =	shalt  }
0x3f: {  	_ =	shalt  }
0x40: {  	_ =	shalt  }
0x41: {  	_ =	shalt  }
0x42: {  	_ =	shalt  }
0x43: {  	_ =	shalt  }
0x44: {  	_ =	shalt  }
0x45: {  	_ =	shalt  }
0x46: {  	_ =	shalt  }
0x47: {  	_ =	shalt  }
0x48: {  	_ =	shalt  }
0x49: {  	_ =	shalt  }
0x4a: {  	_ =	shalt  }
0x4b: {  	_ =	shalt  }
0x4c: {  	_ =	shalt  }
0x4d: {  	_ =	shalt  }
0x4e: {  	_ =	shalt  }
0x4f: {  	_ =	shalt  }
0x50: {  	_ =	shalt  }
0x51: {  	_ =	shalt  }
0x52: {  	_ =	shalt  }
0x53: {  	_ =	shalt  }
0x54: {  	_ =	shalt  }
0x55: {  	_ =	shalt  }
0x56: {  	_ =	shalt  }
0x57: {  	_ =	shalt  }
0x58: {  	_ =	shalt  }
0x59: {  	_ =	shalt  }
0x5a: {  	_ =	shalt  }
0x5b: {  	_ =	shalt  }
0x5c: {  	_ =	shalt  }
0x5d: {  	_ =	shalt  }
0x5e: {  	_ =	shalt  }
0x5f: {  	_ =	shalt  }
0x60: {  	_ =	shalt  }
0x61: {  	_ =	shalt  }
0x62: {  	_ =	shalt  }
0x63: {  	_ =	shalt  }
0x64: {  	_ =	shalt  }
0x65: {  	_ =	shalt  }
0x66: {  	_ =	shalt  }
0x67: {  	_ =	shalt  }
0x68: {  	_ =	shalt  }
0x69: {  	_ =	shalt  }
0x6a: {  	_ =	shalt  }
0x6b: {  	_ =	shalt  }
0x6c: {  	_ =	shalt  }
0x6d: {  	_ =	shalt  }
0x6e: {  	_ =	shalt  }
0x6f: {  	_ =	shalt  }
0x70: {  	_ =	shalt  }
0x71: {  	_ =	shalt  }
0x72: {  	_ =	shalt  }
0x73: {  	_ =	shalt  }
0x74: {  	_ =	shalt  }
0x75: {  	_ =	shalt  }
0x76: {  	_ =	shalt  }
0x77: {  	_ =	shalt  }
0x78: {  	_ =	shalt  }
0x79: {  	_ =	shalt  }
0x7a: {  	_ =	shalt  }
0x7b: {  	_ =	shalt  }
0x7c: {  	_ =	shalt  }
0x7d: {  	_ =	shalt  }
0x7e: {  	_ =	shalt  }
0x7f: {  	_ =	shalt  }
0x80: {  	_ =	shalt  }
0x81: {  	_ =	shalt  }
0x82: {  	_ =	shalt  }
0x83: {  	_ =	shalt  }
0x84: {  	_ =	shalt  }
0x85: {  	_ =	shalt  }
0x86: {  	_ =	shalt  }
0x87: {  	_ =	shalt  }
.Lfunc_end0:
.L_simem_size_0:
called_computation.3_lowered:
.L_overlay_start_0:
0x88: {  	s2 =	sld [smem:$0x3FD9]  }
0x89: {  	s3 =	sld [smem:$0x3FFE];
	_ =	sdelay $0x1  }
0x8a: {  	s1 =	srdreg.scid  }
0x8b: {  	s0 =	sand.u32 $0x1, s1  }
0x8c: {  	s17 =	sshll.u32 s0, $0xA;
	s2 =	sadd.s32 s3, s2  }
0x8d: {  	s2 =	sadd.s32 s2, s17  }
0x8e: {  	[smem:$0x3FC0] =	sst s2  }
0x8f: {  	_ = 	snop  }
0x90: {  	s2 =	sld [smem:$0x3FD0];
	(tm) =	ssettm $0x1  }
0x91: {  	s18 =	sld [smem:$0x3FFB];
	_ =	sdelay $0x3  }
0x92: {  	_ =	strace s18  }
0x93: {  	s3 =	sld [smem:$0x3FFC];
	_ =	sdelay $0x3  }
0x94: {  	_ =	strace s3  }
0x95: {  	s3 =	sld [smem:$0x3FFD];
	_ =	sdelay $0x3  }
0x96: {  	_ =	strace s3  }
0x97: {  	_ =	strace $0x8FFFFFFF  }
0x98: {  	s19 =	sld [smem:$0x3FDB];
	_ =	sdelay $0x1  }
0x99: {  	s4 =	simm.s32 $_scs_section_size  }
0x9a: {  	s5 =	simm.s32 $_size__tile_overlayer_lowered;
	s6 =	simm.s32 $_tile_overlayer_lowered  }
0x9b: {  	s22 =	simm.s32 $0x1BFF;
	s21 =	sshll.u32 s6, $0x1;
	s3 =	sadd.s32 s4, s19  }
0x9c: {  	s7 =	simm.s32 $0x0;
	s20 =	sshll.u32 s5, $0x1;
	s5 =	sadd.s32 s21, s3  }
0x9d: {  	[timem:s7], [sflag:s22] =	dma.local [hbm:s5], s20  }
0x9e: {  	_ =	swait.ge [sflag:s22], s20  }
0x9f: {  	s4 =	ssub.s32 $0x0, s20;
	[sflag:s22] =	ssyncset.done $0x0  }
0xa0: {  	[sflag:s22] =	ssyncadd.s32 s4;
	_ =	sdelay $0x1  }
0xa1: {  	s23 =	simm.s32 $0x1B8B  }
0xa2: {  	_ =	swait.ge [sflag:s23], $0x1  }
0xa3: {  	[sflag:s23] =	ssyncset.done $0x0  }
0xa4: {  	s25 =	simm.s32 $0x1B8E;
	s24 =	sld [smem:$0x3FFE];
	[sflag:s23] =	ssyncadd.s32 $0xFFFFFFFF  }
0xa5: {  	s26 =	simm.s32 $execute0_lowered;
	[smem:$0x3FD2] =	sst s25  }
0xa6: {  	s5 =	sshll.u32 s26, $0x1;
	_ =	strace $0x8000004C;
	[dreg:$0x1] =	wrdreg $0xFFFFFFFF  }
0xa7: {  	s28 =	simm.s32 $_size_execute0_lowered;
	s3 =	sadd.s32 s3, s5;
	[dreg:$0x0] =	wrdreg $0x0  }
0xa8: {  	s5 =	sshll.u32 s28, $0x1;
	[dreg:$0x2] =	wrdreg s3  }
0xa9: {  	[dreg:$0x3] =	wrdreg s5  }
0xaa: {  	[dreg:$0x4] =	wrdreg $0xC0  }
0xab: {  	_ =	task [dreg:s7], $0x5FFFF  }
0xac: {  	[dreg:$0x1] =	wrdreg $0xFFFFFFFF  }
0xad: {  	[dreg:$0x0] =	wrdreg $0x60  }
0xae: {  	[dreg:$0x2] =	wrdreg s24  }
0xaf: {  	[dreg:$0x3] =	wrdreg s2  }
0xb0: {  	[dreg:$0x4] =	wrdreg $0x90000  }
0xb1: {  	[dreg:$0x5] =	wrdreg $0xA  }
0xb2: {  	_ =	task.clear_ibuf [dreg:s7], $0x6FFFF;
	_ =	strace $0x9000004C  }
0xb3: {  	s29 =	simm.s32 $0xA;
	_ =	strace $0x8000004E  }
0xb4: {  	_ =	swait.ge [sflag:s29], $0x1  }
0xb5: {  	[sflag:s29] =	ssyncadd.s32 $0xFFFFFFFF  }
0xb6: {  	_ =	strace $0x9000004E  }
0xb7: {  	_ =	sfence  }
0xb8: {  	s30 =	sld [smem:$0x0];
	_ =	sdelay $0x2  }
0xb9: {  	s31 =	sshll.u32 s1, $0xD;
	s1 =	sshrl.u32 s1, $0x2  }
0xba: {  	s3 =	sand.u32 $0x4000, s31;
	s1 =	sadd.s32 s1, s30  }
0xbb: {  	s0 =	sor.u32 s3, s0;
	s1 =	sshll.u32 s1, $0x11  }
0xbc: {  	s0 =	sor.u32 s1, s0  }
0xbd: {  	s0 =	sadd.s32 $0x8F2B, s0  }
0xbe: {  	[sflag:s0] =	ssyncadd.remote.s32 $0x1  }
0xbf: {  	_ =	sfence.sel $0xFFFF  }
0xc0: {  	[dreg:$0x0] =	wrdreg $0xFFFFFFFF;
	(pc) =	sbr.abs _section_cstart, $3  }
0xc1: {  	[dreg:$0x1] =	wrdreg $0xFFFFFFFF  }
0xc2: {  	_ =	task.clear_ibuf [dreg:s7], $0x2FFFF;
	_ =	strace $0x9FFFFFFF  }
0xc3: {  	(tm) =	ssettm $0x7FFFFFFF  }
tec
execute0_lowered:
.L_overlay_start_1:
0x0: {  	(tag) =	ssettag $0x1  }
0x1: {  	s5 =	rddreg [dreg:$0x0]  }
0x2: {  	s1 =	srdreg.scid;
	s6 =	rddreg [dreg:$0x1]  }
0x3: {  	s0 =	stileid.u32;
	s2 =	rddreg [dreg:$0x2];
	s3 =	simm.s32 $0x0  }
0x4: {  	s15 =	simm.s32 $0x5000;
	s16 =	simm.s32 $0x1;
	s17 =	simm.s32 $0x0  }
0x5: {  	s7 =	sand.u32 $0x1, s1;
	s1 =	rddreg [dreg:$0x3];
	s9 =	smul.u32 $0x14000, s0  }
0x6: {  	s28 =	sshll.u32 s0, $0x1;
	[smem:$0x7FF] =	sst s3;
	s29 =	smul.u32 $0x50000, s0  }
0x7: {  	s31 =	sshll.u32 s0, $0x6;
	s4 =	sor.u32 s7, s28;
	s10 =	smul.u32 $0x140000, s7  }
0x8: {  	_ =	strace $0x8000004D;
	s7 =	ssub.s32 $0x2, s7;
	s8 =	smul.u32 $0x500, s4  }
0x9: {  	s4 =	sadd.s32 $0xDE00, s5;
	s12 =	sshrl.u32 s9, $0x3;
	s13 =	sshrl.u32 s7, $0x1  }
0xa: {  	s30 =	sshrl.u32 s29, $0x2;
	s9 =	sadd.s32 s9, s10;
	s12 =	sadd.s32 s12, s5  }
0xb: {  	s13 =	ssub.s32 s7, s13;
	s14 =	sadd.s32 s30, s2;
	s10 =	simm.s32 $0x2  }
0xc: {  	s11 =	sadd.s32 s8, s5;
	s9 =	sshrl.u32 s9, $0x3;
	s6 =	sadd.s32 s6, s8  }
0xd: {  	s7 =	sadd.s32 $0x35E00, s12;
	s12 =	sor.u32 $0x1C02, s31;
	s9 =	sadd.s32 s9, s5  }
0xe: {  	s5 =	sadd.s32 $0x3E00, s11;
	s11 =	simm.s32 $0x2800;
	s8 =	sadd.s32 $0x85E00, s9  }
0xf: {  	s9 =	smax.u32 s13, $0x1;
	s13 =	sshrl.u32 s14, $0x3;
	s14 =	simm.s32 $0x80  }
.LBB2_1:
0x10: {  	[tilespmem:s3], [sflag:$0x2] =	stream.linear.gather [hbm4b:s5+s3], $0x2780, $0x38;
	[tilespmem:$0x1D000] =	vst v63  }
0x11: {  	_ =	swait.ge [sflag:s10], $0x2780  }
0x12: {  	[sflag:s10] =	ssyncset.done $0x0  }
0x13: {  	[sflag:s10] =	ssyncadd.s32 $0xFFFFD880  }
0x14: {  	[tilespmem:s11], [sflag:$0x2] =	stream.linear.gather [hbm4b:s6+s3], $0x2780, $0x38;
	[tilespmem:$0x1D000] =	vst v63  }
0x15: {  	_ =	swait.ge [sflag:s10], $0x2780  }
0x16: {  	[sflag:s10] =	ssyncset.done $0x0  }
0x17: {  	[sflag:s10] =	ssyncadd.s32 $0xFFFFD880  }
0x18: {  	[spmem:s13], [sflag:s12] =	dma.local [hbm:s7], $0x2800  }
0x19: {  	_ =	swait.ge [sflag:s10], $0x2800  }
0x1a: {  	[sflag:s10] =	ssyncset.done $0x0  }
0x1b: {  	[sflag:s10] =	ssyncadd.s32 $0xFFFFD800  }
0x1c: {  	s18 =	simm.s32 $0x0;
	[bflag:$0x0] =	sbarrier.arrive $0xFFFF  }
0x1d: {  	[tilespmem:s15], [sflag:$0x1] =	stream.indirect.gather [hbm4b:s4+s14], $0x80, s18, s14, $0xb8;
	[tilespmem:$0x1D000] =	vst v63  }
0x1e: {  	_ =	swait.ge [sflag:s16], $0x4000  }
0x1f: {  	[sflag:s16] =	ssyncset.done $0x0  }
0x20: {  	s31 =	simm.s32 $0x2800;
	[sflag:s16] =	ssyncadd.s32 $0xFFFFC000  }
0x21: {  	[spmem:s2] =	stream.indirect.scatter.add.f32 [tilespmem:s15], [sflag:$0x2], $0x80, s31, s14, $0xb8;
	[tilespmem:$0x1D000] =	vst v63  }
0x22: {  	_ =	swait.ge [sflag:s10], $0x4000  }
0x23: {  	s19 =	simm.s32 $0x400;
	s18 =	simm.s32 $0x200;
	[sflag:s10] =	ssyncset.done $0x0  }
.LBB2_2:
0x24: {  	s20 =	sshra.s32 s18, $0x2  }
0x25: {  	[sflag:s10] =	ssyncadd.s32 $0xFFFFC000;
	s18 =	smov.u32 s19;
	s21 =	sadd.s32 $0x200, s19  }
0x26: {  	[tilespmem:s15], [sflag:$0x1] =	stream.indirect.gather [hbm4b:s4+s14], $0x80, s20, s14, $0xb8;
	[tilespmem:$0x1D000] =	vst v63  }
0x27: {  	p0 =	sne.s32 s19, $0x9C00;
	_ =	swait.ge [sflag:s16], $0x4000  }
.Ltmp0:
0x28: {  	[sflag:s16] =	ssyncset.done $0x0;
	(pc) =	sbr.rel @p0 .LBB2_2-.Ltmp0, $4  }
0x29: {  	s19 =	sadd.s32 $0x2800, s20;
	[sflag:s16] =	ssyncadd.s32 $0xFFFFC000  }
0x2a: {  	[spmem:s2] =	stream.indirect.scatter.add.f32 [tilespmem:s15], [sflag:$0x2], $0x80, s19, s14, $0xb8;
	[tilespmem:$0x1D000] =	vst v63  }
0x2b: {  	_ =	swait.ge [sflag:s10], $0x4000  }
0x2c: {  	s19 =	smov.u32 s21;
	[sflag:s10] =	ssyncset.done $0x0  }
0x2d: {  	s18 =	sshra.s32 s18, $0x2;
	[sflag:s10] =	ssyncadd.s32 $0xFFFFC000  }
0x2e: {  	[tilespmem:s15], [sflag:$0x1] =	stream.indirect.gather [hbm4b:s4+s14], $0x80, s18, s14, $0xb8;
	[tilespmem:$0x1D000] =	vst v63  }
0x2f: {  	_ =	swait.ge [sflag:s16], $0x4000  }
0x30: {  	[sflag:s16] =	ssyncset.done $0x0  }
0x31: {  	s18 =	sadd.s32 $0x2800, s18;
	[sflag:s16] =	ssyncadd.s32 $0xFFFFC000  }
0x32: {  	[spmem:s2] =	stream.indirect.scatter.add.f32 [tilespmem:s15], [sflag:$0x2], $0x80, s18, s14, $0xb8;
	[tilespmem:$0x1D000] =	vst v63  }
0x33: {  	_ =	swait.ge [sflag:s10], $0x4000  }
0x34: {  	s17 =	sadd.s32 $0x1, s17;
	[sflag:s10] =	ssyncset.done $0x0  }
0x35: {  	p0 =	sne.s32 s17, s9;
	[sflag:s10] =	ssyncadd.s32 $0xFFFFC000  }
.Ltmp1:
0x36: {  	[bflag:$0x0] =	sbarrier.arrive $0xFFFF;
	(pc) =	sbr.rel @p0 .LBB2_1-.Ltmp1, $4  }
0x37: {  	[hbm:s8], [sflag:s12] =	dma.local [spmem:s13], $0x2800  }
0x38: {  	_ =	swait.ge [sflag:s10], $0x2800  }
0x39: {  	[sflag:s10] =	ssyncset.done $0x0  }
0x3a: {  	[sflag:s10] =	ssyncadd.s32 $0xFFFFD800  }
0x3b: {  	_ =	sfence.sel $0x180000  }
0x3c: {  	[bflag:$0x0] =	sbarrier.arrive $0xFFFF  }
0x3d: {  	p0 =	sne.s32 s0, $0x0;
	_ =	strace $0x9000004D  }
0x3e: {  	s0 =	sadd.s32 @!p0 $0x100000, s1;
	[bflag:$0x2] =	sbarrier.arrive $0xFFFF  }
0x3f: {  	[sflag:s0] =	ssyncadd.tile.s32 @!p0 $0x1;
	_ =	shalt  }
.Lfunc_end2:
_tile_overlayer_lowered:
.L_overlay_start_2:
0x40: {  	(tag) =	ssettag $0x2  }
0x41: {  	s0 =	rddreg [dreg:$0x0];
	s2 =	stileid.u32  }
0x42: {  	s1 =	rddreg [dreg:$0x1];
	p0 =	sne.s32 s2, $0x0  }
0x43: {  	s3 =	rddreg [dreg:$0x2];
	[bflag:$0x3] =	sbarrier.arrive $0xFFFF;
	s2 =	simm.s32 @!p0 $0x1C02  }
0x44: {  	[timem:s3], [sflag:s2] =	dma.local @!p0 [hbm:s0], s1  }
0x45: {  	s0 =	simm.s32 @!p0 $0x2  }
0x46: {  	_ =	swait.ge @!p0 [sflag:s0], s1  }
0x47: {  	s1 =	ssub.s32 @!p0 $0x0, s1;
	[sflag:s0] =	ssyncset.done @!p0 $0x0  }
0x48: {  	[sflag:s0] =	ssyncadd.s32 @!p0 s1  }
0x49: {  	[bflag:$0x3] =	sbarrier.arrive $0xFFFF  }
0x4a: {  	_ =	shalt  }

// kernel: kernel.26.cloned.1.call-start
scs
__scs_entry_jumppad:
0x0: {  	(pc) =	sbr.rel $0x88, $3  }
0x1: {  	(tag) =	ssettag $0x0;
	lr =	simm.s32 $0x1  }
0x2: {  	[smem:$0x3F99] =	sst lr;
	_ =	strace $0xD0000000  }
0x3: {  	_ = 	snop  }
0x4: {  	_ = 	snop  }
0x5: {  	_ = 	snop  }
0x6: {  	_ = 	snop  }
0x7: {  	_ = 	snop  }
__scs_overlays_trampoline_lowered:
0x8: {  	[smem:$0x3FA8] =	sst s0  }
0x9: {  	[smem:$0x3FA9] =	sst s1  }
0xa: {  	[smem:$0x3FAA] =	sst s2  }
0xb: {  	[smem:$0x3FAB] =	sst s3  }
0xc: {  	[smem:$0x3FAC] =	sst s4  }
0xd: {  	[smem:$0x3FAD] =	sst s5  }
0xe: {  	[smem:$0x3FAE] =	sst s6  }
0xf: {  	[smem:$0x3FAF] =	sst s7  }
0x10: {  	[smem:$0x3FB0] =	sst s8  }
0x11: {  	[smem:$0x3FB1] =	sst s9;
	s0 =	simm.s32 @!p0 $0x0  }
0x12: {  	s1 =	sld [smem:$0x3F97];
	s0 =	simm.s32 @p0 $0x1  }
0x13: {  	[smem:$0x3FB2] =	sst s0;
	s0 =	simm.s32 @!p1 $0x0  }
0x14: {  	s2 =	sld [smem:$0x3F96];
	s0 =	simm.s32 @p1 $0x1  }
0x15: {  	[smem:$0x3FB3] =	sst s0;
	s0 =	simm.s32 @!p2 $0x0  }
0x16: {  	s3 =	sld [smem:$0x3FDB];
	s0 =	simm.s32 @p2 $0x1  }
0x17: {  	s4 =	simm.s32 $0x1BF5;
	[smem:$0x3FB5] =	sst s0  }
0x18: {  	s0 =	sld [smem:$0x3F98];
	_ =	swait.ge [sflag:s4], $0x0  }
0x19: {  	s7 =	sld [smem:$0x3F99]  }
0x1a: {  	s8 =	sadd.s32 $0xFFFFE003, lr  }
0x1b: {  	s9 =	sadd.s32 $0xFFFFFEF7, lr;
	s5 =	simm.s32 $0xFFFFFFFF;
	p2 =	slt.u32 s8, $0xFFFFF086  }
0x1c: {  	p1 =	slt.u32 s9, $0xF7A;
	s5 =	simm.s32 @!p2 $0x0  }
0x1d: {  	s5 =	simm.s32 @p1 $0x1;
	p0 =	seq.s32 s7, s2  }
0x1e: {  	s7 =	smul.u32 @!p0 $0xF7A, s2;
	p2 =	seq.s32 @!p0 s5, $0x0  }
0x1f: {  	s9 =	smul.u32 $0xF7A, s1;
	s8 =	simm.s32 @!p0 $0x1BF5;
	p2 =	por !p2, p0  }
0x20: {  	[sflag:s8] =	ssyncset.s32 @!p0 $0xFFFFF086;
	s6 =	sadd.s32 @!p0 s3, s7;
	s7 =	simm.s32 @!p0 $0x108  }
0x21: {  	s3 =	sadd.s32 s3, s9;
	s6 =	sadd.s32 @!p0 $0x88, s6;
	s7 =	simm.s32 @p2 $0x1082  }
0x22: {  	[simem:s7], [sflag:s8] =	dma.local @!p0 [hbm:s6], $0xF7A  }
0x23: {  	s9 =	sor.u32 $0xD0000000, s2;
	s6 =	simm.s32 $0x108;
	_ =	swait.ge @!p0 [sflag:s8], $0x0  }
0x24: {  	s3 =	sadd.s32 $0x88, s3;
	s6 =	simm.s32 @!p1 $0x1082;
	[sflag:s4] =	ssyncset.s32 $0xFFFFF086  }
0x25: {  	[simem:s6], [sflag:s4] =	dma.local [hbm:s3], $0xF7A  }
0x26: {  	[smem:$0x3F99] =	sst s1;
	(tag) =	ssettag s2;
	_ =	strace s9  }
0x27: {  	s1 =	sld [smem:$0x3FA9]  }
0x28: {  	s2 =	sld [smem:$0x3FAA]  }
0x29: {  	s4 =	sld [smem:$0x3FAC]  }
0x2a: {  	p0 =	seq.s32 s5, $0x0;
	s5 =	sld [smem:$0x3FAD]  }
0x2b: {  	s6 =	sld [smem:$0x3FAE]  }
0x2c: {  	s7 =	sld [smem:$0x3FAF]  }
0x2d: {  	s3 =	simm.s32 $0x108;
	s8 =	sld [smem:$0x3FB0]  }
0x2e: {  	s3 =	simm.s32 @!p0 $0x1082;
	s9 =	sld [smem:$0x3FB1]  }
0x2f: {  	lr =	sadd.s32 s0, s3;
	s0 =	sld [smem:$0x3FA8]  }
0x30: {  	s3 =	sld [smem:$0x3FAB]  }
0x31: {  	[smem:$0x3FB4] =	sst s10  }
0x32: {  	s10 =	sld [smem:$0x3FB2];
	_ =	sdelay $0x3  }
0x33: {  	p0 =	seq.s32 s10, $0x1;
	s10 =	sld [smem:$0x3FB4];
	_ =	sdelay $0x3  }
0x34: {  	[smem:$0x3FB4] =	sst s10  }
0x35: {  	s10 =	sld [smem:$0x3FB3];
	_ =	sdelay $0x3  }
0x36: {  	p1 =	seq.s32 s10, $0x1;
	s10 =	sld [smem:$0x3FB4];
	_ =	sdelay $0x3  }
0x37: {  	[smem:$0x3FB4] =	sst s10  }
0x38: {  	s10 =	sld [smem:$0x3FB5]  }
0x39: {  	_ = 	snop;
	(pc) =	sbr.ind lr, $3  }
0x3a: {  	_ = 	snop  }
0x3b: {  	_ = 	snop  }
0x3c: {  	p2 =	seq.s32 s10, $0x1;
	s10 =	sld [smem:$0x3FB4]  }
0x3d: {  	_ =	shalt  }
0x3e: {  	_ =	shalt  }
0x3f: {  	_ =	shalt  }
0x40: {  	_ =	shalt  }
0x41: {  	_ =	shalt  }
0x42: {  	_ =	shalt  }
0x43: {  	_ =	shalt  }
0x44: {  	_ =	shalt  }
0x45: {  	_ =	shalt  }
0x46: {  	_ =	shalt  }
0x47: {  	_ =	shalt  }
0x48: {  	_ =	shalt  }
0x49: {  	_ =	shalt  }
0x4a: {  	_ =	shalt  }
0x4b: {  	_ =	shalt  }
0x4c: {  	_ =	shalt  }
0x4d: {  	_ =	shalt  }
0x4e: {  	_ =	shalt  }
0x4f: {  	_ =	shalt  }
0x50: {  	_ =	shalt  }
0x51: {  	_ =	shalt  }
0x52: {  	_ =	shalt  }
0x53: {  	_ =	shalt  }
0x54: {  	_ =	shalt  }
0x55: {  	_ =	shalt  }
0x56: {  	_ =	shalt  }
0x57: {  	_ =	shalt  }
0x58: {  	_ =	shalt  }
0x59: {  	_ =	shalt  }
0x5a: {  	_ =	shalt  }
0x5b: {  	_ =	shalt  }
0x5c: {  	_ =	shalt  }
0x5d: {  	_ =	shalt  }
0x5e: {  	_ =	shalt  }
0x5f: {  	_ =	shalt  }
0x60: {  	_ =	shalt  }
0x61: {  	_ =	shalt  }
0x62: {  	_ =	shalt  }
0x63: {  	_ =	shalt  }
0x64: {  	_ =	shalt  }
0x65: {  	_ =	shalt  }
0x66: {  	_ =	shalt  }
0x67: {  	_ =	shalt  }
0x68: {  	_ =	shalt  }
0x69: {  	_ =	shalt  }
0x6a: {  	_ =	shalt  }
0x6b: {  	_ =	shalt  }
0x6c: {  	_ =	shalt  }
0x6d: {  	_ =	shalt  }
0x6e: {  	_ =	shalt  }
0x6f: {  	_ =	shalt  }
0x70: {  	_ =	shalt  }
0x71: {  	_ =	shalt  }
0x72: {  	_ =	shalt  }
0x73: {  	_ =	shalt  }
0x74: {  	_ =	shalt  }
0x75: {  	_ =	shalt  }
0x76: {  	_ =	shalt  }
0x77: {  	_ =	shalt  }
0x78: {  	_ =	shalt  }
0x79: {  	_ =	shalt  }
0x7a: {  	_ =	shalt  }
0x7b: {  	_ =	shalt  }
0x7c: {  	_ =	shalt  }
0x7d: {  	_ =	shalt  }
0x7e: {  	_ =	shalt  }
0x7f: {  	_ =	shalt  }
0x80: {  	_ =	shalt  }
0x81: {  	_ =	shalt  }
0x82: {  	_ =	shalt  }
0x83: {  	_ =	shalt  }
0x84: {  	_ =	shalt  }
0x85: {  	_ =	shalt  }
0x86: {  	_ =	shalt  }
0x87: {  	_ =	shalt  }
.Lfunc_end0:
.L_simem_size_0:
called_computation.4_lowered:
.L_overlay_start_0:
0x88: {  	s2 =	sld [smem:$0x3FD9]  }
0x89: {  	s3 =	sld [smem:$0x3FFE];
	_ =	sdelay $0x1  }
0x8a: {  	s1 =	srdreg.scid  }
0x8b: {  	s0 =	sand.u32 $0x1, s1  }
0x8c: {  	s17 =	sshll.u32 s0, $0xA;
	s2 =	sadd.s32 s3, s2  }
0x8d: {  	s2 =	sadd.s32 s2, s17  }
0x8e: {  	[smem:$0x3FC0] =	sst s2  }
0x8f: {  	_ = 	snop  }
0x90: {  	s18 =	sld [smem:$0x3FD0];
	(tm) =	ssettm $0x1  }
0x91: {  	s19 =	sld [smem:$0x3FFB];
	_ =	sdelay $0x3  }
0x92: {  	_ =	strace s19  }
0x93: {  	s2 =	sld [smem:$0x3FFC];
	_ =	sdelay $0x3  }
0x94: {  	_ =	strace s2  }
0x95: {  	s2 =	sld [smem:$0x3FFD];
	_ =	sdelay $0x3  }
0x96: {  	_ =	strace s2  }
0x97: {  	_ =	strace $0x8FFFFFFF  }
0x98: {  	s20 =	sld [smem:$0x3FDB];
	_ =	sdelay $0x1  }
0x99: {  	s4 =	simm.s32 $_scs_section_size  }
0x9a: {  	s5 =	simm.s32 $_size__tile_overlayer_lowered;
	s6 =	simm.s32 $_tile_overlayer_lowered  }
0x9b: {  	s7 =	simm.s32 $0x1BFF;
	s21 =	sshll.u32 s6, $0x1;
	s4 =	sadd.s32 s4, s20  }
0x9c: {  	s22 =	simm.s32 $0x0;
	s5 =	sshll.u32 s5, $0x1;
	s6 =	sadd.s32 s21, s4  }
0x9d: {  	[timem:s22], [sflag:s7] =	dma.local [hbm:s6], s5  }
0x9e: {  	_ =	swait.ge [sflag:s7], s5  }
0x9f: {  	s5 =	ssub.s32 $0x0, s5;
	[sflag:s7] =	ssyncset.done $0x0  }
0xa0: {  	[sflag:s7] =	ssyncadd.s32 s5;
	_ =	sdelay $0x1  }
0xa1: {  	s23 =	simm.s32 $0x1B8B  }
0xa2: {  	_ =	swait.ge [sflag:s23], $0x1  }
0xa3: {  	[sflag:s23] =	ssyncset.done $0x0  }
0xa4: {  	[sflag:s23] =	ssyncadd.s32 $0xFFFFFFFF  }
0xa5: {  	s5 =	sld [smem:$0x0]  }
0xa6: {  	s6 =	sand.u32 $0xFFFFFFFE, s1  }
0xa7: {  	p0 =	sne.s32 s1, s6  }
0xa8: {  	s6 =	sshll.u32 @p0 s6, $0xE  }
0xa9: {  	s6 =	sadd.s32 @p0 $0x11B8D, s6;
	s7 =	sshll.u32 @p0 s5, $0x11  }
0xaa: {  	s6 =	sor.u32 @p0 s7, s6  }
0xab: {  	[sflag:s6] =	ssyncadd.remote.s32 @p0 $0x1;
	_ =	sdelay $0x1  }
0xac: {  	s6 =	simm.s32 @p0 $0x1B8D  }
0xad: {  	_ =	swait.eq @p0 [sflag:s6], $0x1  }
0xae: {  	[sflag:s6] =	ssyncadd.s32 @p0 $0xFFFFFFFF  }
0xaf: {  	s7 =	sshll.u32 @!p0 s1, $0xE  }
0xb0: {  	s7 =	sor.u32 @!p0 $0x4000, s7;
	s6 =	simm.s32 @!p0 $0x1B8D  }
0xb1: {  	s5 =	sshll.u32 @!p0 s5, $0x11;
	s7 =	sadd.s32 @!p0 $0x11B8D, s7;
	_ =	swait.eq @!p0 [sflag:s6], $0x1  }
0xb2: {  	s5 =	sor.u32 @!p0 s5, s7;
	[sflag:s6] =	ssyncadd.s32 @!p0 $0xFFFFFFFF  }
0xb3: {  	s25 =	simm.s32 $0x1B8E;
	s24 =	sld [smem:$0x3FFE];
	[sflag:s5] =	ssyncadd.remote.s32 @!p0 $0x1  }
0xb4: {  	s26 =	simm.s32 $execute0_lowered;
	[smem:$0x3FD2] =	sst s25  }
0xb5: {  	s6 =	sshll.u32 s26, $0x1;
	_ =	strace $0x80000055;
	[dreg:$0x1] =	wrdreg $0xFFFFFFFF  }
0xb6: {  	s28 =	simm.s32 $_size_execute0_lowered;
	s4 =	sadd.s32 s4, s6;
	[dreg:$0x0] =	wrdreg $0x0  }
0xb7: {  	s6 =	sshll.u32 s28, $0x1;
	[dreg:$0x2] =	wrdreg s4  }
0xb8: {  	[dreg:$0x3] =	wrdreg s6  }
0xb9: {  	[dreg:$0x4] =	wrdreg $0xC0  }
0xba: {  	_ =	task [dreg:s22], $0x5FFFF  }
0xbb: {  	[dreg:$0x1] =	wrdreg $0xFFFFFFFF  }
0xbc: {  	[dreg:$0x0] =	wrdreg $0x60  }
0xbd: {  	[dreg:$0x2] =	wrdreg s18  }
0xbe: {  	[dreg:$0x3] =	wrdreg s24  }
0xbf: {  	[dreg:$0x4] =	wrdreg $0x90000  }
0xc0: {  	[dreg:$0x5] =	wrdreg $0x9  }
0xc1: {  	_ =	task.clear_ibuf [dreg:s22], $0x6FFFF;
	_ =	strace $0x90000055  }
0xc2: {  	s29 =	simm.s32 $0x9;
	_ =	strace $0x80000057  }
0xc3: {  	_ =	swait.ge [sflag:s29], $0x1  }
0xc4: {  	[sflag:s29] =	ssyncadd.s32 $0xFFFFFFFF  }
0xc5: {  	_ =	strace $0x90000057  }
0xc6: {  	_ =	sfence  }
0xc7: {  	s30 =	sld [smem:$0x0];
	_ =	sdelay $0x2  }
0xc8: {  	s31 =	sshll.u32 s1, $0xD;
	s1 =	sshrl.u32 s1, $0x2  }
0xc9: {  	s4 =	sand.u32 $0x4000, s31;
	s1 =	sadd.s32 s1, s30  }
0xca: {  	s0 =	sor.u32 s4, s0;
	s1 =	sshll.u32 s1, $0x11  }
0xcb: {  	s0 =	sor.u32 s1, s0  }
0xcc: {  	s0 =	sadd.s32 $0x8F2B, s0  }
0xcd: {  	[sflag:s0] =	ssyncadd.remote.s32 $0x1  }
0xce: {  	_ =	sfence.sel $0xFFFF  }
0xcf: {  	[dreg:$0x0] =	wrdreg $0xFFFFFFFF;
	(pc) =	sbr.abs _section_cstart, $3  }
0xd0: {  	[dreg:$0x1] =	wrdreg $0xFFFFFFFF  }
0xd1: {  	_ =	task.clear_ibuf [dreg:s22], $0x2FFFF;
	_ =	strace $0x9FFFFFFF  }
0xd2: {  	(tm) =	ssettm $0x7FFFFFFF  }
0xd3: {  	_ =	shalt  }
tec
execute0_lowered:
.L_overlay_start_1:
0x0: {  	(tag) =	ssettag $0x1  }
0x1: {  	s5 =	rddreg [dreg:$0x0]  }
0x2: {  	s1 =	srdreg.scid;
	s6 =	rddreg [dreg:$0x1]  }
0x3: {  	s0 =	stileid.u32;
	s2 =	rddreg [dreg:$0x2];
	s3 =	simm.s32 $0x0  }
0x4: {  	s15 =	simm.s32 $0x5000;
	s16 =	simm.s32 $0x1;
	s17 =	simm.s32 $0x0  }
0x5: {  	s7 =	sand.u32 $0x1, s1;
	s1 =	rddreg [dreg:$0x3];
	s9 =	smul.u32 $0x14000, s0  }
0x6: {  	s28 =	sshll.u32 s0, $0x1;
	[smem:$0x7FF] =	sst s3;
	s29 =	smul.u32 $0x50000, s0  }
0x7: {  	s31 =	sshll.u32 s0, $0x6;
	s4 =	sor.u32 s7, s28;
	s10 =	smul.u32 $0x140000, s7  }
0x8: {  	_ =	strace $0x80000056;
	s7 =	ssub.s32 $0x2, s7;
	s8 =	smul.u32 $0x500, s4  }
0x9: {  	s4 =	sadd.s32 $0x5DE00, s6;
	s12 =	sshrl.u32 s9, $0x3;
	s13 =	sshrl.u32 s7, $0x1  }
0xa: {  	s30 =	sshrl.u32 s29, $0x2;
	s9 =	sadd.s32 s9, s10;
	s12 =	sadd.s32 s12, s6  }
0xb: {  	s13 =	ssub.s32 s7, s13;
	s14 =	sadd.s32 s30, s2;
	s10 =	simm.s32 $0x2  }
0xc: {  	s11 =	sadd.s32 s8, s6;
	s9 =	sshrl.u32 s9, $0x3;
	s5 =	sadd.s32 s5, s8  }
0xd: {  	s7 =	sadd.s32 $0x35E00, s12;
	s12 =	sor.u32 $0x1C02, s31;
	s9 =	sadd.s32 s9, s6  }
0xe: {  	s6 =	sadd.s32 $0x3E00, s11;
	s11 =	simm.s32 $0x2800;
	s8 =	sadd.s32 $0xD5E00, s9  }
0xf: {  	s9 =	smax.u32 s13, $0x1;
	s13 =	sshrl.u32 s14, $0x3;
	s14 =	simm.s32 $0x80  }
.LBB2_1:
0x10: {  	[tilespmem:s3], [sflag:$0x2] =	stream.linear.gather [hbm4b:s5+s3], $0x2780, $0x38;
	[tilespmem:$0x1D000] =	vst v63  }
0x11: {  	_ =	swait.ge [sflag:s10], $0x2780  }
0x12: {  	[sflag:s10] =	ssyncset.done $0x0  }
0x13: {  	[sflag:s10] =	ssyncadd.s32 $0xFFFFD880  }
0x14: {  	[tilespmem:s11], [sflag:$0x2] =	stream.linear.gather [hbm4b:s6+s3], $0x2780, $0x38;
	[tilespmem:$0x1D000] =	vst v63  }
0x15: {  	_ =	swait.ge [sflag:s10], $0x2780  }
0x16: {  	[sflag:s10] =	ssyncset.done $0x0  }
0x17: {  	[sflag:s10] =	ssyncadd.s32 $0xFFFFD880  }
0x18: {  	[spmem:s13], [sflag:s12] =	dma.local [hbm:s7], $0x2800  }
0x19: {  	_ =	swait.ge [sflag:s10], $0x2800  }
0x1a: {  	[sflag:s10] =	ssyncset.done $0x0  }
0x1b: {  	[sflag:s10] =	ssyncadd.s32 $0xFFFFD800  }
0x1c: {  	s18 =	simm.s32 $0x0;
	[bflag:$0x0] =	sbarrier.arrive $0xFFFF  }
0x1d: {  	[tilespmem:s15], [sflag:$0x1] =	stream.indirect.gather [hbm4b:s4+s14], $0x80, s18, s14, $0xb8;
	[tilespmem:$0x1D000] =	vst v63  }
0x1e: {  	_ =	swait.ge [sflag:s16], $0x4000  }
0x1f: {  	[sflag:s16] =	ssyncset.done $0x0  }
0x20: {  	s31 =	simm.s32 $0x2800;
	[sflag:s16] =	ssyncadd.s32 $0xFFFFC000  }
0x21: {  	[spmem:s2] =	stream.indirect.scatter.add.f32 [tilespmem:s15], [sflag:$0x2], $0x80, s31, s14, $0xb8;
	[tilespmem:$0x1D000] =	vst v63  }
0x22: {  	_ =	swait.ge [sflag:s10], $0x4000  }
0x23: {  	s19 =	simm.s32 $0x400;
	s18 =	simm.s32 $0x200;
	[sflag:s10] =	ssyncset.done $0x0  }
.LBB2_2:
0x24: {  	s20 =	sshra.s32 s18, $0x2  }
0x25: {  	[sflag:s10] =	ssyncadd.s32 $0xFFFFC000;
	s18 =	smov.u32 s19;
	s21 =	sadd.s32 $0x200, s19  }
0x26: {  	[tilespmem:s15], [sflag:$0x1] =	stream.indirect.gather [hbm4b:s4+s14], $0x80, s20, s14, $0xb8;
	[tilespmem:$0x1D000] =	vst v63  }
0x27: {  	p0 =	sne.s32 s19, $0x9C00;
	_ =	swait.ge [sflag:s16], $0x4000  }
.Ltmp0:
0x28: {  	[sflag:s16] =	ssyncset.done $0x0;
	(pc) =	sbr.rel @p0 .LBB2_2-.Ltmp0, $4  }
0x29: {  	s19 =	sadd.s32 $0x2800, s20;
	[sflag:s16] =	ssyncadd.s32 $0xFFFFC000  }
0x2a: {  	[spmem:s2] =	stream.indirect.scatter.add.f32 [tilespmem:s15], [sflag:$0x2], $0x80, s19, s14, $0xb8;
	[tilespmem:$0x1D000] =	vst v63  }
0x2b: {  	_ =	swait.ge [sflag:s10], $0x4000  }
0x2c: {  	s19 =	smov.u32 s21;
	[sflag:s10] =	ssyncset.done $0x0  }
0x2d: {  	s18 =	sshra.s32 s18, $0x2;
	[sflag:s10] =	ssyncadd.s32 $0xFFFFC000  }
0x2e: {  	[tilespmem:s15], [sflag:$0x1] =	stream.indirect.gather [hbm4b:s4+s14], $0x80, s18, s14, $0xb8;
	[tilespmem:$0x1D000] =	vst v63  }
0x2f: {  	_ =	swait.ge [sflag:s16], $0x4000  }
0x30: {  	[sflag:s16] =	ssyncset.done $0x0  }
0x31: {  	s18 =	sadd.s32 $0x2800, s18;
	[sflag:s16] =	ssyncadd.s32 $0xFFFFC000  }
0x32: {  	[spmem:s2] =	stream.indirect.scatter.add.f32 [tilespmem:s15], [sflag:$0x2], $0x80, s18, s14, $0xb8;
	[tilespmem:$0x1D000] =	vst v63  }
0x33: {  	_ =	swait.ge [sflag:s10], $0x4000  }
0x34: {  	s17 =	sadd.s32 $0x1, s17;
	[sflag:s10] =	ssyncset.done $0x0  }
0x35: {  	p0 =	sne.s32 s17, s9;
	[sflag:s10] =	ssyncadd.s32 $0xFFFFC000  }
.Ltmp1:
0x36: {  	[bflag:$0x0] =	sbarrier.arrive $0xFFFF;
	(pc) =	sbr.rel @p0 .LBB2_1-.Ltmp1, $4  }
0x37: {  	[hbm:s8], [sflag:s12] =	dma.local [spmem:s13], $0x2800  }
0x38: {  	_ =	swait.ge [sflag:s10], $0x2800  }
0x39: {  	[sflag:s10] =	ssyncset.done $0x0  }
0x3a: {  	[sflag:s10] =	ssyncadd.s32 $0xFFFFD800  }
0x3b: {  	_ =	sfence.sel $0x180000  }
0x3c: {  	[bflag:$0x0] =	sbarrier.arrive $0xFFFF  }
0x3d: {  	p0 =	sne.s32 s0, $0x0;
	_ =	strace $0x90000056  }
0x3e: {  	s0 =	sadd.s32 @!p0 $0x100000, s1;
	[bflag:$0x2] =	sbarrier.arrive $0xFFFF  }
0x3f: {  	[sflag:s0] =	ssyncadd.tile.s32 @!p0 $0x1;
	_ =	shalt  }
.Lfunc_end2:
_tile_overlayer_lowered:
.L_overlay_start_2:
0x40: {  	(tag) =	ssettag $0x2  }
0x41: {  	s0 =	rddreg [dreg:$0x0];
	s2 =	stileid.u32  }
0x42: {  	s1 =	rddreg [dreg:$0x1];
	p0 =	sne.s32 s2, $0x0  }
0x43: {  	s3 =	rddreg [dreg:$0x2];
	[bflag:$0x3] =	sbarrier.arrive $0xFFFF;
	s2 =	simm.s32 @!p0 $0x1C02  }
0x44: {  	[timem:s3], [sflag:s2] =	dma.local @!p0 [hbm:s0], s1  }
0x45: {  	s0 =	simm.s32 @!p0 $0x2  }
0x46: {  	_ =	swait.ge @!p0 [sflag:s0], s1  }
0x47: {  	s1 =	ssub.s32 @!p0 $0x0, s1;
	[sflag:s0] =	ssyncset.done @!p0 $0x0  }
0x48: {  	[sflag:s0] =	ssyncadd.s32 @!p0 s1  }
0x49: {  	[bflag:$0x3] =	sbarrier.arrive $0xFFFF  }
0x4a: {  	_ =	shalt  }

// kernel: kernel.29.cloned.1.call-start
scs
__scs_entry_jumppad:
0x0: {  	(pc) =	sbr.rel $0x88, $3  }
0x1: {  	(tag) =	ssettag $0x0;
	lr =	simm.s32 $0x1  }
0x2: {  	[smem:$0x3F99] =	sst lr;
	_ =	strace $0xD0000000  }
0x3: {  	_ = 	snop  }
0x4: {  	_ = 	snop  }
0x5: {  	_ = 	snop  }
0x6: {  	_ = 	snop  }
0x7: {  	_ = 	snop  }
__scs_overlays_trampoline_lowered:
0x8: {  	[smem:$0x3FA8] =	sst s0  }
0x9: {  	[smem:$0x3FA9] =	sst s1  }
0xa: {  	[smem:$0x3FAA] =	sst s2  }
0xb: {  	[smem:$0x3FAB] =	sst s3  }
0xc: {  	[smem:$0x3FAC] =	sst s4  }
0xd: {  	[smem:$0x3FAD] =	sst s5  }
0xe: {  	[smem:$0x3FAE] =	sst s6  }
0xf: {  	[smem:$0x3FAF] =	sst s7  }
0x10: {  	[smem:$0x3FB0] =	sst s8  }
0x11: {  	[smem:$0x3FB1] =	sst s9;
	s0 =	simm.s32 @!p0 $0x0  }
0x12: {  	s1 =	sld [smem:$0x3F97];
	s0 =	simm.s32 @p0 $0x1  }
0x13: {  	[smem:$0x3FB2] =	sst s0;
	s0 =	simm.s32 @!p1 $0x0  }
0x14: {  	s2 =	sld [smem:$0x3F96];
	s0 =	simm.s32 @p1 $0x1  }
0x15: {  	[smem:$0x3FB3] =	sst s0;
	s0 =	simm.s32 @!p2 $0x0  }
0x16: {  	s3 =	sld [smem:$0x3FDB];
	s0 =	simm.s32 @p2 $0x1  }
0x17: {  	s4 =	simm.s32 $0x1BF5;
	[smem:$0x3FB5] =	sst s0  }
0x18: {  	s0 =	sld [smem:$0x3F98];
	_ =	swait.ge [sflag:s4], $0x0  }
0x19: {  	s7 =	sld [smem:$0x3F99]  }
0x1a: {  	s8 =	sadd.s32 $0xFFFFE003, lr  }
0x1b: {  	s9 =	sadd.s32 $0xFFFFFEF7, lr;
	s5 =	simm.s32 $0xFFFFFFFF;
	p2 =	slt.u32 s8, $0xFFFFF086  }
0x1c: {  	p1 =	slt.u32 s9, $0xF7A;
	s5 =	simm.s32 @!p2 $0x0  }
0x1d: {  	s5 =	simm.s32 @p1 $0x1;
	p0 =	seq.s32 s7, s2  }
0x1e: {  	s7 =	smul.u32 @!p0 $0xF7A, s2;
	p2 =	seq.s32 @!p0 s5, $0x0  }
0x1f: {  	s9 =	smul.u32 $0xF7A, s1;
	s8 =	simm.s32 @!p0 $0x1BF5;
	p2 =	por !p2, p0  }
0x20: {  	[sflag:s8] =	ssyncset.s32 @!p0 $0xFFFFF086;
	s6 =	sadd.s32 @!p0 s3, s7;
	s7 =	simm.s32 @!p0 $0x108  }
0x21: {  	s3 =	sadd.s32 s3, s9;
	s6 =	sadd.s32 @!p0 $0x88, s6;
	s7 =	simm.s32 @p2 $0x1082  }
0x22: {  	[simem:s7], [sflag:s8] =	dma.local @!p0 [hbm:s6], $0xF7A  }
0x23: {  	s9 =	sor.u32 $0xD0000000, s2;
	s6 =	simm.s32 $0x108;
	_ =	swait.ge @!p0 [sflag:s8], $0x0  }
0x24: {  	s3 =	sadd.s32 $0x88, s3;
	s6 =	simm.s32 @!p1 $0x1082;
	[sflag:s4] =	ssyncset.s32 $0xFFFFF086  }
0x25: {  	[simem:s6], [sflag:s4] =	dma.local [hbm:s3], $0xF7A  }
0x26: {  	[smem:$0x3F99] =	sst s1;
	(tag) =	ssettag s2;
	_ =	strace s9  }
0x27: {  	s1 =	sld [smem:$0x3FA9]  }
0x28: {  	s2 =	sld [smem:$0x3FAA]  }
0x29: {  	s4 =	sld [smem:$0x3FAC]  }
0x2a: {  	p0 =	seq.s32 s5, $0x0;
	s5 =	sld [smem:$0x3FAD]  }
0x2b: {  	s6 =	sld [smem:$0x3FAE]  }
0x2c: {  	s7 =	sld [smem:$0x3FAF]  }
0x2d: {  	s3 =	simm.s32 $0x108;
	s8 =	sld [smem:$0x3FB0]  }
0x2e: {  	s3 =	simm.s32 @!p0 $0x1082;
	s9 =	sld [smem:$0x3FB1]  }
0x2f: {  	lr =	sadd.s32 s0, s3;
	s0 =	sld [smem:$0x3FA8]  }
0x30: {  	s3 =	sld [smem:$0x3FAB]  }
0x31: {  	[smem:$0x3FB4] =	sst s10  }
0x32: {  	s10 =	sld [smem:$0x3FB2];
	_ =	sdelay $0x3  }
0x33: {  	p0 =	seq.s32 s10, $0x1;
	s10 =	sld [smem:$0x3FB4];
	_ =	sdelay $0x3  }
0x34: {  	[smem:$0x3FB4] =	sst s10  }
0x35: {  	s10 =	sld [smem:$0x3FB3];
	_ =	sdelay $0x3  }
0x36: {  	p1 =	seq.s32 s10, $0x1;
	s10 =	sld [smem:$0x3FB4];
	_ =	sdelay $0x3  }
0x37: {  	[smem:$0x3FB4] =	sst s10  }
0x38: {  	s10 =	sld [smem:$0x3FB5]  }
0x39: {  	_ = 	snop;
	(pc) =	sbr.ind lr, $3  }
0x3a: {  	_ = 	snop  }
0x3b: {  	_ = 	snop  }
0x3c: {  	p2 =	seq.s32 s10, $0x1;
	s10 =	sld [smem:$0x3FB4]  }
0x3d: {  	_ =	shalt  }
0x3e: {  	_ =	shalt  }
0x3f: {  	_ =	shalt  }
0x40: {  	_ =	shalt  }
0x41: {  	_ =	shalt  }
0x42: {  	_ =	shalt  }
0x43: {  	_ =	shalt  }
0x44: {  	_ =	shalt  }
0x45: {  	_ =	shalt  }
0x46: {  	_ =	shalt  }
0x47: {  	_ =	shalt  }
0x48: {  	_ =	shalt  }
0x49: {  	_ =	shalt  }
0x4a: {  	_ =	shalt  }
0x4b: {  	_ =	shalt  }
0x4c: {  	_ =	shalt  }
0x4d: {  	_ =	shalt  }
0x4e: {  	_ =	shalt  }
0x4f: {  	_ =	shalt  }
0x50: {  	_ =	shalt  }
0x51: {  	_ =	shalt  }
0x52: {  	_ =	shalt  }
0x53: {  	_ =	shalt  }
0x54: {  	_ =	shalt  }
0x55: {  	_ =	shalt  }
0x56: {  	_ =	shalt  }
0x57: {  	_ =	shalt  }
0x58: {  	_ =	shalt  }
0x59: {  	_ =	shalt  }
0x5a: {  	_ =	shalt  }
0x5b: {  	_ =	shalt  }
0x5c: {  	_ =	shalt  }
0x5d: {  	_ =	shalt  }
0x5e: {  	_ =	shalt  }
0x5f: {  	_ =	shalt  }
0x60: {  	_ =	shalt  }
0x61: {  	_ =	shalt  }
0x62: {  	_ =	shalt  }
0x63: {  	_ =	shalt  }
0x64: {  	_ =	shalt  }
0x65: {  	_ =	shalt  }
0x66: {  	_ =	shalt  }
0x67: {  	_ =	shalt  }
0x68: {  	_ =	shalt  }
0x69: {  	_ =	shalt  }
0x6a: {  	_ =	shalt  }
0x6b: {  	_ =	shalt  }
0x6c: {  	_ =	shalt  }
0x6d: {  	_ =	shalt  }
0x6e: {  	_ =	shalt  }
0x6f: {  	_ =	shalt  }
0x70: {  	_ =	shalt  }
0x71: {  	_ =	shalt  }
0x72: {  	_ =	shalt  }
0x73: {  	_ =	shalt  }
0x74: {  	_ =	shalt  }
0x75: {  	_ =	shalt  }
0x76: {  	_ =	shalt  }
0x77: {  	_ =	shalt  }
0x78: {  	_ =	shalt  }
0x79: {  	_ =	shalt  }
0x7a: {  	_ =	shalt  }
0x7b: {  	_ =	shalt  }
0x7c: {  	_ =	shalt  }
0x7d: {  	_ =	shalt  }
0x7e: {  	_ =	shalt  }
0x7f: {  	_ =	shalt  }
0x80: {  	_ =	shalt  }
0x81: {  	_ =	shalt  }
0x82: {  	_ =	shalt  }
0x83: {  	_ =	shalt  }
0x84: {  	_ =	shalt  }
0x85: {  	_ =	shalt  }
0x86: {  	_ =	shalt  }
0x87: {  	_ =	shalt  }
.Lfunc_end0:
.L_simem_size_0:
called_computation.5_lowered:
.L_overlay_start_0:
0x88: {  	s2 =	sld [smem:$0x3FD9]  }
0x89: {  	s3 =	sld [smem:$0x3FFE];
	_ =	sdelay $0x1  }
0x8a: {  	s1 =	srdreg.scid  }
0x8b: {  	s0 =	sand.u32 $0x1, s1  }
0x8c: {  	s17 =	sshll.u32 s0, $0xA;
	s2 =	sadd.s32 s3, s2  }
0x8d: {  	s2 =	sadd.s32 s2, s17  }
0x8e: {  	[smem:$0x3FC0] =	sst s2  }
0x8f: {  	_ = 	snop  }
0x90: {  	s18 =	sld [smem:$0x3FD0];
	(tm) =	ssettm $0x1  }
0x91: {  	s19 =	sld [smem:$0x3FFB];
	_ =	sdelay $0x3  }
0x92: {  	_ =	strace s19  }
0x93: {  	s2 =	sld [smem:$0x3FFC];
	_ =	sdelay $0x3  }
0x94: {  	_ =	strace s2  }
0x95: {  	s2 =	sld [smem:$0x3FFD];
	_ =	sdelay $0x3  }
0x96: {  	_ =	strace s2  }
0x97: {  	_ =	strace $0x8FFFFFFF  }
0x98: {  	s20 =	sld [smem:$0x3FDB];
	_ =	sdelay $0x1  }
0x99: {  	s4 =	simm.s32 $_scs_section_size  }
0x9a: {  	s5 =	simm.s32 $_size__tile_overlayer_lowered;
	s6 =	simm.s32 $_tile_overlayer_lowered  }
0x9b: {  	s7 =	simm.s32 $0x1BFF;
	s21 =	sshll.u32 s6, $0x1;
	s4 =	sadd.s32 s4, s20  }
0x9c: {  	s22 =	simm.s32 $0x0;
	s5 =	sshll.u32 s5, $0x1;
	s6 =	sadd.s32 s21, s4  }
0x9d: {  	[timem:s22], [sflag:s7] =	dma.local [hbm:s6], s5  }
0x9e: {  	_ =	swait.ge [sflag:s7], s5  }
0x9f: {  	s5 =	ssub.s32 $0x0, s5;
	[sflag:s7] =	ssyncset.done $0x0  }
0xa0: {  	[sflag:s7] =	ssyncadd.s32 s5;
	_ =	sdelay $0x1  }
0xa1: {  	s23 =	simm.s32 $0x1B8B  }
0xa2: {  	_ =	swait.ge [sflag:s23], $0x1  }
0xa3: {  	[sflag:s23] =	ssyncset.done $0x0  }
0xa4: {  	[sflag:s23] =	ssyncadd.s32 $0xFFFFFFFF  }
0xa5: {  	s5 =	sld [smem:$0x0]  }
0xa6: {  	s6 =	sand.u32 $0xFFFFFFFE, s1  }
0xa7: {  	p0 =	sne.s32 s1, s6  }
0xa8: {  	s6 =	sshll.u32 @p0 s6, $0xE  }
0xa9: {  	s6 =	sadd.s32 @p0 $0x11B8D, s6;
	s7 =	sshll.u32 @p0 s5, $0x11  }
0xaa: {  	s6 =	sor.u32 @p0 s7, s6  }
0xab: {  	[sflag:s6] =	ssyncadd.remote.s32 @p0 $0x1;
	_ =	sdelay $0x1  }
0xac: {  	s6 =	simm.s32 @p0 $0x1B8D  }
0xad: {  	_ =	swait.eq @p0 [sflag:s6], $0x1  }
0xae: {  	[sflag:s6] =	ssyncadd.s32 @p0 $0xFFFFFFFF  }
0xaf: {  	s7 =	sshll.u32 @!p0 s1, $0xE  }
0xb0: {  	s7 =	sor.u32 @!p0 $0x4000, s7;
	s6 =	simm.s32 @!p0 $0x1B8D  }
0xb1: {  	s5 =	sshll.u32 @!p0 s5, $0x11;
	s7 =	sadd.s32 @!p0 $0x11B8D, s7;
	_ =	swait.eq @!p0 [sflag:s6], $0x1  }
0xb2: {  	s5 =	sor.u32 @!p0 s5, s7;
	[sflag:s6] =	ssyncadd.s32 @!p0 $0xFFFFFFFF  }
0xb3: {  	s25 =	simm.s32 $0x1B8E;
	s24 =	sld [smem:$0x3FFE];
	[sflag:s5] =	ssyncadd.remote.s32 @!p0 $0x1  }
0xb4: {  	s26 =	simm.s32 $execute0_lowered;
	[smem:$0x3FD2] =	sst s25  }
0xb5: {  	s6 =	sshll.u32 s26, $0x1;
	_ =	strace $0x80000052;
	[dreg:$0x1] =	wrdreg $0xFFFFFFFF  }
0xb6: {  	s28 =	simm.s32 $_size_execute0_lowered;
	s4 =	sadd.s32 s4, s6;
	[dreg:$0x0] =	wrdreg $0x0  }
0xb7: {  	s6 =	sshll.u32 s28, $0x1;
	[dreg:$0x2] =	wrdreg s4  }
0xb8: {  	[dreg:$0x3] =	wrdreg s6  }
0xb9: {  	[dreg:$0x4] =	wrdreg $0xC0  }
0xba: {  	_ =	task [dreg:s22], $0x5FFFF  }
0xbb: {  	[dreg:$0x1] =	wrdreg $0xFFFFFFFF  }
0xbc: {  	[dreg:$0x0] =	wrdreg $0x60  }
0xbd: {  	[dreg:$0x2] =	wrdreg s18  }
0xbe: {  	[dreg:$0x3] =	wrdreg s24  }
0xbf: {  	[dreg:$0x4] =	wrdreg $0x90000  }
0xc0: {  	[dreg:$0x5] =	wrdreg $0xA  }
0xc1: {  	_ =	task.clear_ibuf [dreg:s22], $0x6FFFF;
	_ =	strace $0x90000052  }
0xc2: {  	s29 =	simm.s32 $0xA;
	_ =	strace $0x80000054  }
0xc3: {  	_ =	swait.ge [sflag:s29], $0x1  }
0xc4: {  	[sflag:s29] =	ssyncadd.s32 $0xFFFFFFFF  }
0xc5: {  	_ =	strace $0x90000054  }
0xc6: {  	_ =	sfence  }
0xc7: {  	s30 =	sld [smem:$0x0];
	_ =	sdelay $0x2  }
0xc8: {  	s31 =	sshll.u32 s1, $0xD;
	s1 =	sshrl.u32 s1, $0x2  }
0xc9: {  	s4 =	sand.u32 $0x4000, s31;
	s1 =	sadd.s32 s1, s30  }
0xca: {  	s0 =	sor.u32 s4, s0;
	s1 =	sshll.u32 s1, $0x11  }
0xcb: {  	s0 =	sor.u32 s1, s0  }
0xcc: {  	s0 =	sadd.s32 $0x8F2B, s0  }
0xcd: {  	[sflag:s0] =	ssyncadd.remote.s32 $0x1  }
0xce: {  	_ =	sfence.sel $0xFFFF  }
0xcf: {  	[dreg:$0x0] =	wrdreg $0xFFFFFFFF;
	(pc) =	sbr.abs _section_cstart, $3  }
0xd0: {  	[dreg:$0x1] =	wrdreg $0xFFFFFFFF  }
0xd1: {  	_ =	task.clear_ibuf [dreg:s22], $0x2FFFF;
	_ =	strace $0x9FFFFFFF  }
0xd2: {  	(tm) =	ssettm $0x7FFFFFFF  }
0xd3: {  	_ =	shalt  }
tec
execute0_lowered:
.L_overlay_start_1:
0x0: {  	(tag) =	ssettag $0x1  }
0x1: {  	s5 =	rddreg [dreg:$0x0]  }
0x2: {  	s1 =	srdreg.scid;
	s6 =	rddreg [dreg:$0x1]  }
0x3: {  	s0 =	stileid.u32;
	s2 =	rddreg [dreg:$0x2];
	s3 =	simm.s32 $0x0  }
0x4: {  	s15 =	simm.s32 $0x5000;
	s16 =	simm.s32 $0x1;
	s17 =	simm.s32 $0x0  }
0x5: {  	s7 =	sand.u32 $0x1, s1;
	s1 =	rddreg [dreg:$0x3];
	s9 =	smul.u32 $0x14000, s0  }
0x6: {  	s28 =	sshll.u32 s0, $0x1;
	[smem:$0x7FF] =	sst s3;
	s29 =	smul.u32 $0x50000, s0  }
0x7: {  	s31 =	sshll.u32 s0, $0x6;
	s4 =	sor.u32 s7, s28;
	s10 =	smul.u32 $0x140000, s7  }
0x8: {  	_ =	strace $0x80000053;
	s7 =	ssub.s32 $0x2, s7;
	s8 =	smul.u32 $0x500, s4  }
0x9: {  	s4 =	sadd.s32 $0xDE00, s6;
	s12 =	sshrl.u32 s9, $0x3;
	s13 =	sshrl.u32 s7, $0x1  }
0xa: {  	s30 =	sshrl.u32 s29, $0x2;
	s9 =	sadd.s32 s9, s10;
	s12 =	sadd.s32 s12, s6  }
0xb: {  	s13 =	ssub.s32 s7, s13;
	s14 =	sadd.s32 s30, s2;
	s10 =	simm.s32 $0x2  }
0xc: {  	s11 =	sadd.s32 s8, s6;
	s9 =	sshrl.u32 s9, $0x3;
	s5 =	sadd.s32 s5, s8  }
0xd: {  	s7 =	sadd.s32 $0x35E00, s12;
	s12 =	sor.u32 $0x1C02, s31;
	s9 =	sadd.s32 s9, s6  }
0xe: {  	s6 =	sadd.s32 $0x3E00, s11;
	s11 =	simm.s32 $0x2800;
	s8 =	sadd.s32 $0x85E00, s9  }
0xf: {  	s9 =	smax.u32 s13, $0x1;
	s13 =	sshrl.u32 s14, $0x3;
	s14 =	simm.s32 $0x80  }
.LBB2_1:
0x10: {  	[tilespmem:s3], [sflag:$0x2] =	stream.linear.gather [hbm4b:s5+s3], $0x2780, $0x38;
	[tilespmem:$0x1D000] =	vst v63  }
0x11: {  	_ =	swait.ge [sflag:s10], $0x2780  }
0x12: {  	[sflag:s10] =	ssyncset.done $0x0  }
0x13: {  	[sflag:s10] =	ssyncadd.s32 $0xFFFFD880  }
0x14: {  	[tilespmem:s11], [sflag:$0x2] =	stream.linear.gather [hbm4b:s6+s3], $0x2780, $0x38;
	[tilespmem:$0x1D000] =	vst v63  }
0x15: {  	_ =	swait.ge [sflag:s10], $0x2780  }
0x16: {  	[sflag:s10] =	ssyncset.done $0x0  }
0x17: {  	[sflag:s10] =	ssyncadd.s32 $0xFFFFD880  }
0x18: {  	[spmem:s13], [sflag:s12] =	dma.local [hbm:s7], $0x2800  }
0x19: {  	_ =	swait.ge [sflag:s10], $0x2800  }
0x1a: {  	[sflag:s10] =	ssyncset.done $0x0  }
0x1b: {  	[sflag:s10] =	ssyncadd.s32 $0xFFFFD800  }
0x1c: {  	s18 =	simm.s32 $0x0;
	[bflag:$0x0] =	sbarrier.arrive $0xFFFF  }
0x1d: {  	[tilespmem:s15], [sflag:$0x1] =	stream.indirect.gather [hbm4b:s4+s14], $0x80, s18, s14, $0xb8;
	[tilespmem:$0x1D000] =	vst v63  }
0x1e: {  	_ =	swait.ge [sflag:s16], $0x4000  }
0x1f: {  	[sflag:s16] =	ssyncset.done $0x0  }
0x20: {  	s31 =	simm.s32 $0x2800;
	[sflag:s16] =	ssyncadd.s32 $0xFFFFC000  }
0x21: {  	[spmem:s2] =	stream.indirect.scatter.add.f32 [tilespmem:s15], [sflag:$0x2], $0x80, s31, s14, $0xb8;
	[tilespmem:$0x1D000] =	vst v63  }
0x22: {  	_ =	swait.ge [sflag:s10], $0x4000  }
0x23: {  	s19 =	simm.s32 $0x400;
	s18 =	simm.s32 $0x200;
	[sflag:s10] =	ssyncset.done $0x0  }
.LBB2_2:
0x24: {  	s20 =	sshra.s32 s18, $0x2  }
0x25: {  	[sflag:s10] =	ssyncadd.s32 $0xFFFFC000;
	s18 =	smov.u32 s19;
	s21 =	sadd.s32 $0x200, s19  }
0x26: {  	[tilespmem:s15], [sflag:$0x1] =	stream.indirect.gather [hbm4b:s4+s14], $0x80, s20, s14, $0xb8;
	[tilespmem:$0x1D000] =	vst v63  }
0x27: {  	p0 =	sne.s32 s19, $0x9C00;
	_ =	swait.ge [sflag:s16], $0x4000  }
.Ltmp0:
0x28: {  	[sflag:s16] =	ssyncset.done $0x0;
	(pc) =	sbr.rel @p0 .LBB2_2-.Ltmp0, $4  }
0x29: {  	s19 =	sadd.s32 $0x2800, s20;
	[sflag:s16] =	ssyncadd.s32 $0xFFFFC000  }
0x2a: {  	[spmem:s2] =	stream.indirect.scatter.add.f32 [tilespmem:s15], [sflag:$0x2], $0x80, s19, s14, $0xb8;
	[tilespmem:$0x1D000] =	vst v63  }
0x2b: {  	_ =	swait.ge [sflag:s10], $0x4000  }
0x2c: {  	s19 =	smov.u32 s21;
	[sflag:s10] =	ssyncset.done $0x0  }
0x2d: {  	s18 =	sshra.s32 s18, $0x2;
	[sflag:s10] =	ssyncadd.s32 $0xFFFFC000  }
0x2e: {  	[tilespmem:s15], [sflag:$0x1] =	stream.indirect.gather [hbm4b:s4+s14], $0x80, s18, s14, $0xb8;
	[tilespmem:$0x1D000] =	vst v63  }
0x2f: {  	_ =	swait.ge [sflag:s16], $0x4000  }
0x30: {  	[sflag:s16] =	ssyncset.done $0x0  }
0x31: {  	s18 =	sadd.s32 $0x2800, s18;
	[sflag:s16] =	ssyncadd.s32 $0xFFFFC000  }
0x32: {  	[spmem:s2] =	stream.indirect.scatter.add.f32 [tilespmem:s15], [sflag:$0x2], $0x80, s18, s14, $0xb8;
	[tilespmem:$0x1D000] =	vst v63  }
0x33: {  	_ =	swait.ge [sflag:s10], $0x4000  }
0x34: {  	s17 =	sadd.s32 $0x1, s17;
	[sflag:s10] =	ssyncset.done $0x0  }
0x35: {  	p0 =	sne.s32 s17, s9;
	[sflag:s10] =	ssyncadd.s32 $0xFFFFC000  }
.Ltmp1:
0x36: {  	[bflag:$0x0] =	sbarrier.arrive $0xFFFF;
	(pc) =	sbr.rel @p0 .LBB2_1-.Ltmp1, $4  }
0x37: {  	[hbm:s8], [sflag:s12] =	dma.local [spmem:s13], $0x2800  }
0x38: {  	_ =	swait.ge [sflag:s10], $0x2800  }
0x39: {  	[sflag:s10] =	ssyncset.done $0x0  }
0x3a: {  	[sflag:s10] =	ssyncadd.s32 $0xFFFFD800  }
0x3b: {  	_ =	sfence.sel $0x180000  }
0x3c: {  	[bflag:$0x0] =	sbarrier.arrive $0xFFFF  }
0x3d: {  	p0 =	sne.s32 s0, $0x0;
	_ =	strace $0x90000053  }
0x3e: {  	s0 =	sadd.s32 @!p0 $0x100000, s1;
	[bflag:$0x2] =	sbarrier.arrive $0xFFFF  }
0x3f: {  	[sflag:s0] =	ssyncadd.tile.s32 @!p0 $0x1;
	_ =	shalt  }
.Lfunc_end2:
_tile_overlayer_lowered:
.L_overlay_start_2:
0x40: {  	(tag) =	ssettag $0x2  }
0x41: {  	s0 =	rddreg [dreg:$0x0];
	s2 =	stileid.u32  }
0x42: {  	s1 =	rddreg [dreg:$0x1];
	p0 =	sne.s32 s2, $0x0  }
0x43: {  	s3 =	rddreg [dreg:$0x2];
	[bflag:$0x3] =	sbarrier.arrive $0xFFFF;
	s2 =	simm.s32 @!p0 $0x1C02  }
0x44: {  	[timem:s3], [sflag:s2] =	dma.local @!p0 [hbm:s0], s1  }
0x45: {  	s0 =	simm.s32 @!p0 $0x2  }
0x46: {  	_ =	swait.ge @!p0 [sflag:s0], s1  }
0x47: {  	s1 =	ssub.s32 @!p0 $0x0, s1;
	[sflag:s0] =	ssyncset.done @!p0 $0x0  }
0x48: {  	[sflag:s0] =	ssyncadd.s32 @!p0 s1  }
0x49: {  	[bflag:$0x3] =	sbarrier.arrive $0xFFFF  }
0x4a: {  	_ =	shalt  }

</sc_bundles>
